<compile_context>
chip_gen: v7x
topology: tpu7x:2x2x1
jax: 0.10.2.dev20260603
libtpu: 0.0.44.dev20260713+nightly
codegen_flags: <defaults>
</compile_context>

<pallas_src>
import functools

import jax
import jax.numpy as jnp
from jax import lax
from jax.experimental import pallas as pl
from jax.experimental.pallas import tpu as pltpu
from jax.experimental.pallas import tpu_sc as plsc

B = 16384
D = 64
V = 100000
NC, NS = 2, 16
NW = NC * NS
BPW = B // NW
CHUNK = 128
NCH = BPW // CHUNK
H1 = 128
H2 = 64
PACK_BK = 4096


def _pack_body(um_ref, ua_ref, im_ref, ia_ref, uc_ref, ic_ref):
    eye = jnp.eye(D, dtype=jnp.float32)

    def tr(x):
        return jax.lax.dot_general(x, eye, (((0,), (0,)), ((), ())),
                                   preferred_element_type=jnp.float32)

    uc_ref[...] = jnp.concatenate(
        [tr(um_ref[...]), tr(ua_ref[...])], axis=1)
    ic_ref[...] = jnp.concatenate(
        [tr(im_ref[...]), tr(ia_ref[...])], axis=1)


def _tc_pack(um_t, ua_t, im_t, ia_t):
    spec_in = pl.BlockSpec((D, PACK_BK), lambda i: (0, i))
    spec_out = pl.BlockSpec((PACK_BK, 128), lambda i: (i, 0))
    shp = jax.ShapeDtypeStruct((V, 128), jnp.float32)
    return pl.pallas_call(
        _pack_body,
        grid=(pl.cdiv(V, PACK_BK),),
        in_specs=[spec_in] * 4,
        out_specs=[spec_out] * 2,
        out_shape=[shp] * 2,
    )(um_t, ua_t, im_t, ia_t)


def _sc_gather(idx3, uc, ic):
    mesh = plsc.VectorSubcoreMesh(core_axis_name="c", subcore_axis_name="s")

    @functools.partial(
        pl.kernel,
        out_type=(jax.ShapeDtypeStruct((B, 128), jnp.float32),
                  jax.ShapeDtypeStruct((2, B, 128), jnp.float32)),
        mesh=mesh,
        scratch_types=[
            pltpu.VMEM((6, NCH, CHUNK), jnp.int32),
            pltpu.VMEM((2, CHUNK, 128), jnp.float32),
            pltpu.SemaphoreType.DMA,
            pltpu.SemaphoreType.DMA,
            pltpu.SemaphoreType.DMA,
        ],
        compiler_params=pltpu.CompilerParams(use_tc_tiling_on_sc=False),
    )
    def k(idx_hbm, uc_hbm, ic_hbm, gm_hbm, ga_hbm, idx_v, buf, gsem,
          ssem0, ssem1):
        wid = lax.axis_index("s") * NC + lax.axis_index("c")
        gbase = wid * NCH
        pltpu.sync_copy(idx_hbm.at[pl.ds(0, 6), pl.ds(gbase, NCH)], idx_v)

        def dst(s, c):
            rows = pl.ds(wid * BPW + c * CHUNK, CHUNK)
            if s == 0:
                return gm_hbm.at[rows, pl.ds(0, D)]
            if s == 1:
                return gm_hbm.at[rows, pl.ds(D, D)]
            j = (s - 2) & 1
            half = 0 if s < 4 else D
            return ga_hbm.at[j, rows, pl.ds(half, D)]

        tables = [uc_hbm, ic_hbm, uc_hbm, uc_hbm, ic_hbm, ic_hbm]
        halves = [0, 0, D, D, D, D]
        steps = [(s, c) for s in range(6) for c in range(NCH)]
        ssems = [ssem0, ssem1]
        store = [None, None]
        gath = [None, None]
        for n in range(len(steps) + 1):
            if n < len(steps):
                bsel = n & 1
                if store[bsel] is not None:
                    store[bsel].wait()
                s, c = steps[n]
                gath[bsel] = pltpu.async_copy(
                    tables[s].at[idx_v.at[s, c]], buf.at[bsel], gsem)
            if n >= 1:
                pb = (n - 1) & 1
                gath[pb].wait()
                s, c = steps[n - 1]
                store[pb] = pltpu.async_copy(
                    buf.at[pb, :, pl.ds(halves[s], D)], dst(s, c), ssems[pb])
        for bsel in range(2):
            if store[bsel] is not None:
                store[bsel].wait()

    return k(idx3, uc, ic)


def _tc_body(wos_ref, bo_ref, gm_ref, ga_ref, w1_ref, b1_ref, w2_ref, b2_ref,
             woh_ref, out_ref):
    h = jnp.dot(gm_ref[...], w1_ref[...], preferred_element_type=jnp.float32)
    h = jnp.maximum(h + b1_ref[...], 0.0)
    h = jnp.dot(h, w2_ref[...], preferred_element_type=jnp.float32)
    h = jnp.maximum(h + b2_ref[...], 0.0)

    rows = jax.lax.broadcasted_iota(jnp.int32, (3 * D, 3), 0) // D
    cols = jax.lax.broadcasted_iota(jnp.int32, (3 * D, 3), 1)
    seg = jnp.where(rows == cols, 1.0, 0.0).astype(jnp.float32)

    def cos(j):
        x = ga_ref[j, :, :D]
        y = ga_ref[j, :, D:]
        p = jnp.concatenate([x * y, x * x, y * y], axis=1)
        m = jnp.dot(p, seg, preferred_element_type=jnp.float32)
        num = m[:, 0:1]
        den = jnp.sqrt(m[:, 1:2]) * jnp.sqrt(m[:, 2:3])
        return num / jnp.maximum(den, 1e-8)

    logit = jnp.dot(h, woh_ref[...], preferred_element_type=jnp.float32)
    out_ref[...] = (logit + cos(0) * wos_ref[0] + cos(1) * wos_ref[1]
                    + bo_ref[0])


def _tc_mlp(gm, ga, w1, b1, w2, b2, wos, woh, bo, interpret=False):
    bk = 2048
    return pl.pallas_call(
        _tc_body,
        grid=(B // bk,),
        in_specs=[
            pl.BlockSpec(memory_space=pltpu.SMEM),
            pl.BlockSpec(memory_space=pltpu.SMEM),
            pl.BlockSpec((bk, 128), lambda i: (i, 0)),
            pl.BlockSpec((2, bk, 128), lambda i: (0, i, 0)),
            pl.BlockSpec((H1, H1), lambda i: (0, 0)),
            pl.BlockSpec((1, H1), lambda i: (0, 0)),
            pl.BlockSpec((H1, H2), lambda i: (0, 0)),
            pl.BlockSpec((1, H2), lambda i: (0, 0)),
            pl.BlockSpec((H2, 1), lambda i: (0, 0)),
        ],
        out_specs=pl.BlockSpec((bk, 1), lambda i: (i, 0)),
        out_shape=jax.ShapeDtypeStruct((B, 1), jnp.float32),
        interpret=interpret,
    )(wos, bo, gm, ga, w1, b1, w2, b2, woh)


def kernel(user, item, emb_user_mlp, emb_item_mlp, emb_user_ac, emb_item_ac,
           W1, b1, W2, b2, Wo, bo):
    idx3 = jnp.stack([
        user[:, 0], item[:, 0],
        user[:, 1], user[:, 2],
        item[:, 1], item[:, 2],
    ]).reshape(6, B // CHUNK, CHUNK)
    uc, ic = _tc_pack(emb_user_mlp.T, emb_user_ac.T, emb_item_mlp.T,
                      emb_item_ac.T)
    gm, ga = _sc_gather(idx3, uc, ic)
    return _tc_mlp(gm, ga, W1, b1.reshape(1, H1), W2, b2.reshape(1, H2),
                   Wo[:2, 0], Wo[2:, :], bo)

# --- scband reference (transcript-rebuilt; emitter-appended) ---
"""Pipeline reference for scband-ldcf-70927089926679 (READ-ONLY COPY).

The authoritative reference and input builder live on the scoring server;
editing this copy changes nothing except your own understanding.
"""

import jax, jax.numpy as jnp
import numpy as np

B = 16384
V_USER = 100000
V_ITEM = 100000
V_USER_AC = 100000
V_ITEM_AC = 100000
D = 64
LAYERS = [128, 128, 64]


def setup_inputs(seed: int = 0) -> dict:
    key = jax.random.key(seed)
    ks = [jax.random.fold_in(key, i) for i in range(16)]
    user = jax.random.randint(ks[0], (B, 3), 0, V_USER, dtype=jnp.int64 if jax.config.jax_enable_x64 else jnp.int32).astype(jnp.int32)
    item = jax.random.randint(ks[1], (B, 3), 0, V_ITEM, dtype=jnp.int64 if jax.config.jax_enable_x64 else jnp.int32).astype(jnp.int32)
    emb_user_mlp = jax.random.normal(ks[2], (V_USER, D), dtype=jnp.float32) * 0.05
    emb_item_mlp = jax.random.normal(ks[3], (V_ITEM, D), dtype=jnp.float32) * 0.05
    emb_user_ac = jax.random.normal(ks[4], (V_USER_AC, D), dtype=jnp.float32) * 0.05
    emb_item_ac = jax.random.normal(ks[5], (V_ITEM_AC, D), dtype=jnp.float32) * 0.05
    W1 = jax.random.normal(ks[6], (LAYERS[0], LAYERS[1]), dtype=jnp.float32) * (1.0 / np.sqrt(LAYERS[0]))
    b1 = jnp.zeros((LAYERS[1],), dtype=jnp.float32)
    W2 = jax.random.normal(ks[7], (LAYERS[1], LAYERS[2]), dtype=jnp.float32) * (1.0 / np.sqrt(LAYERS[1]))
    b2 = jnp.zeros((LAYERS[2],), dtype=jnp.float32)
    Wo = jax.random.normal(ks[8], (2 + LAYERS[-1], 1), dtype=jnp.float32) * (1.0 / np.sqrt(2 + LAYERS[-1]))
    bo = jnp.zeros((1,), dtype=jnp.float32)
    return {"user": user, "item": item,
            "emb_user_mlp": emb_user_mlp, "emb_item_mlp": emb_item_mlp,
            "emb_user_ac": emb_user_ac, "emb_item_ac": emb_item_ac,
            "W1": W1, "b1": b1, "W2": W2, "b2": b2, "Wo": Wo, "bo": bo}


def reference(user, item, emb_user_mlp, emb_item_mlp, emb_user_ac, emb_item_ac, W1, b1, W2, b2, Wo, bo):
    user_id = user[:, 0]
    user_lc = user[:, 1:3]
    item_id = item[:, 0]
    item_lc = item[:, 1:3]
    user_embedding_mlp = jnp.take(emb_user_mlp, user_id, axis=0)
    item_embedding_mlp = jnp.take(emb_item_mlp, item_id, axis=0)
    user_embedding_ac = jnp.take(emb_user_ac, user_lc, axis=0)
    item_embedding_ac = jnp.take(emb_item_ac, item_lc, axis=0)
    # F.cosine_similarity(dim=-1) with eps=1e-8
    num = jnp.sum(user_embedding_ac * item_embedding_ac, axis=-1)
    na = jnp.sqrt(jnp.sum(user_embedding_ac * user_embedding_ac, axis=-1))
    nb = jnp.sqrt(jnp.sum(item_embedding_ac * item_embedding_ac, axis=-1))
    sim_vec = num / jnp.maximum(na * nb, 1e-8)  # [B, 2]
    mlp_vec = jnp.concatenate([user_embedding_mlp, item_embedding_mlp], axis=-1)
    mlp_vec = jax.nn.relu(mlp_vec @ W1 + b1)
    mlp_vec = jax.nn.relu(mlp_vec @ W2 + b2)
    vector = jnp.concatenate([sim_vec, mlp_vec], axis=-1)
    logits = vector @ Wo + bo
    return logits

if __name__ == "__main__":
    import jax
    _d = setup_inputs()
    print(jax.jit(kernel)(*tuple(_d.values())))

</pallas_src>

<mosaic_0001>
#map = affine_map<(d0, d1) -> (0, 0, 0)>
#map1 = affine_map<(d0, d1) -> (0, 0)>
module attributes {stable_mosaic.version = 14 : i64} {
  func.func @k(%arg0: i32, %arg1: i32, %arg2: memref<6x128x128xi32, #tpu.memory_space<hbm>>, %arg3: memref<100000x128xf32, #tpu.memory_space<hbm>>, %arg4: memref<100000x128xf32, #tpu.memory_space<hbm>>, %arg5: memref<16384x128xf32, #tpu.memory_space<hbm>>, %arg6: memref<2x16384x128xf32, #tpu.memory_space<hbm>>, %arg7: memref<6x4x128xi32, #tpu.memory_space<vmem>>, %arg8: memref<2x128x128xf32, #tpu.memory_space<vmem>>, %arg9: memref<!tpu.dma_semaphore, #tpu.memory_space<semaphore_mem>>, %arg10: memref<!tpu.dma_semaphore, #tpu.memory_space<semaphore_mem>>, %arg11: memref<!tpu.dma_semaphore, #tpu.memory_space<semaphore_mem>>) attributes {dimension_semantics = [#tpu.dimension_semantics<core_parallel>, #tpu.dimension_semantics<subcore_parallel>], iteration_bounds = array<i64: 2, 16>, scalar_prefetch = 0 : i64, scratch_operands = 5 : i64, tpu.core_type = #tpu.core_type<sc_vector_subcore>, window_params = [{transform_indices = #map}, {transform_indices = #map1}, {transform_indices = #map1}, {transform_indices = #map1}, {transform_indices = #map}]} {
    %mul3A = arith.constant 2 : i32
    %mul3A_0 = arith.muli %arg1, %mul3A : i32
    %add3A = arith.addi %mul3A_0, %arg0 : i32
    %mul3A_1 = arith.constant 4 : i32
    %mul3A_2 = arith.muli %add3A, %mul3A_1 : i32
    "tpu.region"() ({
      %run_scoped3A = tpu.sem_alloc : memref<!tpu.dma_semaphore, #tpu.memory_space<semaphore_mem>>
      %dma_start3A_1441 = arith.constant 0 : i32
      %dma_start3A_1442 = arith.constant 0 : i32
      %dma_start3A_1443 = tpu.memref_slice %arg2[%dma_start3A_1441, %mul3A_2, %dma_start3A_1442] : memref<6x128x128xi32, #tpu.memory_space<hbm>> -> memref<6x4x128xi32, #tpu.memory_space<hbm>>
      %dma_start3A_1444 = arith.constant 0 : i32
      %dma_start3A_1445 = arith.constant 0 : i32
      %dma_start3A_1446 = tpu.memref_slice %arg2[%dma_start3A_1444, %mul3A_2, %dma_start3A_1445] : memref<6x128x128xi32, #tpu.memory_space<hbm>> -> memref<6x4x128xi32, #tpu.memory_space<hbm>>
      tpu.enqueue_dma source(%dma_start3A_1446 : memref<6x4x128xi32, #tpu.memory_space<hbm>>) target(%arg7 : memref<6x4x128xi32, #tpu.memory_space<vmem>>) target_semaphore(%run_scoped3A : memref<!tpu.dma_semaphore, #tpu.memory_space<semaphore_mem>>)
      %dma_wait3A_1447 = arith.constant 0 : i32
      %dma_wait3A_1448 = arith.constant 0 : i32
      %dma_wait3A_1449 = tpu.memref_slice %arg2[%dma_wait3A_1447, %mul3A_2, %dma_wait3A_1448] : memref<6x128x128xi32, #tpu.memory_space<hbm>> -> memref<6x4x128xi32, #tpu.memory_space<hbm>>
      %dma_wait3A_1450 = arith.constant 0 : i32
      %dma_wait3A_1451 = arith.constant 0 : i32
      %dma_wait3A_1452 = tpu.memref_slice %arg2[%dma_wait3A_1450, %mul3A_2, %dma_wait3A_1451] : memref<6x128x128xi32, #tpu.memory_space<hbm>> -> memref<6x4x128xi32, #tpu.memory_space<hbm>>
      tpu.wait_dma2 semaphore(%run_scoped3A : memref<!tpu.dma_semaphore, #tpu.memory_space<semaphore_mem>>) src(%dma_wait3A_1452 : memref<6x4x128xi32, #tpu.memory_space<hbm>>) dst(%arg7 : memref<6x4x128xi32, #tpu.memory_space<vmem>>)
      tpu.yield
    }) : () -> ()
    %dma_start3A = arith.constant 0 : i32
    %dma_start3A_3 = arith.constant 0 : i32
    %dma_start3A_4 = arith.constant 0 : i32
    %dma_start3A_5 = arith.constant 0 : i32
    %dma_start3A_6 = arith.constant 0 : i32
    %dma_start3A_7 = tpu.memref_slice %arg8[%dma_start3A_4, %dma_start3A_5, %dma_start3A_6] : memref<2x128x128xf32, #tpu.memory_space<vmem>> -> memref<1x128x128xf32, #tpu.memory_space<vmem>>
    %dma_start3A_8 = tpu.memref_squeeze %dma_start3A_7 : memref<1x128x128xf32, #tpu.memory_space<vmem>> -> memref<128x128xf32, #tpu.memory_space<vmem>>
    %dma_start3A_9 = arith.constant 0 : i32
    %dma_start3A_10 = tpu.memref_slice %arg7[%dma_start3A, %dma_start3A_3, %dma_start3A_9] : memref<6x4x128xi32, #tpu.memory_space<vmem>> -> memref<1x1x128xi32, #tpu.memory_space<vmem>>
    %dma_start3A_11 = tpu.memref_squeeze %dma_start3A_10 : memref<1x1x128xi32, #tpu.memory_space<vmem>> -> memref<128xi32, #tpu.memory_space<vmem>>
    %dma_start3A_12 = arith.constant 0 : i32
    %dma_start3A_13 = arith.constant 0 : i32
    %dma_start3A_14 = tpu.memref_slice %arg3[%dma_start3A_12, %dma_start3A_13] : memref<100000x128xf32, #tpu.memory_space<hbm>> -> memref<100000x128xf32, #tpu.memory_space<hbm>>
    tpu.enqueue_indirect_dma source(%dma_start3A_14 : memref<100000x128xf32, #tpu.memory_space<hbm>>) target(%dma_start3A_8 : memref<128x128xf32, #tpu.memory_space<vmem>>) offsets(%dma_start3A_11 : memref<128xi32, #tpu.memory_space<vmem>>) semaphore(%arg9 : memref<!tpu.dma_semaphore, #tpu.memory_space<semaphore_mem>>)
    %dma_start3A_15 = arith.constant 0 : i32
    %dma_start3A_16 = arith.constant 1 : i32
    %dma_start3A_17 = arith.constant 1 : i32
    %dma_start3A_18 = arith.constant 0 : i32
    %dma_start3A_19 = arith.constant 0 : i32
    %dma_start3A_20 = tpu.memref_slice %arg8[%dma_start3A_17, %dma_start3A_18, %dma_start3A_19] : memref<2x128x128xf32, #tpu.memory_space<vmem>> -> memref<1x128x128xf32, #tpu.memory_space<vmem>>
    %dma_start3A_21 = tpu.memref_squeeze %dma_start3A_20 : memref<1x128x128xf32, #tpu.memory_space<vmem>> -> memref<128x128xf32, #tpu.memory_space<vmem>>
    %dma_start3A_22 = arith.constant 0 : i32
    %dma_start3A_23 = tpu.memref_slice %arg7[%dma_start3A_15, %dma_start3A_16, %dma_start3A_22] : memref<6x4x128xi32, #tpu.memory_space<vmem>> -> memref<1x1x128xi32, #tpu.memory_space<vmem>>
    %dma_start3A_24 = tpu.memref_squeeze %dma_start3A_23 : memref<1x1x128xi32, #tpu.memory_space<vmem>> -> memref<128xi32, #tpu.memory_space<vmem>>
    %dma_start3A_25 = arith.constant 0 : i32
    %dma_start3A_26 = arith.constant 0 : i32
    %dma_start3A_27 = tpu.memref_slice %arg3[%dma_start3A_25, %dma_start3A_26] : memref<100000x128xf32, #tpu.memory_space<hbm>> -> memref<100000x128xf32, #tpu.memory_space<hbm>>
    tpu.enqueue_indirect_dma source(%dma_start3A_27 : memref<100000x128xf32, #tpu.memory_space<hbm>>) target(%dma_start3A_21 : memref<128x128xf32, #tpu.memory_space<vmem>>) offsets(%dma_start3A_24 : memref<128xi32, #tpu.memory_space<vmem>>) semaphore(%arg9 : memref<!tpu.dma_semaphore, #tpu.memory_space<semaphore_mem>>)
    %dma_wait3A = arith.constant 0 : i32
    %dma_wait3A_28 = arith.constant 0 : i32
    %dma_wait3A_29 = arith.constant 0 : i32
    %dma_wait3A_30 = arith.constant 0 : i32
    %dma_wait3A_31 = arith.constant 0 : i32
    %dma_wait3A_32 = tpu.memref_slice %arg8[%dma_wait3A_29, %dma_wait3A_30, %dma_wait3A_31] : memref<2x128x128xf32, #tpu.memory_space<vmem>> -> memref<1x128x128xf32, #tpu.memory_space<vmem>>
    %dma_wait3A_33 = tpu.memref_squeeze %dma_wait3A_32 : memref<1x128x128xf32, #tpu.memory_space<vmem>> -> memref<128x128xf32, #tpu.memory_space<vmem>>
    %dma_wait3A_34 = arith.constant 0 : i32
    %dma_wait3A_35 = tpu.memref_slice %arg7[%dma_wait3A, %dma_wait3A_28, %dma_wait3A_34] : memref<6x4x128xi32, #tpu.memory_space<vmem>> -> memref<1x1x128xi32, #tpu.memory_space<vmem>>
    %dma_wait3A_36 = tpu.memref_squeeze %dma_wait3A_35 : memref<1x1x128xi32, #tpu.memory_space<vmem>> -> memref<128xi32, #tpu.memory_space<vmem>>
    %dma_wait3A_37 = arith.constant 0 : i32
    %dma_wait3A_38 = arith.constant 0 : i32
    %dma_wait3A_39 = tpu.memref_slice %arg3[%dma_wait3A_37, %dma_wait3A_38] : memref<100000x128xf32, #tpu.memory_space<hbm>> -> memref<100000x128xf32, #tpu.memory_space<hbm>>
    tpu.wait_indirect_dma semaphore(%arg9 : memref<!tpu.dma_semaphore, #tpu.memory_space<semaphore_mem>>) src(%dma_wait3A_39 : memref<100000x128xf32, #tpu.memory_space<hbm>>) dst(%dma_wait3A_33 : memref<128x128xf32, #tpu.memory_space<vmem>>)
    %mul3A_40 = arith.constant 512 : i32
    %mul3A_41 = arith.muli %add3A, %mul3A_40 : i32
    %add3A_42 = arith.constant 0 : i32
    %add3A_43 = arith.addi %mul3A_41, %add3A_42 : i32
    %dma_start3A_44 = arith.constant 0 : i32
    %dma_start3A_45 = arith.constant 0 : i32
    %dma_start3A_46 = arith.constant 0 : i32
    %dma_start3A_47 = tpu.memref_slice %arg8[%dma_start3A_44, %dma_start3A_45, %dma_start3A_46] : memref<2x128x128xf32, #tpu.memory_space<vmem>> -> memref<1x128x64xf32, #tpu.memory_space<vmem>>
    %dma_start3A_48 = tpu.memref_squeeze %dma_start3A_47 : memref<1x128x64xf32, #tpu.memory_space<vmem>> -> memref<128x64xf32, #tpu.memory_space<vmem>>
    %dma_start3A_49 = arith.constant 0 : i32
    %dma_start3A_50 = tpu.memref_slice %arg5[%add3A_43, %dma_start3A_49] : memref<16384x128xf32, #tpu.memory_space<hbm>> -> memref<128x64xf32, #tpu.memory_space<hbm>>
    %dma_start3A_51 = arith.constant 0 : i32
    %dma_start3A_52 = tpu.memref_slice %arg5[%add3A_43, %dma_start3A_51] : memref<16384x128xf32, #tpu.memory_space<hbm>> -> memref<128x64xf32, #tpu.memory_space<hbm>>
    %dma_start3A_53 = arith.constant 0 : i32
    %dma_start3A_54 = arith.constant 0 : i32
    %dma_start3A_55 = tpu.memref_slice %arg8[%dma_start3A_44, %dma_start3A_53, %dma_start3A_54] : memref<2x128x128xf32, #tpu.memory_space<vmem>> -> memref<1x128x64xf32, #tpu.memory_space<vmem>>
    %dma_start3A_56 = tpu.memref_squeeze %dma_start3A_55 : memref<1x128x64xf32, #tpu.memory_space<vmem>> -> memref<128x64xf32, #tpu.memory_space<vmem>>
    tpu.enqueue_dma source(%dma_start3A_56 : memref<128x64xf32, #tpu.memory_space<vmem>>) target(%dma_start3A_52 : memref<128x64xf32, #tpu.memory_space<hbm>>) target_semaphore(%arg10 : memref<!tpu.dma_semaphore, #tpu.memory_space<semaphore_mem>>)
    %dma_wait3A_57 = arith.constant 0 : i32
    %dma_wait3A_58 = arith.constant 0 : i32
    %dma_wait3A_59 = arith.constant 0 : i32
    %dma_wait3A_60 = tpu.memref_slice %arg8[%dma_wait3A_57, %dma_wait3A_58, %dma_wait3A_59] : memref<2x128x128xf32, #tpu.memory_space<vmem>> -> memref<1x128x64xf32, #tpu.memory_space<vmem>>
    %dma_wait3A_61 = tpu.memref_squeeze %dma_wait3A_60 : memref<1x128x64xf32, #tpu.memory_space<vmem>> -> memref<128x64xf32, #tpu.memory_space<vmem>>
    %dma_wait3A_62 = arith.constant 0 : i32
    %dma_wait3A_63 = tpu.memref_slice %arg5[%add3A_43, %dma_wait3A_62] : memref<16384x128xf32, #tpu.memory_space<hbm>> -> memref<128x64xf32, #tpu.memory_space<hbm>>
    %dma_wait3A_64 = arith.constant 0 : i32
    %dma_wait3A_65 = tpu.memref_slice %arg5[%add3A_43, %dma_wait3A_64] : memref<16384x128xf32, #tpu.memory_space<hbm>> -> memref<128x64xf32, #tpu.memory_space<hbm>>
    %dma_wait3A_66 = arith.constant 0 : i32
    %dma_wait3A_67 = arith.constant 0 : i32
    %dma_wait3A_68 = tpu.memref_slice %arg8[%dma_wait3A_57, %dma_wait3A_66, %dma_wait3A_67] : memref<2x128x128xf32, #tpu.memory_space<vmem>> -> memref<1x128x64xf32, #tpu.memory_space<vmem>>
    %dma_wait3A_69 = tpu.memref_squeeze %dma_wait3A_68 : memref<1x128x64xf32, #tpu.memory_space<vmem>> -> memref<128x64xf32, #tpu.memory_space<vmem>>
    tpu.wait_dma2 semaphore(%arg10 : memref<!tpu.dma_semaphore, #tpu.memory_space<semaphore_mem>>) src(%dma_wait3A_69 : memref<128x64xf32, #tpu.memory_space<vmem>>) dst(%dma_wait3A_65 : memref<128x64xf32, #tpu.memory_space<hbm>>)
    %dma_start3A_70 = arith.constant 0 : i32
    %dma_start3A_71 = arith.constant 2 : i32
    %dma_start3A_72 = arith.constant 0 : i32
    %dma_start3A_73 = arith.constant 0 : i32
    %dma_start3A_74 = arith.constant 0 : i32
    %dma_start3A_75 = tpu.memref_slice %arg8[%dma_start3A_72, %dma_start3A_73, %dma_start3A_74] : memref<2x128x128xf32, #tpu.memory_space<vmem>> -> memref<1x128x128xf32, #tpu.memory_space<vmem>>
    %dma_start3A_76 = tpu.memref_squeeze %dma_start3A_75 : memref<1x128x128xf32, #tpu.memory_space<vmem>> -> memref<128x128xf32, #tpu.memory_space<vmem>>
    %dma_start3A_77 = arith.constant 0 : i32
    %dma_start3A_78 = tpu.memref_slice %arg7[%dma_start3A_70, %dma_start3A_71, %dma_start3A_77] : memref<6x4x128xi32, #tpu.memory_space<vmem>> -> memref<1x1x128xi32, #tpu.memory_space<vmem>>
    %dma_start3A_79 = tpu.memref_squeeze %dma_start3A_78 : memref<1x1x128xi32, #tpu.memory_space<vmem>> -> memref<128xi32, #tpu.memory_space<vmem>>
    %dma_start3A_80 = arith.constant 0 : i32
    %dma_start3A_81 = arith.constant 0 : i32
    %dma_start3A_82 = tpu.memref_slice %arg3[%dma_start3A_80, %dma_start3A_81] : memref<100000x128xf32, #tpu.memory_space<hbm>> -> memref<100000x128xf32, #tpu.memory_space<hbm>>
    tpu.enqueue_indirect_dma source(%dma_start3A_82 : memref<100000x128xf32, #tpu.memory_space<hbm>>) target(%dma_start3A_76 : memref<128x128xf32, #tpu.memory_space<vmem>>) offsets(%dma_start3A_79 : memref<128xi32, #tpu.memory_space<vmem>>) semaphore(%arg9 : memref<!tpu.dma_semaphore, #tpu.memory_space<semaphore_mem>>)
    %dma_wait3A_83 = arith.constant 0 : i32
    %dma_wait3A_84 = arith.constant 1 : i32
    %dma_wait3A_85 = arith.constant 1 : i32
    %dma_wait3A_86 = arith.constant 0 : i32
    %dma_wait3A_87 = arith.constant 0 : i32
    %dma_wait3A_88 = tpu.memref_slice %arg8[%dma_wait3A_85, %dma_wait3A_86, %dma_wait3A_87] : memref<2x128x128xf32, #tpu.memory_space<vmem>> -> memref<1x128x128xf32, #tpu.memory_space<vmem>>
    %dma_wait3A_89 = tpu.memref_squeeze %dma_wait3A_88 : memref<1x128x128xf32, #tpu.memory_space<vmem>> -> memref<128x128xf32, #tpu.memory_space<vmem>>
    %dma_wait3A_90 = arith.constant 0 : i32
    %dma_wait3A_91 = tpu.memref_slice %arg7[%dma_wait3A_83, %dma_wait3A_84, %dma_wait3A_90] : memref<6x4x128xi32, #tpu.memory_space<vmem>> -> memref<1x1x128xi32, #tpu.memory_space<vmem>>
    %dma_wait3A_92 = tpu.memref_squeeze %dma_wait3A_91 : memref<1x1x128xi32, #tpu.memory_space<vmem>> -> memref<128xi32, #tpu.memory_space<vmem>>
    %dma_wait3A_93 = arith.constant 0 : i32
    %dma_wait3A_94 = arith.constant 0 : i32
    %dma_wait3A_95 = tpu.memref_slice %arg3[%dma_wait3A_93, %dma_wait3A_94] : memref<100000x128xf32, #tpu.memory_space<hbm>> -> memref<100000x128xf32, #tpu.memory_space<hbm>>
    tpu.wait_indirect_dma semaphore(%arg9 : memref<!tpu.dma_semaphore, #tpu.memory_space<semaphore_mem>>) src(%dma_wait3A_95 : memref<100000x128xf32, #tpu.memory_space<hbm>>) dst(%dma_wait3A_89 : memref<128x128xf32, #tpu.memory_space<vmem>>)
    %mul3A_96 = arith.constant 512 : i32
    %mul3A_97 = arith.muli %add3A, %mul3A_96 : i32
    %add3A_98 = arith.constant 128 : i32
    %add3A_99 = arith.addi %mul3A_97, %add3A_98 : i32
    %dma_start3A_100 = arith.constant 1 : i32
    %dma_start3A_101 = arith.constant 0 : i32
    %dma_start3A_102 = arith.constant 0 : i32
    %dma_start3A_103 = tpu.memref_slice %arg8[%dma_start3A_100, %dma_start3A_101, %dma_start3A_102] : memref<2x128x128xf32, #tpu.memory_space<vmem>> -> memref<1x128x64xf32, #tpu.memory_space<vmem>>
    %dma_start3A_104 = tpu.memref_squeeze %dma_start3A_103 : memref<1x128x64xf32, #tpu.memory_space<vmem>> -> memref<128x64xf32, #tpu.memory_space<vmem>>
    %dma_start3A_105 = arith.constant 0 : i32
    %dma_start3A_106 = tpu.memref_slice %arg5[%add3A_99, %dma_start3A_105] : memref<16384x128xf32, #tpu.memory_space<hbm>> -> memref<128x64xf32, #tpu.memory_space<hbm>>
    %dma_start3A_107 = arith.constant 0 : i32
    %dma_start3A_108 = tpu.memref_slice %arg5[%add3A_99, %dma_start3A_107] : memref<16384x128xf32, #tpu.memory_space<hbm>> -> memref<128x64xf32, #tpu.memory_space<hbm>>
    %dma_start3A_109 = arith.constant 0 : i32
    %dma_start3A_110 = arith.constant 0 : i32
    %dma_start3A_111 = tpu.memref_slice %arg8[%dma_start3A_100, %dma_start3A_109, %dma_start3A_110] : memref<2x128x128xf32, #tpu.memory_space<vmem>> -> memref<1x128x64xf32, #tpu.memory_space<vmem>>
    %dma_start3A_112 = tpu.memref_squeeze %dma_start3A_111 : memref<1x128x64xf32, #tpu.memory_space<vmem>> -> memref<128x64xf32, #tpu.memory_space<vmem>>
    tpu.enqueue_dma source(%dma_start3A_112 : memref<128x64xf32, #tpu.memory_space<vmem>>) target(%dma_start3A_108 : memref<128x64xf32, #tpu.memory_space<hbm>>) target_semaphore(%arg11 : memref<!tpu.dma_semaphore, #tpu.memory_space<semaphore_mem>>)
    %dma_wait3A_113 = arith.constant 1 : i32
    %dma_wait3A_114 = arith.constant 0 : i32
    %dma_wait3A_115 = arith.constant 0 : i32
    %dma_wait3A_116 = tpu.memref_slice %arg8[%dma_wait3A_113, %dma_wait3A_114, %dma_wait3A_115] : memref<2x128x128xf32, #tpu.memory_space<vmem>> -> memref<1x128x64xf32, #tpu.memory_space<vmem>>
    %dma_wait3A_117 = tpu.memref_squeeze %dma_wait3A_116 : memref<1x128x64xf32, #tpu.memory_space<vmem>> -> memref<128x64xf32, #tpu.memory_space<vmem>>
    %dma_wait3A_118 = arith.constant 0 : i32
    %dma_wait3A_119 = tpu.memref_slice %arg5[%add3A_99, %dma_wait3A_118] : memref<16384x128xf32, #tpu.memory_space<hbm>> -> memref<128x64xf32, #tpu.memory_space<hbm>>
    %dma_wait3A_120 = arith.constant 0 : i32
    %dma_wait3A_121 = tpu.memref_slice %arg5[%add3A_99, %dma_wait3A_120] : memref<16384x128xf32, #tpu.memory_space<hbm>> -> memref<128x64xf32, #tpu.memory_space<hbm>>
    %dma_wait3A_122 = arith.constant 0 : i32
    %dma_wait3A_123 = arith.constant 0 : i32
    %dma_wait3A_124 = tpu.memref_slice %arg8[%dma_wait3A_113, %dma_wait3A_122, %dma_wait3A_123] : memref<2x128x128xf32, #tpu.memory_space<vmem>> -> memref<1x128x64xf32, #tpu.memory_space<vmem>>
    %dma_wait3A_125 = tpu.memref_squeeze %dma_wait3A_124 : memref<1x128x64xf32, #tpu.memory_space<vmem>> -> memref<128x64xf32, #tpu.memory_space<vmem>>
    tpu.wait_dma2 semaphore(%arg11 : memref<!tpu.dma_semaphore, #tpu.memory_space<semaphore_mem>>) src(%dma_wait3A_125 : memref<128x64xf32, #tpu.memory_space<vmem>>) dst(%dma_wait3A_121 : memref<128x64xf32, #tpu.memory_space<hbm>>)
    %dma_start3A_126 = arith.constant 0 : i32
    %dma_start3A_127 = arith.constant 3 : i32
    %dma_start3A_128 = arith.constant 1 : i32
    %dma_start3A_129 = arith.constant 0 : i32
    %dma_start3A_130 = arith.constant 0 : i32
    %dma_start3A_131 = tpu.memref_slice %arg8[%dma_start3A_128, %dma_start3A_129, %dma_start3A_130] : memref<2x128x128xf32, #tpu.memory_space<vmem>> -> memref<1x128x128xf32, #tpu.memory_space<vmem>>
    %dma_start3A_132 = tpu.memref_squeeze %dma_start3A_131 : memref<1x128x128xf32, #tpu.memory_space<vmem>> -> memref<128x128xf32, #tpu.memory_space<vmem>>
    %dma_start3A_133 = arith.constant 0 : i32
    %dma_start3A_134 = tpu.memref_slice %arg7[%dma_start3A_126, %dma_start3A_127, %dma_start3A_133] : memref<6x4x128xi32, #tpu.memory_space<vmem>> -> memref<1x1x128xi32, #tpu.memory_space<vmem>>
    %dma_start3A_135 = tpu.memref_squeeze %dma_start3A_134 : memref<1x1x128xi32, #tpu.memory_space<vmem>> -> memref<128xi32, #tpu.memory_space<vmem>>
    %dma_start3A_136 = arith.constant 0 : i32
    %dma_start3A_137 = arith.constant 0 : i32
    %dma_start3A_138 = tpu.memref_slice %arg3[%dma_start3A_136, %dma_start3A_137] : memref<100000x128xf32, #tpu.memory_space<hbm>> -> memref<100000x128xf32, #tpu.memory_space<hbm>>
    tpu.enqueue_indirect_dma source(%dma_start3A_138 : memref<100000x128xf32, #tpu.memory_space<hbm>>) target(%dma_start3A_132 : memref<128x128xf32, #tpu.memory_space<vmem>>) offsets(%dma_start3A_135 : memref<128xi32, #tpu.memory_space<vmem>>) semaphore(%arg9 : memref<!tpu.dma_semaphore, #tpu.memory_space<semaphore_mem>>)
    %dma_wait3A_139 = arith.constant 0 : i32
    %dma_wait3A_140 = arith.constant 2 : i32
    %dma_wait3A_141 = arith.constant 0 : i32
    %dma_wait3A_142 = arith.constant 0 : i32
    %dma_wait3A_143 = arith.constant 0 : i32
    %dma_wait3A_144 = tpu.memref_slice %arg8[%dma_wait3A_141, %dma_wait3A_142, %dma_wait3A_143] : memref<2x128x128xf32, #tpu.memory_space<vmem>> -> memref<1x128x128xf32, #tpu.memory_space<vmem>>
    %dma_wait3A_145 = tpu.memref_squeeze %dma_wait3A_144 : memref<1x128x128xf32, #tpu.memory_space<vmem>> -> memref<128x128xf32, #tpu.memory_space<vmem>>
    %dma_wait3A_146 = arith.constant 0 : i32
    %dma_wait3A_147 = tpu.memref_slice %arg7[%dma_wait3A_139, %dma_wait3A_140, %dma_wait3A_146] : memref<6x4x128xi32, #tpu.memory_space<vmem>> -> memref<1x1x128xi32, #tpu.memory_space<vmem>>
    %dma_wait3A_148 = tpu.memref_squeeze %dma_wait3A_147 : memref<1x1x128xi32, #tpu.memory_space<vmem>> -> memref<128xi32, #tpu.memory_space<vmem>>
    %dma_wait3A_149 = arith.constant 0 : i32
    %dma_wait3A_150 = arith.constant 0 : i32
    %dma_wait3A_151 = tpu.memref_slice %arg3[%dma_wait3A_149, %dma_wait3A_150] : memref<100000x128xf32, #tpu.memory_space<hbm>> -> memref<100000x128xf32, #tpu.memory_space<hbm>>
    tpu.wait_indirect_dma semaphore(%arg9 : memref<!tpu.dma_semaphore, #tpu.memory_space<semaphore_mem>>) src(%dma_wait3A_151 : memref<100000x128xf32, #tpu.memory_space<hbm>>) dst(%dma_wait3A_145 : memref<128x128xf32, #tpu.memory_space<vmem>>)
    %mul3A_152 = arith.constant 512 : i32
    %mul3A_153 = arith.muli %add3A, %mul3A_152 : i32
    %add3A_154 = arith.constant 256 : i32
    %add3A_155 = arith.addi %mul3A_153, %add3A_154 : i32
    %dma_start3A_156 = arith.constant 0 : i32
    %dma_start3A_157 = arith.constant 0 : i32
    %dma_start3A_158 = arith.constant 0 : i32
    %dma_start3A_159 = tpu.memref_slice %arg8[%dma_start3A_156, %dma_start3A_157, %dma_start3A_158] : memref<2x128x128xf32, #tpu.memory_space<vmem>> -> memref<1x128x64xf32, #tpu.memory_space<vmem>>
    %dma_start3A_160 = tpu.memref_squeeze %dma_start3A_159 : memref<1x128x64xf32, #tpu.memory_space<vmem>> -> memref<128x64xf32, #tpu.memory_space<vmem>>
    %dma_start3A_161 = arith.constant 0 : i32
    %dma_start3A_162 = tpu.memref_slice %arg5[%add3A_155, %dma_start3A_161] : memref<16384x128xf32, #tpu.memory_space<hbm>> -> memref<128x64xf32, #tpu.memory_space<hbm>>
    %dma_start3A_163 = arith.constant 0 : i32
    %dma_start3A_164 = tpu.memref_slice %arg5[%add3A_155, %dma_start3A_163] : memref<16384x128xf32, #tpu.memory_space<hbm>> -> memref<128x64xf32, #tpu.memory_space<hbm>>
    %dma_start3A_165 = arith.constant 0 : i32
    %dma_start3A_166 = arith.constant 0 : i32
    %dma_start3A_167 = tpu.memref_slice %arg8[%dma_start3A_156, %dma_start3A_165, %dma_start3A_166] : memref<2x128x128xf32, #tpu.memory_space<vmem>> -> memref<1x128x64xf32, #tpu.memory_space<vmem>>
    %dma_start3A_168 = tpu.memref_squeeze %dma_start3A_167 : memref<1x128x64xf32, #tpu.memory_space<vmem>> -> memref<128x64xf32, #tpu.memory_space<vmem>>
    tpu.enqueue_dma source(%dma_start3A_168 : memref<128x64xf32, #tpu.memory_space<vmem>>) target(%dma_start3A_164 : memref<128x64xf32, #tpu.memory_space<hbm>>) target_semaphore(%arg10 : memref<!tpu.dma_semaphore, #tpu.memory_space<semaphore_mem>>)
    %dma_wait3A_169 = arith.constant 0 : i32
    %dma_wait3A_170 = arith.constant 0 : i32
    %dma_wait3A_171 = arith.constant 0 : i32
    %dma_wait3A_172 = tpu.memref_slice %arg8[%dma_wait3A_169, %dma_wait3A_170, %dma_wait3A_171] : memref<2x128x128xf32, #tpu.memory_space<vmem>> -> memref<1x128x64xf32, #tpu.memory_space<vmem>>
    %dma_wait3A_173 = tpu.memref_squeeze %dma_wait3A_172 : memref<1x128x64xf32, #tpu.memory_space<vmem>> -> memref<128x64xf32, #tpu.memory_space<vmem>>
    %dma_wait3A_174 = arith.constant 0 : i32
    %dma_wait3A_175 = tpu.memref_slice %arg5[%add3A_155, %dma_wait3A_174] : memref<16384x128xf32, #tpu.memory_space<hbm>> -> memref<128x64xf32, #tpu.memory_space<hbm>>
    %dma_wait3A_176 = arith.constant 0 : i32
    %dma_wait3A_177 = tpu.memref_slice %arg5[%add3A_155, %dma_wait3A_176] : memref<16384x128xf32, #tpu.memory_space<hbm>> -> memref<128x64xf32, #tpu.memory_space<hbm>>
    %dma_wait3A_178 = arith.constant 0 : i32
    %dma_wait3A_179 = arith.constant 0 : i32
    %dma_wait3A_180 = tpu.memref_slice %arg8[%dma_wait3A_169, %dma_wait3A_178, %dma_wait3A_179] : memref<2x128x128xf32, #tpu.memory_space<vmem>> -> memref<1x128x64xf32, #tpu.memory_space<vmem>>
    %dma_wait3A_181 = tpu.memref_squeeze %dma_wait3A_180 : memref<1x128x64xf32, #tpu.memory_space<vmem>> -> memref<128x64xf32, #tpu.memory_space<vmem>>
    tpu.wait_dma2 semaphore(%arg10 : memref<!tpu.dma_semaphore, #tpu.memory_space<semaphore_mem>>) src(%dma_wait3A_181 : memref<128x64xf32, #tpu.memory_space<vmem>>) dst(%dma_wait3A_177 : memref<128x64xf32, #tpu.memory_space<hbm>>)
    %dma_start3A_182 = arith.constant 1 : i32
    %dma_start3A_183 = arith.constant 0 : i32
    %dma_start3A_184 = arith.constant 0 : i32
    %dma_start3A_185 = arith.constant 0 : i32
    %dma_start3A_186 = arith.constant 0 : i32
    %dma_start3A_187 = tpu.memref_slice %arg8[%dma_start3A_184, %dma_start3A_185, %dma_start3A_186] : memref<2x128x128xf32, #tpu.memory_space<vmem>> -> memref<1x128x128xf32, #tpu.memory_space<vmem>>
    %dma_start3A_188 = tpu.memref_squeeze %dma_start3A_187 : memref<1x128x128xf32, #tpu.memory_space<vmem>> -> memref<128x128xf32, #tpu.memory_space<vmem>>
    %dma_start3A_189 = arith.constant 0 : i32
    %dma_start3A_190 = tpu.memref_slice %arg7[%dma_start3A_182, %dma_start3A_183, %dma_start3A_189] : memref<6x4x128xi32, #tpu.memory_space<vmem>> -> memref<1x1x128xi32, #tpu.memory_space<vmem>>
    %dma_start3A_191 = tpu.memref_squeeze %dma_start3A_190 : memref<1x1x128xi32, #tpu.memory_space<vmem>> -> memref<128xi32, #tpu.memory_space<vmem>>
    %dma_start3A_192 = arith.constant 0 : i32
    %dma_start3A_193 = arith.constant 0 : i32
    %dma_start3A_194 = tpu.memref_slice %arg4[%dma_start3A_192, %dma_start3A_193] : memref<100000x128xf32, #tpu.memory_space<hbm>> -> memref<100000x128xf32, #tpu.memory_space<hbm>>
    tpu.enqueue_indirect_dma source(%dma_start3A_194 : memref<100000x128xf32, #tpu.memory_space<hbm>>) target(%dma_start3A_188 : memref<128x128xf32, #tpu.memory_space<vmem>>) offsets(%dma_start3A_191 : memref<128xi32, #tpu.memory_space<vmem>>) semaphore(%arg9 : memref<!tpu.dma_semaphore, #tpu.memory_space<semaphore_mem>>)
    %dma_wait3A_195 = arith.constant 0 : i32
    %dma_wait3A_196 = arith.constant 3 : i32
    %dma_wait3A_197 = arith.constant 1 : i32
    %dma_wait3A_198 = arith.constant 0 : i32
    %dma_wait3A_199 = arith.constant 0 : i32
    %dma_wait3A_200 = tpu.memref_slice %arg8[%dma_wait3A_197, %dma_wait3A_198, %dma_wait3A_199] : memref<2x128x128xf32, #tpu.memory_space<vmem>> -> memref<1x128x128xf32, #tpu.memory_space<vmem>>
    %dma_wait3A_201 = tpu.memref_squeeze %dma_wait3A_200 : memref<1x128x128xf32, #tpu.memory_space<vmem>> -> memref<128x128xf32, #tpu.memory_space<vmem>>
    %dma_wait3A_202 = arith.constant 0 : i32
    %dma_wait3A_203 = tpu.memref_slice %arg7[%dma_wait3A_195, %dma_wait3A_196, %dma_wait3A_202] : memref<6x4x128xi32, #tpu.memory_space<vmem>> -> memref<1x1x128xi32, #tpu.memory_space<vmem>>
    %dma_wait3A_204 = tpu.memref_squeeze %dma_wait3A_203 : memref<1x1x128xi32, #tpu.memory_space<vmem>> -> memref<128xi32, #tpu.memory_space<vmem>>
    %dma_wait3A_205 = arith.constant 0 : i32
    %dma_wait3A_206 = arith.constant 0 : i32
    %dma_wait3A_207 = tpu.memref_slice %arg3[%dma_wait3A_205, %dma_wait3A_206] : memref<100000x128xf32, #tpu.memory_space<hbm>> -> memref<100000x128xf32, #tpu.memory_space<hbm>>
    tpu.wait_indirect_dma semaphore(%arg9 : memref<!tpu.dma_semaphore, #tpu.memory_space<semaphore_mem>>) src(%dma_wait3A_207 : memref<100000x128xf32, #tpu.memory_space<hbm>>) dst(%dma_wait3A_201 : memref<128x128xf32, #tpu.memory_space<vmem>>)
    %mul3A_208 = arith.constant 512 : i32
    %mul3A_209 = arith.muli %add3A, %mul3A_208 : i32
    %add3A_210 = arith.constant 384 : i32
    %add3A_211 = arith.addi %mul3A_209, %add3A_210 : i32
    %dma_start3A_212 = arith.constant 1 : i32
    %dma_start3A_213 = arith.constant 0 : i32
    %dma_start3A_214 = arith.constant 0 : i32
    %dma_start3A_215 = tpu.memref_slice %arg8[%dma_start3A_212, %dma_start3A_213, %dma_start3A_214] : memref<2x128x128xf32, #tpu.memory_space<vmem>> -> memref<1x128x64xf32, #tpu.memory_space<vmem>>
    %dma_start3A_216 = tpu.memref_squeeze %dma_start3A_215 : memref<1x128x64xf32, #tpu.memory_space<vmem>> -> memref<128x64xf32, #tpu.memory_space<vmem>>
    %dma_start3A_217 = arith.constant 0 : i32
    %dma_start3A_218 = tpu.memref_slice %arg5[%add3A_211, %dma_start3A_217] : memref<16384x128xf32, #tpu.memory_space<hbm>> -> memref<128x64xf32, #tpu.memory_space<hbm>>
    %dma_start3A_219 = arith.constant 0 : i32
    %dma_start3A_220 = tpu.memref_slice %arg5[%add3A_211, %dma_start3A_219] : memref<16384x128xf32, #tpu.memory_space<hbm>> -> memref<128x64xf32, #tpu.memory_space<hbm>>
    %dma_start3A_221 = arith.constant 0 : i32
    %dma_start3A_222 = arith.constant 0 : i32
    %dma_start3A_223 = tpu.memref_slice %arg8[%dma_start3A_212, %dma_start3A_221, %dma_start3A_222] : memref<2x128x128xf32, #tpu.memory_space<vmem>> -> memref<1x128x64xf32, #tpu.memory_space<vmem>>
    %dma_start3A_224 = tpu.memref_squeeze %dma_start3A_223 : memref<1x128x64xf32, #tpu.memory_space<vmem>> -> memref<128x64xf32, #tpu.memory_space<vmem>>
    tpu.enqueue_dma source(%dma_start3A_224 : memref<128x64xf32, #tpu.memory_space<vmem>>) target(%dma_start3A_220 : memref<128x64xf32, #tpu.memory_space<hbm>>) target_semaphore(%arg11 : memref<!tpu.dma_semaphore, #tpu.memory_space<semaphore_mem>>)
    %dma_wait3A_225 = arith.constant 1 : i32
    %dma_wait3A_226 = arith.constant 0 : i32
    %dma_wait3A_227 = arith.constant 0 : i32
    %dma_wait3A_228 = tpu.memref_slice %arg8[%dma_wait3A_225, %dma_wait3A_226, %dma_wait3A_227] : memref<2x128x128xf32, #tpu.memory_space<vmem>> -> memref<1x128x64xf32, #tpu.memory_space<vmem>>
    %dma_wait3A_229 = tpu.memref_squeeze %dma_wait3A_228 : memref<1x128x64xf32, #tpu.memory_space<vmem>> -> memref<128x64xf32, #tpu.memory_space<vmem>>
    %dma_wait3A_230 = arith.constant 0 : i32
    %dma_wait3A_231 = tpu.memref_slice %arg5[%add3A_211, %dma_wait3A_230] : memref<16384x128xf32, #tpu.memory_space<hbm>> -> memref<128x64xf32, #tpu.memory_space<hbm>>
    %dma_wait3A_232 = arith.constant 0 : i32
    %dma_wait3A_233 = tpu.memref_slice %arg5[%add3A_211, %dma_wait3A_232] : memref<16384x128xf32, #tpu.memory_space<hbm>> -> memref<128x64xf32, #tpu.memory_space<hbm>>
    %dma_wait3A_234 = arith.constant 0 : i32
    %dma_wait3A_235 = arith.constant 0 : i32
    %dma_wait3A_236 = tpu.memref_slice %arg8[%dma_wait3A_225, %dma_wait3A_234, %dma_wait3A_235] : memref<2x128x128xf32, #tpu.memory_space<vmem>> -> memref<1x128x64xf32, #tpu.memory_space<vmem>>
    %dma_wait3A_237 = tpu.memref_squeeze %dma_wait3A_236 : memref<1x128x64xf32, #tpu.memory_space<vmem>> -> memref<128x64xf32, #tpu.memory_space<vmem>>
    tpu.wait_dma2 semaphore(%arg11 : memref<!tpu.dma_semaphore, #tpu.memory_space<semaphore_mem>>) src(%dma_wait3A_237 : memref<128x64xf32, #tpu.memory_space<vmem>>) dst(%dma_wait3A_233 : memref<128x64xf32, #tpu.memory_space<hbm>>)
    %dma_start3A_238 = arith.constant 1 : i32
    %dma_start3A_239 = arith.constant 1 : i32
    %dma_start3A_240 = arith.constant 1 : i32
    %dma_start3A_241 = arith.constant 0 : i32
    %dma_start3A_242 = arith.constant 0 : i32
    %dma_start3A_243 = tpu.memref_slice %arg8[%dma_start3A_240, %dma_start3A_241, %dma_start3A_242] : memref<2x128x128xf32, #tpu.memory_space<vmem>> -> memref<1x128x128xf32, #tpu.memory_space<vmem>>
    %dma_start3A_244 = tpu.memref_squeeze %dma_start3A_243 : memref<1x128x128xf32, #tpu.memory_space<vmem>> -> memref<128x128xf32, #tpu.memory_space<vmem>>
    %dma_start3A_245 = arith.constant 0 : i32
    %dma_start3A_246 = tpu.memref_slice %arg7[%dma_start3A_238, %dma_start3A_239, %dma_start3A_245] : memref<6x4x128xi32, #tpu.memory_space<vmem>> -> memref<1x1x128xi32, #tpu.memory_space<vmem>>
    %dma_start3A_247 = tpu.memref_squeeze %dma_start3A_246 : memref<1x1x128xi32, #tpu.memory_space<vmem>> -> memref<128xi32, #tpu.memory_space<vmem>>
    %dma_start3A_248 = arith.constant 0 : i32
    %dma_start3A_249 = arith.constant 0 : i32
    %dma_start3A_250 = tpu.memref_slice %arg4[%dma_start3A_248, %dma_start3A_249] : memref<100000x128xf32, #tpu.memory_space<hbm>> -> memref<100000x128xf32, #tpu.memory_space<hbm>>
    tpu.enqueue_indirect_dma source(%dma_start3A_250 : memref<100000x128xf32, #tpu.memory_space<hbm>>) target(%dma_start3A_244 : memref<128x128xf32, #tpu.memory_space<vmem>>) offsets(%dma_start3A_247 : memref<128xi32, #tpu.memory_space<vmem>>) semaphore(%arg9 : memref<!tpu.dma_semaphore, #tpu.memory_space<semaphore_mem>>)
    %dma_wait3A_251 = arith.constant 1 : i32
    %dma_wait3A_252 = arith.constant 0 : i32
    %dma_wait3A_253 = arith.constant 0 : i32
    %dma_wait3A_254 = arith.constant 0 : i32
    %dma_wait3A_255 = arith.constant 0 : i32
    %dma_wait3A_256 = tpu.memref_slice %arg8[%dma_wait3A_253, %dma_wait3A_254, %dma_wait3A_255] : memref<2x128x128xf32, #tpu.memory_space<vmem>> -> memref<1x128x128xf32, #tpu.memory_space<vmem>>
    %dma_wait3A_257 = tpu.memref_squeeze %dma_wait3A_256 : memref<1x128x128xf32, #tpu.memory_space<vmem>> -> memref<128x128xf32, #tpu.memory_space<vmem>>
    %dma_wait3A_258 = arith.constant 0 : i32
    %dma_wait3A_259 = tpu.memref_slice %arg7[%dma_wait3A_251, %dma_wait3A_252, %dma_wait3A_258] : memref<6x4x128xi32, #tpu.memory_space<vmem>> -> memref<1x1x128xi32, #tpu.memory_space<vmem>>
    %dma_wait3A_260 = tpu.memref_squeeze %dma_wait3A_259 : memref<1x1x128xi32, #tpu.memory_space<vmem>> -> memref<128xi32, #tpu.memory_space<vmem>>
    %dma_wait3A_261 = arith.constant 0 : i32
    %dma_wait3A_262 = arith.constant 0 : i32
    %dma_wait3A_263 = tpu.memref_slice %arg4[%dma_wait3A_261, %dma_wait3A_262] : memref<100000x128xf32, #tpu.memory_space<hbm>> -> memref<100000x128xf32, #tpu.memory_space<hbm>>
    tpu.wait_indirect_dma semaphore(%arg9 : memref<!tpu.dma_semaphore, #tpu.memory_space<semaphore_mem>>) src(%dma_wait3A_263 : memref<100000x128xf32, #tpu.memory_space<hbm>>) dst(%dma_wait3A_257 : memref<128x128xf32, #tpu.memory_space<vmem>>)
    %mul3A_264 = arith.constant 512 : i32
    %mul3A_265 = arith.muli %add3A, %mul3A_264 : i32
    %add3A_266 = arith.constant 0 : i32
    %add3A_267 = arith.addi %mul3A_265, %add3A_266 : i32
    %dma_start3A_268 = arith.constant 0 : i32
    %dma_start3A_269 = arith.constant 0 : i32
    %dma_start3A_270 = arith.constant 0 : i32
    %dma_start3A_271 = tpu.memref_slice %arg8[%dma_start3A_268, %dma_start3A_269, %dma_start3A_270] : memref<2x128x128xf32, #tpu.memory_space<vmem>> -> memref<1x128x64xf32, #tpu.memory_space<vmem>>
    %dma_start3A_272 = tpu.memref_squeeze %dma_start3A_271 : memref<1x128x64xf32, #tpu.memory_space<vmem>> -> memref<128x64xf32, #tpu.memory_space<vmem>>
    %dma_start3A_273 = arith.constant 64 : i32
    %dma_start3A_274 = tpu.memref_slice %arg5[%add3A_267, %dma_start3A_273] : memref<16384x128xf32, #tpu.memory_space<hbm>> -> memref<128x64xf32, #tpu.memory_space<hbm>>
    %dma_start3A_275 = arith.constant 64 : i32
    %dma_start3A_276 = tpu.memref_slice %arg5[%add3A_267, %dma_start3A_275] : memref<16384x128xf32, #tpu.memory_space<hbm>> -> memref<128x64xf32, #tpu.memory_space<hbm>>
    %dma_start3A_277 = arith.constant 0 : i32
    %dma_start3A_278 = arith.constant 0 : i32
    %dma_start3A_279 = tpu.memref_slice %arg8[%dma_start3A_268, %dma_start3A_277, %dma_start3A_278] : memref<2x128x128xf32, #tpu.memory_space<vmem>> -> memref<1x128x64xf32, #tpu.memory_space<vmem>>
    %dma_start3A_280 = tpu.memref_squeeze %dma_start3A_279 : memref<1x128x64xf32, #tpu.memory_space<vmem>> -> memref<128x64xf32, #tpu.memory_space<vmem>>
    tpu.enqueue_dma source(%dma_start3A_280 : memref<128x64xf32, #tpu.memory_space<vmem>>) target(%dma_start3A_276 : memref<128x64xf32, #tpu.memory_space<hbm>>) target_semaphore(%arg10 : memref<!tpu.dma_semaphore, #tpu.memory_space<semaphore_mem>>)
    %dma_wait3A_281 = arith.constant 0 : i32
    %dma_wait3A_282 = arith.constant 0 : i32
    %dma_wait3A_283 = arith.constant 0 : i32
    %dma_wait3A_284 = tpu.memref_slice %arg8[%dma_wait3A_281, %dma_wait3A_282, %dma_wait3A_283] : memref<2x128x128xf32, #tpu.memory_space<vmem>> -> memref<1x128x64xf32, #tpu.memory_space<vmem>>
    %dma_wait3A_285 = tpu.memref_squeeze %dma_wait3A_284 : memref<1x128x64xf32, #tpu.memory_space<vmem>> -> memref<128x64xf32, #tpu.memory_space<vmem>>
    %dma_wait3A_286 = arith.constant 64 : i32
    %dma_wait3A_287 = tpu.memref_slice %arg5[%add3A_267, %dma_wait3A_286] : memref<16384x128xf32, #tpu.memory_space<hbm>> -> memref<128x64xf32, #tpu.memory_space<hbm>>
    %dma_wait3A_288 = arith.constant 64 : i32
    %dma_wait3A_289 = tpu.memref_slice %arg5[%add3A_267, %dma_wait3A_288] : memref<16384x128xf32, #tpu.memory_space<hbm>> -> memref<128x64xf32, #tpu.memory_space<hbm>>
    %dma_wait3A_290 = arith.constant 0 : i32
    %dma_wait3A_291 = arith.constant 0 : i32
    %dma_wait3A_292 = tpu.memref_slice %arg8[%dma_wait3A_281, %dma_wait3A_290, %dma_wait3A_291] : memref<2x128x128xf32, #tpu.memory_space<vmem>> -> memref<1x128x64xf32, #tpu.memory_space<vmem>>
    %dma_wait3A_293 = tpu.memref_squeeze %dma_wait3A_292 : memref<1x128x64xf32, #tpu.memory_space<vmem>> -> memref<128x64xf32, #tpu.memory_space<vmem>>
    tpu.wait_dma2 semaphore(%arg10 : memref<!tpu.dma_semaphore, #tpu.memory_space<semaphore_mem>>) src(%dma_wait3A_293 : memref<128x64xf32, #tpu.memory_space<vmem>>) dst(%dma_wait3A_289 : memref<128x64xf32, #tpu.memory_space<hbm>>)
    %dma_start3A_294 = arith.constant 1 : i32
    %dma_start3A_295 = arith.constant 2 : i32
    %dma_start3A_296 = arith.constant 0 : i32
    %dma_start3A_297 = arith.constant 0 : i32
    %dma_start3A_298 = arith.constant 0 : i32
    %dma_start3A_299 = tpu.memref_slice %arg8[%dma_start3A_296, %dma_start3A_297, %dma_start3A_298] : memref<2x128x128xf32, #tpu.memory_space<vmem>> -> memref<1x128x128xf32, #tpu.memory_space<vmem>>
    %dma_start3A_300 = tpu.memref_squeeze %dma_start3A_299 : memref<1x128x128xf32, #tpu.memory_space<vmem>> -> memref<128x128xf32, #tpu.memory_space<vmem>>
    %dma_start3A_301 = arith.constant 0 : i32
    %dma_start3A_302 = tpu.memref_slice %arg7[%dma_start3A_294, %dma_start3A_295, %dma_start3A_301] : memref<6x4x128xi32, #tpu.memory_space<vmem>> -> memref<1x1x128xi32, #tpu.memory_space<vmem>>
    %dma_start3A_303 = tpu.memref_squeeze %dma_start3A_302 : memref<1x1x128xi32, #tpu.memory_space<vmem>> -> memref<128xi32, #tpu.memory_space<vmem>>
    %dma_start3A_304 = arith.constant 0 : i32
    %dma_start3A_305 = arith.constant 0 : i32
    %dma_start3A_306 = tpu.memref_slice %arg4[%dma_start3A_304, %dma_start3A_305] : memref<100000x128xf32, #tpu.memory_space<hbm>> -> memref<100000x128xf32, #tpu.memory_space<hbm>>
    tpu.enqueue_indirect_dma source(%dma_start3A_306 : memref<100000x128xf32, #tpu.memory_space<hbm>>) target(%dma_start3A_300 : memref<128x128xf32, #tpu.memory_space<vmem>>) offsets(%dma_start3A_303 : memref<128xi32, #tpu.memory_space<vmem>>) semaphore(%arg9 : memref<!tpu.dma_semaphore, #tpu.memory_space<semaphore_mem>>)
    %dma_wait3A_307 = arith.constant 1 : i32
    %dma_wait3A_308 = arith.constant 1 : i32
    %dma_wait3A_309 = arith.constant 1 : i32
    %dma_wait3A_310 = arith.constant 0 : i32
    %dma_wait3A_311 = arith.constant 0 : i32
    %dma_wait3A_312 = tpu.memref_slice %arg8[%dma_wait3A_309, %dma_wait3A_310, %dma_wait3A_311] : memref<2x128x128xf32, #tpu.memory_space<vmem>> -> memref<1x128x128xf32, #tpu.memory_space<vmem>>
    %dma_wait3A_313 = tpu.memref_squeeze %dma_wait3A_312 : memref<1x128x128xf32, #tpu.memory_space<vmem>> -> memref<128x128xf32, #tpu.memory_space<vmem>>
    %dma_wait3A_314 = arith.constant 0 : i32
    %dma_wait3A_315 = tpu.memref_slice %arg7[%dma_wait3A_307, %dma_wait3A_308, %dma_wait3A_314] : memref<6x4x128xi32, #tpu.memory_space<vmem>> -> memref<1x1x128xi32, #tpu.memory_space<vmem>>
    %dma_wait3A_316 = tpu.memref_squeeze %dma_wait3A_315 : memref<1x1x128xi32, #tpu.memory_space<vmem>> -> memref<128xi32, #tpu.memory_space<vmem>>
    %dma_wait3A_317 = arith.constant 0 : i32
    %dma_wait3A_318 = arith.constant 0 : i32
    %dma_wait3A_319 = tpu.memref_slice %arg4[%dma_wait3A_317, %dma_wait3A_318] : memref<100000x128xf32, #tpu.memory_space<hbm>> -> memref<100000x128xf32, #tpu.memory_space<hbm>>
    tpu.wait_indirect_dma semaphore(%arg9 : memref<!tpu.dma_semaphore, #tpu.memory_space<semaphore_mem>>) src(%dma_wait3A_319 : memref<100000x128xf32, #tpu.memory_space<hbm>>) dst(%dma_wait3A_313 : memref<128x128xf32, #tpu.memory_space<vmem>>)
    %mul3A_320 = arith.constant 512 : i32
    %mul3A_321 = arith.muli %add3A, %mul3A_320 : i32
    %add3A_322 = arith.constant 128 : i32
    %add3A_323 = arith.addi %mul3A_321, %add3A_322 : i32
    %dma_start3A_324 = arith.constant 1 : i32
    %dma_start3A_325 = arith.constant 0 : i32
    %dma_start3A_326 = arith.constant 0 : i32
    %dma_start3A_327 = tpu.memref_slice %arg8[%dma_start3A_324, %dma_start3A_325, %dma_start3A_326] : memref<2x128x128xf32, #tpu.memory_space<vmem>> -> memref<1x128x64xf32, #tpu.memory_space<vmem>>
    %dma_start3A_328 = tpu.memref_squeeze %dma_start3A_327 : memref<1x128x64xf32, #tpu.memory_space<vmem>> -> memref<128x64xf32, #tpu.memory_space<vmem>>
    %dma_start3A_329 = arith.constant 64 : i32
    %dma_start3A_330 = tpu.memref_slice %arg5[%add3A_323, %dma_start3A_329] : memref<16384x128xf32, #tpu.memory_space<hbm>> -> memref<128x64xf32, #tpu.memory_space<hbm>>
    %dma_start3A_331 = arith.constant 64 : i32
    %dma_start3A_332 = tpu.memref_slice %arg5[%add3A_323, %dma_start3A_331] : memref<16384x128xf32, #tpu.memory_space<hbm>> -> memref<128x64xf32, #tpu.memory_space<hbm>>
    %dma_start3A_333 = arith.constant 0 : i32
    %dma_start3A_334 = arith.constant 0 : i32
    %dma_start3A_335 = tpu.memref_slice %arg8[%dma_start3A_324, %dma_start3A_333, %dma_start3A_334] : memref<2x128x128xf32, #tpu.memory_space<vmem>> -> memref<1x128x64xf32, #tpu.memory_space<vmem>>
    %dma_start3A_336 = tpu.memref_squeeze %dma_start3A_335 : memref<1x128x64xf32, #tpu.memory_space<vmem>> -> memref<128x64xf32, #tpu.memory_space<vmem>>
    tpu.enqueue_dma source(%dma_start3A_336 : memref<128x64xf32, #tpu.memory_space<vmem>>) target(%dma_start3A_332 : memref<128x64xf32, #tpu.memory_space<hbm>>) target_semaphore(%arg11 : memref<!tpu.dma_semaphore, #tpu.memory_space<semaphore_mem>>)
    %dma_wait3A_337 = arith.constant 1 : i32
    %dma_wait3A_338 = arith.constant 0 : i32
    %dma_wait3A_339 = arith.constant 0 : i32
    %dma_wait3A_340 = tpu.memref_slice %arg8[%dma_wait3A_337, %dma_wait3A_338, %dma_wait3A_339] : memref<2x128x128xf32, #tpu.memory_space<vmem>> -> memref<1x128x64xf32, #tpu.memory_space<vmem>>
    %dma_wait3A_341 = tpu.memref_squeeze %dma_wait3A_340 : memref<1x128x64xf32, #tpu.memory_space<vmem>> -> memref<128x64xf32, #tpu.memory_space<vmem>>
    %dma_wait3A_342 = arith.constant 64 : i32
    %dma_wait3A_343 = tpu.memref_slice %arg5[%add3A_323, %dma_wait3A_342] : memref<16384x128xf32, #tpu.memory_space<hbm>> -> memref<128x64xf32, #tpu.memory_space<hbm>>
    %dma_wait3A_344 = arith.constant 64 : i32
    %dma_wait3A_345 = tpu.memref_slice %arg5[%add3A_323, %dma_wait3A_344] : memref<16384x128xf32, #tpu.memory_space<hbm>> -> memref<128x64xf32, #tpu.memory_space<hbm>>
    %dma_wait3A_346 = arith.constant 0 : i32
    %dma_wait3A_347 = arith.constant 0 : i32
    %dma_wait3A_348 = tpu.memref_slice %arg8[%dma_wait3A_337, %dma_wait3A_346, %dma_wait3A_347] : memref<2x128x128xf32, #tpu.memory_space<vmem>> -> memref<1x128x64xf32, #tpu.memory_space<vmem>>
    %dma_wait3A_349 = tpu.memref_squeeze %dma_wait3A_348 : memref<1x128x64xf32, #tpu.memory_space<vmem>> -> memref<128x64xf32, #tpu.memory_space<vmem>>
    tpu.wait_dma2 semaphore(%arg11 : memref<!tpu.dma_semaphore, #tpu.memory_space<semaphore_mem>>) src(%dma_wait3A_349 : memref<128x64xf32, #tpu.memory_space<vmem>>) dst(%dma_wait3A_345 : memref<128x64xf32, #tpu.memory_space<hbm>>)
    %dma_start3A_350 = arith.constant 1 : i32
    %dma_start3A_351 = arith.constant 3 : i32
    %dma_start3A_352 = arith.constant 1 : i32
    %dma_start3A_353 = arith.constant 0 : i32
    %dma_start3A_354 = arith.constant 0 : i32
    %dma_start3A_355 = tpu.memref_slice %arg8[%dma_start3A_352, %dma_start3A_353, %dma_start3A_354] : memref<2x128x128xf32, #tpu.memory_space<vmem>> -> memref<1x128x128xf32, #tpu.memory_space<vmem>>
    %dma_start3A_356 = tpu.memref_squeeze %dma_start3A_355 : memref<1x128x128xf32, #tpu.memory_space<vmem>> -> memref<128x128xf32, #tpu.memory_space<vmem>>
    %dma_start3A_357 = arith.constant 0 : i32
    %dma_start3A_358 = tpu.memref_slice %arg7[%dma_start3A_350, %dma_start3A_351, %dma_start3A_357] : memref<6x4x128xi32, #tpu.memory_space<vmem>> -> memref<1x1x128xi32, #tpu.memory_space<vmem>>
    %dma_start3A_359 = tpu.memref_squeeze %dma_start3A_358 : memref<1x1x128xi32, #tpu.memory_space<vmem>> -> memref<128xi32, #tpu.memory_space<vmem>>
    %dma_start3A_360 = arith.constant 0 : i32
    %dma_start3A_361 = arith.constant 0 : i32
    %dma_start3A_362 = tpu.memref_slice %arg4[%dma_start3A_360, %dma_start3A_361] : memref<100000x128xf32, #tpu.memory_space<hbm>> -> memref<100000x128xf32, #tpu.memory_space<hbm>>
    tpu.enqueue_indirect_dma source(%dma_start3A_362 : memref<100000x128xf32, #tpu.memory_space<hbm>>) target(%dma_start3A_356 : memref<128x128xf32, #tpu.memory_space<vmem>>) offsets(%dma_start3A_359 : memref<128xi32, #tpu.memory_space<vmem>>) semaphore(%arg9 : memref<!tpu.dma_semaphore, #tpu.memory_space<semaphore_mem>>)
    %dma_wait3A_363 = arith.constant 1 : i32
    %dma_wait3A_364 = arith.constant 2 : i32
    %dma_wait3A_365 = arith.constant 0 : i32
    %dma_wait3A_366 = arith.constant 0 : i32
    %dma_wait3A_367 = arith.constant 0 : i32
    %dma_wait3A_368 = tpu.memref_slice %arg8[%dma_wait3A_365, %dma_wait3A_366, %dma_wait3A_367] : memref<2x128x128xf32, #tpu.memory_space<vmem>> -> memref<1x128x128xf32, #tpu.memory_space<vmem>>
    %dma_wait3A_369 = tpu.memref_squeeze %dma_wait3A_368 : memref<1x128x128xf32, #tpu.memory_space<vmem>> -> memref<128x128xf32, #tpu.memory_space<vmem>>
    %dma_wait3A_370 = arith.constant 0 : i32
    %dma_wait3A_371 = tpu.memref_slice %arg7[%dma_wait3A_363, %dma_wait3A_364, %dma_wait3A_370] : memref<6x4x128xi32, #tpu.memory_space<vmem>> -> memref<1x1x128xi32, #tpu.memory_space<vmem>>
    %dma_wait3A_372 = tpu.memref_squeeze %dma_wait3A_371 : memref<1x1x128xi32, #tpu.memory_space<vmem>> -> memref<128xi32, #tpu.memory_space<vmem>>
    %dma_wait3A_373 = arith.constant 0 : i32
    %dma_wait3A_374 = arith.constant 0 : i32
    %dma_wait3A_375 = tpu.memref_slice %arg4[%dma_wait3A_373, %dma_wait3A_374] : memref<100000x128xf32, #tpu.memory_space<hbm>> -> memref<100000x128xf32, #tpu.memory_space<hbm>>
    tpu.wait_indirect_dma semaphore(%arg9 : memref<!tpu.dma_semaphore, #tpu.memory_space<semaphore_mem>>) src(%dma_wait3A_375 : memref<100000x128xf32, #tpu.memory_space<hbm>>) dst(%dma_wait3A_369 : memref<128x128xf32, #tpu.memory_space<vmem>>)
    %mul3A_376 = arith.constant 512 : i32
    %mul3A_377 = arith.muli %add3A, %mul3A_376 : i32
    %add3A_378 = arith.constant 256 : i32
    %add3A_379 = arith.addi %mul3A_377, %add3A_378 : i32
    %dma_start3A_380 = arith.constant 0 : i32
    %dma_start3A_381 = arith.constant 0 : i32
    %dma_start3A_382 = arith.constant 0 : i32
    %dma_start3A_383 = tpu.memref_slice %arg8[%dma_start3A_380, %dma_start3A_381, %dma_start3A_382] : memref<2x128x128xf32, #tpu.memory_space<vmem>> -> memref<1x128x64xf32, #tpu.memory_space<vmem>>
    %dma_start3A_384 = tpu.memref_squeeze %dma_start3A_383 : memref<1x128x64xf32, #tpu.memory_space<vmem>> -> memref<128x64xf32, #tpu.memory_space<vmem>>
    %dma_start3A_385 = arith.constant 64 : i32
    %dma_start3A_386 = tpu.memref_slice %arg5[%add3A_379, %dma_start3A_385] : memref<16384x128xf32, #tpu.memory_space<hbm>> -> memref<128x64xf32, #tpu.memory_space<hbm>>
    %dma_start3A_387 = arith.constant 64 : i32
    %dma_start3A_388 = tpu.memref_slice %arg5[%add3A_379, %dma_start3A_387] : memref<16384x128xf32, #tpu.memory_space<hbm>> -> memref<128x64xf32, #tpu.memory_space<hbm>>
    %dma_start3A_389 = arith.constant 0 : i32
    %dma_start3A_390 = arith.constant 0 : i32
    %dma_start3A_391 = tpu.memref_slice %arg8[%dma_start3A_380, %dma_start3A_389, %dma_start3A_390] : memref<2x128x128xf32, #tpu.memory_space<vmem>> -> memref<1x128x64xf32, #tpu.memory_space<vmem>>
    %dma_start3A_392 = tpu.memref_squeeze %dma_start3A_391 : memref<1x128x64xf32, #tpu.memory_space<vmem>> -> memref<128x64xf32, #tpu.memory_space<vmem>>
    tpu.enqueue_dma source(%dma_start3A_392 : memref<128x64xf32, #tpu.memory_space<vmem>>) target(%dma_start3A_388 : memref<128x64xf32, #tpu.memory_space<hbm>>) target_semaphore(%arg10 : memref<!tpu.dma_semaphore, #tpu.memory_space<semaphore_mem>>)
    %dma_wait3A_393 = arith.constant 0 : i32
    %dma_wait3A_394 = arith.constant 0 : i32
    %dma_wait3A_395 = arith.constant 0 : i32
    %dma_wait3A_396 = tpu.memref_slice %arg8[%dma_wait3A_393, %dma_wait3A_394, %dma_wait3A_395] : memref<2x128x128xf32, #tpu.memory_space<vmem>> -> memref<1x128x64xf32, #tpu.memory_space<vmem>>
    %dma_wait3A_397 = tpu.memref_squeeze %dma_wait3A_396 : memref<1x128x64xf32, #tpu.memory_space<vmem>> -> memref<128x64xf32, #tpu.memory_space<vmem>>
    %dma_wait3A_398 = arith.constant 64 : i32
    %dma_wait3A_399 = tpu.memref_slice %arg5[%add3A_379, %dma_wait3A_398] : memref<16384x128xf32, #tpu.memory_space<hbm>> -> memref<128x64xf32, #tpu.memory_space<hbm>>
    %dma_wait3A_400 = arith.constant 64 : i32
    %dma_wait3A_401 = tpu.memref_slice %arg5[%add3A_379, %dma_wait3A_400] : memref<16384x128xf32, #tpu.memory_space<hbm>> -> memref<128x64xf32, #tpu.memory_space<hbm>>
    %dma_wait3A_402 = arith.constant 0 : i32
    %dma_wait3A_403 = arith.constant 0 : i32
    %dma_wait3A_404 = tpu.memref_slice %arg8[%dma_wait3A_393, %dma_wait3A_402, %dma_wait3A_403] : memref<2x128x128xf32, #tpu.memory_space<vmem>> -> memref<1x128x64xf32, #tpu.memory_space<vmem>>
    %dma_wait3A_405 = tpu.memref_squeeze %dma_wait3A_404 : memref<1x128x64xf32, #tpu.memory_space<vmem>> -> memref<128x64xf32, #tpu.memory_space<vmem>>
    tpu.wait_dma2 semaphore(%arg10 : memref<!tpu.dma_semaphore, #tpu.memory_space<semaphore_mem>>) src(%dma_wait3A_405 : memref<128x64xf32, #tpu.memory_space<vmem>>) dst(%dma_wait3A_401 : memref<128x64xf32, #tpu.memory_space<hbm>>)
    %dma_start3A_406 = arith.constant 2 : i32
    %dma_start3A_407 = arith.constant 0 : i32
    %dma_start3A_408 = arith.constant 0 : i32
    %dma_start3A_409 = arith.constant 0 : i32
    %dma_start3A_410 = arith.constant 0 : i32
    %dma_start3A_411 = tpu.memref_slice %arg8[%dma_start3A_408, %dma_start3A_409, %dma_start3A_410] : memref<2x128x128xf32, #tpu.memory_space<vmem>> -> memref<1x128x128xf32, #tpu.memory_space<vmem>>
    %dma_start3A_412 = tpu.memref_squeeze %dma_start3A_411 : memref<1x128x128xf32, #tpu.memory_space<vmem>> -> memref<128x128xf32, #tpu.memory_space<vmem>>
    %dma_start3A_413 = arith.constant 0 : i32
    %dma_start3A_414 = tpu.memref_slice %arg7[%dma_start3A_406, %dma_start3A_407, %dma_start3A_413] : memref<6x4x128xi32, #tpu.memory_space<vmem>> -> memref<1x1x128xi32, #tpu.memory_space<vmem>>
    %dma_start3A_415 = tpu.memref_squeeze %dma_start3A_414 : memref<1x1x128xi32, #tpu.memory_space<vmem>> -> memref<128xi32, #tpu.memory_space<vmem>>
    %dma_start3A_416 = arith.constant 0 : i32
    %dma_start3A_417 = arith.constant 0 : i32
    %dma_start3A_418 = tpu.memref_slice %arg3[%dma_start3A_416, %dma_start3A_417] : memref<100000x128xf32, #tpu.memory_space<hbm>> -> memref<100000x128xf32, #tpu.memory_space<hbm>>
    tpu.enqueue_indirect_dma source(%dma_start3A_418 : memref<100000x128xf32, #tpu.memory_space<hbm>>) target(%dma_start3A_412 : memref<128x128xf32, #tpu.memory_space<vmem>>) offsets(%dma_start3A_415 : memref<128xi32, #tpu.memory_space<vmem>>) semaphore(%arg9 : memref<!tpu.dma_semaphore, #tpu.memory_space<semaphore_mem>>)
    %dma_wait3A_419 = arith.constant 1 : i32
    %dma_wait3A_420 = arith.constant 3 : i32
    %dma_wait3A_421 = arith.constant 1 : i32
    %dma_wait3A_422 = arith.constant 0 : i32
    %dma_wait3A_423 = arith.constant 0 : i32
    %dma_wait3A_424 = tpu.memref_slice %arg8[%dma_wait3A_421, %dma_wait3A_422, %dma_wait3A_423] : memref<2x128x128xf32, #tpu.memory_space<vmem>> -> memref<1x128x128xf32, #tpu.memory_space<vmem>>
    %dma_wait3A_425 = tpu.memref_squeeze %dma_wait3A_424 : memref<1x128x128xf32, #tpu.memory_space<vmem>> -> memref<128x128xf32, #tpu.memory_space<vmem>>
    %dma_wait3A_426 = arith.constant 0 : i32
    %dma_wait3A_427 = tpu.memref_slice %arg7[%dma_wait3A_419, %dma_wait3A_420, %dma_wait3A_426] : memref<6x4x128xi32, #tpu.memory_space<vmem>> -> memref<1x1x128xi32, #tpu.memory_space<vmem>>
    %dma_wait3A_428 = tpu.memref_squeeze %dma_wait3A_427 : memref<1x1x128xi32, #tpu.memory_space<vmem>> -> memref<128xi32, #tpu.memory_space<vmem>>
    %dma_wait3A_429 = arith.constant 0 : i32
    %dma_wait3A_430 = arith.constant 0 : i32
    %dma_wait3A_431 = tpu.memref_slice %arg4[%dma_wait3A_429, %dma_wait3A_430] : memref<100000x128xf32, #tpu.memory_space<hbm>> -> memref<100000x128xf32, #tpu.memory_space<hbm>>
    tpu.wait_indirect_dma semaphore(%arg9 : memref<!tpu.dma_semaphore, #tpu.memory_space<semaphore_mem>>) src(%dma_wait3A_431 : memref<100000x128xf32, #tpu.memory_space<hbm>>) dst(%dma_wait3A_425 : memref<128x128xf32, #tpu.memory_space<vmem>>)
    %mul3A_432 = arith.constant 512 : i32
    %mul3A_433 = arith.muli %add3A, %mul3A_432 : i32
    %add3A_434 = arith.constant 384 : i32
    %add3A_435 = arith.addi %mul3A_433, %add3A_434 : i32
    %dma_start3A_436 = arith.constant 1 : i32
    %dma_start3A_437 = arith.constant 0 : i32
    %dma_start3A_438 = arith.constant 0 : i32
    %dma_start3A_439 = tpu.memref_slice %arg8[%dma_start3A_436, %dma_start3A_437, %dma_start3A_438] : memref<2x128x128xf32, #tpu.memory_space<vmem>> -> memref<1x128x64xf32, #tpu.memory_space<vmem>>
    %dma_start3A_440 = tpu.memref_squeeze %dma_start3A_439 : memref<1x128x64xf32, #tpu.memory_space<vmem>> -> memref<128x64xf32, #tpu.memory_space<vmem>>
    %dma_start3A_441 = arith.constant 64 : i32
    %dma_start3A_442 = tpu.memref_slice %arg5[%add3A_435, %dma_start3A_441] : memref<16384x128xf32, #tpu.memory_space<hbm>> -> memref<128x64xf32, #tpu.memory_space<hbm>>
    %dma_start3A_443 = arith.constant 64 : i32
    %dma_start3A_444 = tpu.memref_slice %arg5[%add3A_435, %dma_start3A_443] : memref<16384x128xf32, #tpu.memory_space<hbm>> -> memref<128x64xf32, #tpu.memory_space<hbm>>
    %dma_start3A_445 = arith.constant 0 : i32
    %dma_start3A_446 = arith.constant 0 : i32
    %dma_start3A_447 = tpu.memref_slice %arg8[%dma_start3A_436, %dma_start3A_445, %dma_start3A_446] : memref<2x128x128xf32, #tpu.memory_space<vmem>> -> memref<1x128x64xf32, #tpu.memory_space<vmem>>
    %dma_start3A_448 = tpu.memref_squeeze %dma_start3A_447 : memref<1x128x64xf32, #tpu.memory_space<vmem>> -> memref<128x64xf32, #tpu.memory_space<vmem>>
    tpu.enqueue_dma source(%dma_start3A_448 : memref<128x64xf32, #tpu.memory_space<vmem>>) target(%dma_start3A_444 : memref<128x64xf32, #tpu.memory_space<hbm>>) target_semaphore(%arg11 : memref<!tpu.dma_semaphore, #tpu.memory_space<semaphore_mem>>)
    %dma_wait3A_449 = arith.constant 1 : i32
    %dma_wait3A_450 = arith.constant 0 : i32
    %dma_wait3A_451 = arith.constant 0 : i32
    %dma_wait3A_452 = tpu.memref_slice %arg8[%dma_wait3A_449, %dma_wait3A_450, %dma_wait3A_451] : memref<2x128x128xf32, #tpu.memory_space<vmem>> -> memref<1x128x64xf32, #tpu.memory_space<vmem>>
    %dma_wait3A_453 = tpu.memref_squeeze %dma_wait3A_452 : memref<1x128x64xf32, #tpu.memory_space<vmem>> -> memref<128x64xf32, #tpu.memory_space<vmem>>
    %dma_wait3A_454 = arith.constant 64 : i32
    %dma_wait3A_455 = tpu.memref_slice %arg5[%add3A_435, %dma_wait3A_454] : memref<16384x128xf32, #tpu.memory_space<hbm>> -> memref<128x64xf32, #tpu.memory_space<hbm>>
    %dma_wait3A_456 = arith.constant 64 : i32
    %dma_wait3A_457 = tpu.memref_slice %arg5[%add3A_435, %dma_wait3A_456] : memref<16384x128xf32, #tpu.memory_space<hbm>> -> memref<128x64xf32, #tpu.memory_space<hbm>>
    %dma_wait3A_458 = arith.constant 0 : i32
    %dma_wait3A_459 = arith.constant 0 : i32
    %dma_wait3A_460 = tpu.memref_slice %arg8[%dma_wait3A_449, %dma_wait3A_458, %dma_wait3A_459] : memref<2x128x128xf32, #tpu.memory_space<vmem>> -> memref<1x128x64xf32, #tpu.memory_space<vmem>>
    %dma_wait3A_461 = tpu.memref_squeeze %dma_wait3A_460 : memref<1x128x64xf32, #tpu.memory_space<vmem>> -> memref<128x64xf32, #tpu.memory_space<vmem>>
    tpu.wait_dma2 semaphore(%arg11 : memref<!tpu.dma_semaphore, #tpu.memory_space<semaphore_mem>>) src(%dma_wait3A_461 : memref<128x64xf32, #tpu.memory_space<vmem>>) dst(%dma_wait3A_457 : memref<128x64xf32, #tpu.memory_space<hbm>>)
    %dma_start3A_462 = arith.constant 2 : i32
    %dma_start3A_463 = arith.constant 1 : i32
    %dma_start3A_464 = arith.constant 1 : i32
    %dma_start3A_465 = arith.constant 0 : i32
    %dma_start3A_466 = arith.constant 0 : i32
    %dma_start3A_467 = tpu.memref_slice %arg8[%dma_start3A_464, %dma_start3A_465, %dma_start3A_466] : memref<2x128x128xf32, #tpu.memory_space<vmem>> -> memref<1x128x128xf32, #tpu.memory_space<vmem>>
    %dma_start3A_468 = tpu.memref_squeeze %dma_start3A_467 : memref<1x128x128xf32, #tpu.memory_space<vmem>> -> memref<128x128xf32, #tpu.memory_space<vmem>>
    %dma_start3A_469 = arith.constant 0 : i32
    %dma_start3A_470 = tpu.memref_slice %arg7[%dma_start3A_462, %dma_start3A_463, %dma_start3A_469] : memref<6x4x128xi32, #tpu.memory_space<vmem>> -> memref<1x1x128xi32, #tpu.memory_space<vmem>>
    %dma_start3A_471 = tpu.memref_squeeze %dma_start3A_470 : memref<1x1x128xi32, #tpu.memory_space<vmem>> -> memref<128xi32, #tpu.memory_space<vmem>>
    %dma_start3A_472 = arith.constant 0 : i32
    %dma_start3A_473 = arith.constant 0 : i32
    %dma_start3A_474 = tpu.memref_slice %arg3[%dma_start3A_472, %dma_start3A_473] : memref<100000x128xf32, #tpu.memory_space<hbm>> -> memref<100000x128xf32, #tpu.memory_space<hbm>>
    tpu.enqueue_indirect_dma source(%dma_start3A_474 : memref<100000x128xf32, #tpu.memory_space<hbm>>) target(%dma_start3A_468 : memref<128x128xf32, #tpu.memory_space<vmem>>) offsets(%dma_start3A_471 : memref<128xi32, #tpu.memory_space<vmem>>) semaphore(%arg9 : memref<!tpu.dma_semaphore, #tpu.memory_space<semaphore_mem>>)
    %dma_wait3A_475 = arith.constant 2 : i32
    %dma_wait3A_476 = arith.constant 0 : i32
    %dma_wait3A_477 = arith.constant 0 : i32
    %dma_wait3A_478 = arith.constant 0 : i32
    %dma_wait3A_479 = arith.constant 0 : i32
    %dma_wait3A_480 = tpu.memref_slice %arg8[%dma_wait3A_477, %dma_wait3A_478, %dma_wait3A_479] : memref<2x128x128xf32, #tpu.memory_space<vmem>> -> memref<1x128x128xf32, #tpu.memory_space<vmem>>
    %dma_wait3A_481 = tpu.memref_squeeze %dma_wait3A_480 : memref<1x128x128xf32, #tpu.memory_space<vmem>> -> memref<128x128xf32, #tpu.memory_space<vmem>>
    %dma_wait3A_482 = arith.constant 0 : i32
    %dma_wait3A_483 = tpu.memref_slice %arg7[%dma_wait3A_475, %dma_wait3A_476, %dma_wait3A_482] : memref<6x4x128xi32, #tpu.memory_space<vmem>> -> memref<1x1x128xi32, #tpu.memory_space<vmem>>
    %dma_wait3A_484 = tpu.memref_squeeze %dma_wait3A_483 : memref<1x1x128xi32, #tpu.memory_space<vmem>> -> memref<128xi32, #tpu.memory_space<vmem>>
    %dma_wait3A_485 = arith.constant 0 : i32
    %dma_wait3A_486 = arith.constant 0 : i32
    %dma_wait3A_487 = tpu.memref_slice %arg3[%dma_wait3A_485, %dma_wait3A_486] : memref<100000x128xf32, #tpu.memory_space<hbm>> -> memref<100000x128xf32, #tpu.memory_space<hbm>>
    tpu.wait_indirect_dma semaphore(%arg9 : memref<!tpu.dma_semaphore, #tpu.memory_space<semaphore_mem>>) src(%dma_wait3A_487 : memref<100000x128xf32, #tpu.memory_space<hbm>>) dst(%dma_wait3A_481 : memref<128x128xf32, #tpu.memory_space<vmem>>)
    %mul3A_488 = arith.constant 512 : i32
    %mul3A_489 = arith.muli %add3A, %mul3A_488 : i32
    %add3A_490 = arith.constant 0 : i32
    %add3A_491 = arith.addi %mul3A_489, %add3A_490 : i32
    %dma_start3A_492 = arith.constant 0 : i32
    %dma_start3A_493 = arith.constant 0 : i32
    %dma_start3A_494 = arith.constant 0 : i32
    %dma_start3A_495 = arith.constant 64 : i32
    %dma_start3A_496 = tpu.memref_slice %arg8[%dma_start3A_492, %dma_start3A_494, %dma_start3A_495] : memref<2x128x128xf32, #tpu.memory_space<vmem>> -> memref<1x128x64xf32, #tpu.memory_space<vmem>>
    %dma_start3A_497 = tpu.memref_squeeze %dma_start3A_496 : memref<1x128x64xf32, #tpu.memory_space<vmem>> -> memref<128x64xf32, #tpu.memory_space<vmem>>
    %dma_start3A_498 = arith.constant 0 : i32
    %dma_start3A_499 = tpu.memref_slice %arg6[%dma_start3A_493, %add3A_491, %dma_start3A_498] : memref<2x16384x128xf32, #tpu.memory_space<hbm>> -> memref<1x128x64xf32, #tpu.memory_space<hbm>>
    %dma_start3A_500 = tpu.memref_squeeze %dma_start3A_499 : memref<1x128x64xf32, #tpu.memory_space<hbm>> -> memref<128x64xf32, #tpu.memory_space<hbm>>
    %dma_start3A_501 = arith.constant 0 : i32
    %dma_start3A_502 = tpu.memref_slice %arg6[%dma_start3A_493, %add3A_491, %dma_start3A_501] : memref<2x16384x128xf32, #tpu.memory_space<hbm>> -> memref<1x128x64xf32, #tpu.memory_space<hbm>>
    %dma_start3A_503 = tpu.memref_squeeze %dma_start3A_502 : memref<1x128x64xf32, #tpu.memory_space<hbm>> -> memref<128x64xf32, #tpu.memory_space<hbm>>
    %dma_start3A_504 = arith.constant 0 : i32
    %dma_start3A_505 = arith.constant 64 : i32
    %dma_start3A_506 = tpu.memref_slice %arg8[%dma_start3A_492, %dma_start3A_504, %dma_start3A_505] : memref<2x128x128xf32, #tpu.memory_space<vmem>> -> memref<1x128x64xf32, #tpu.memory_space<vmem>>
    %dma_start3A_507 = tpu.memref_squeeze %dma_start3A_506 : memref<1x128x64xf32, #tpu.memory_space<vmem>> -> memref<128x64xf32, #tpu.memory_space<vmem>>
    tpu.enqueue_dma source(%dma_start3A_507 : memref<128x64xf32, #tpu.memory_space<vmem>>) target(%dma_start3A_503 : memref<128x64xf32, #tpu.memory_space<hbm>>) target_semaphore(%arg10 : memref<!tpu.dma_semaphore, #tpu.memory_space<semaphore_mem>>)
    %dma_wait3A_508 = arith.constant 0 : i32
    %dma_wait3A_509 = arith.constant 0 : i32
    %dma_wait3A_510 = arith.constant 0 : i32
    %dma_wait3A_511 = arith.constant 64 : i32
    %dma_wait3A_512 = tpu.memref_slice %arg8[%dma_wait3A_508, %dma_wait3A_510, %dma_wait3A_511] : memref<2x128x128xf32, #tpu.memory_space<vmem>> -> memref<1x128x64xf32, #tpu.memory_space<vmem>>
    %dma_wait3A_513 = tpu.memref_squeeze %dma_wait3A_512 : memref<1x128x64xf32, #tpu.memory_space<vmem>> -> memref<128x64xf32, #tpu.memory_space<vmem>>
    %dma_wait3A_514 = arith.constant 0 : i32
    %dma_wait3A_515 = tpu.memref_slice %arg6[%dma_wait3A_509, %add3A_491, %dma_wait3A_514] : memref<2x16384x128xf32, #tpu.memory_space<hbm>> -> memref<1x128x64xf32, #tpu.memory_space<hbm>>
    %dma_wait3A_516 = tpu.memref_squeeze %dma_wait3A_515 : memref<1x128x64xf32, #tpu.memory_space<hbm>> -> memref<128x64xf32, #tpu.memory_space<hbm>>
    %dma_wait3A_517 = arith.constant 0 : i32
    %dma_wait3A_518 = tpu.memref_slice %arg6[%dma_wait3A_509, %add3A_491, %dma_wait3A_517] : memref<2x16384x128xf32, #tpu.memory_space<hbm>> -> memref<1x128x64xf32, #tpu.memory_space<hbm>>
    %dma_wait3A_519 = tpu.memref_squeeze %dma_wait3A_518 : memref<1x128x64xf32, #tpu.memory_space<hbm>> -> memref<128x64xf32, #tpu.memory_space<hbm>>
    %dma_wait3A_520 = arith.constant 0 : i32
    %dma_wait3A_521 = arith.constant 64 : i32
    %dma_wait3A_522 = tpu.memref_slice %arg8[%dma_wait3A_508, %dma_wait3A_520, %dma_wait3A_521] : memref<2x128x128xf32, #tpu.memory_space<vmem>> -> memref<1x128x64xf32, #tpu.memory_space<vmem>>
    %dma_wait3A_523 = tpu.memref_squeeze %dma_wait3A_522 : memref<1x128x64xf32, #tpu.memory_space<vmem>> -> memref<128x64xf32, #tpu.memory_space<vmem>>
    tpu.wait_dma2 semaphore(%arg10 : memref<!tpu.dma_semaphore, #tpu.memory_space<semaphore_mem>>) src(%dma_wait3A_523 : memref<128x64xf32, #tpu.memory_space<vmem>>) dst(%dma_wait3A_519 : memref<128x64xf32, #tpu.memory_space<hbm>>)
    %dma_start3A_524 = arith.constant 2 : i32
    %dma_start3A_525 = arith.constant 2 : i32
    %dma_start3A_526 = arith.constant 0 : i32
    %dma_start3A_527 = arith.constant 0 : i32
    %dma_start3A_528 = arith.constant 0 : i32
    %dma_start3A_529 = tpu.memref_slice %arg8[%dma_start3A_526, %dma_start3A_527, %dma_start3A_528] : memref<2x128x128xf32, #tpu.memory_space<vmem>> -> memref<1x128x128xf32, #tpu.memory_space<vmem>>
    %dma_start3A_530 = tpu.memref_squeeze %dma_start3A_529 : memref<1x128x128xf32, #tpu.memory_space<vmem>> -> memref<128x128xf32, #tpu.memory_space<vmem>>
    %dma_start3A_531 = arith.constant 0 : i32
    %dma_start3A_532 = tpu.memref_slice %arg7[%dma_start3A_524, %dma_start3A_525, %dma_start3A_531] : memref<6x4x128xi32, #tpu.memory_space<vmem>> -> memref<1x1x128xi32, #tpu.memory_space<vmem>>
    %dma_start3A_533 = tpu.memref_squeeze %dma_start3A_532 : memref<1x1x128xi32, #tpu.memory_space<vmem>> -> memref<128xi32, #tpu.memory_space<vmem>>
    %dma_start3A_534 = arith.constant 0 : i32
    %dma_start3A_535 = arith.constant 0 : i32
    %dma_start3A_536 = tpu.memref_slice %arg3[%dma_start3A_534, %dma_start3A_535] : memref<100000x128xf32, #tpu.memory_space<hbm>> -> memref<100000x128xf32, #tpu.memory_space<hbm>>
    tpu.enqueue_indirect_dma source(%dma_start3A_536 : memref<100000x128xf32, #tpu.memory_space<hbm>>) target(%dma_start3A_530 : memref<128x128xf32, #tpu.memory_space<vmem>>) offsets(%dma_start3A_533 : memref<128xi32, #tpu.memory_space<vmem>>) semaphore(%arg9 : memref<!tpu.dma_semaphore, #tpu.memory_space<semaphore_mem>>)
    %dma_wait3A_537 = arith.constant 2 : i32
    %dma_wait3A_538 = arith.constant 1 : i32
    %dma_wait3A_539 = arith.constant 1 : i32
    %dma_wait3A_540 = arith.constant 0 : i32
    %dma_wait3A_541 = arith.constant 0 : i32
    %dma_wait3A_542 = tpu.memref_slice %arg8[%dma_wait3A_539, %dma_wait3A_540, %dma_wait3A_541] : memref<2x128x128xf32, #tpu.memory_space<vmem>> -> memref<1x128x128xf32, #tpu.memory_space<vmem>>
    %dma_wait3A_543 = tpu.memref_squeeze %dma_wait3A_542 : memref<1x128x128xf32, #tpu.memory_space<vmem>> -> memref<128x128xf32, #tpu.memory_space<vmem>>
    %dma_wait3A_544 = arith.constant 0 : i32
    %dma_wait3A_545 = tpu.memref_slice %arg7[%dma_wait3A_537, %dma_wait3A_538, %dma_wait3A_544] : memref<6x4x128xi32, #tpu.memory_space<vmem>> -> memref<1x1x128xi32, #tpu.memory_space<vmem>>
    %dma_wait3A_546 = tpu.memref_squeeze %dma_wait3A_545 : memref<1x1x128xi32, #tpu.memory_space<vmem>> -> memref<128xi32, #tpu.memory_space<vmem>>
    %dma_wait3A_547 = arith.constant 0 : i32
    %dma_wait3A_548 = arith.constant 0 : i32
    %dma_wait3A_549 = tpu.memref_slice %arg3[%dma_wait3A_547, %dma_wait3A_548] : memref<100000x128xf32, #tpu.memory_space<hbm>> -> memref<100000x128xf32, #tpu.memory_space<hbm>>
    tpu.wait_indirect_dma semaphore(%arg9 : memref<!tpu.dma_semaphore, #tpu.memory_space<semaphore_mem>>) src(%dma_wait3A_549 : memref<100000x128xf32, #tpu.memory_space<hbm>>) dst(%dma_wait3A_543 : memref<128x128xf32, #tpu.memory_space<vmem>>)
    %mul3A_550 = arith.constant 512 : i32
    %mul3A_551 = arith.muli %add3A, %mul3A_550 : i32
    %add3A_552 = arith.constant 128 : i32
    %add3A_553 = arith.addi %mul3A_551, %add3A_552 : i32
    %dma_start3A_554 = arith.constant 1 : i32
    %dma_start3A_555 = arith.constant 0 : i32
    %dma_start3A_556 = arith.constant 0 : i32
    %dma_start3A_557 = arith.constant 64 : i32
    %dma_start3A_558 = tpu.memref_slice %arg8[%dma_start3A_554, %dma_start3A_556, %dma_start3A_557] : memref<2x128x128xf32, #tpu.memory_space<vmem>> -> memref<1x128x64xf32, #tpu.memory_space<vmem>>
    %dma_start3A_559 = tpu.memref_squeeze %dma_start3A_558 : memref<1x128x64xf32, #tpu.memory_space<vmem>> -> memref<128x64xf32, #tpu.memory_space<vmem>>
    %dma_start3A_560 = arith.constant 0 : i32
    %dma_start3A_561 = tpu.memref_slice %arg6[%dma_start3A_555, %add3A_553, %dma_start3A_560] : memref<2x16384x128xf32, #tpu.memory_space<hbm>> -> memref<1x128x64xf32, #tpu.memory_space<hbm>>
    %dma_start3A_562 = tpu.memref_squeeze %dma_start3A_561 : memref<1x128x64xf32, #tpu.memory_space<hbm>> -> memref<128x64xf32, #tpu.memory_space<hbm>>
    %dma_start3A_563 = arith.constant 0 : i32
    %dma_start3A_564 = tpu.memref_slice %arg6[%dma_start3A_555, %add3A_553, %dma_start3A_563] : memref<2x16384x128xf32, #tpu.memory_space<hbm>> -> memref<1x128x64xf32, #tpu.memory_space<hbm>>
    %dma_start3A_565 = tpu.memref_squeeze %dma_start3A_564 : memref<1x128x64xf32, #tpu.memory_space<hbm>> -> memref<128x64xf32, #tpu.memory_space<hbm>>
    %dma_start3A_566 = arith.constant 0 : i32
    %dma_start3A_567 = arith.constant 64 : i32
    %dma_start3A_568 = tpu.memref_slice %arg8[%dma_start3A_554, %dma_start3A_566, %dma_start3A_567] : memref<2x128x128xf32, #tpu.memory_space<vmem>> -> memref<1x128x64xf32, #tpu.memory_space<vmem>>
    %dma_start3A_569 = tpu.memref_squeeze %dma_start3A_568 : memref<1x128x64xf32, #tpu.memory_space<vmem>> -> memref<128x64xf32, #tpu.memory_space<vmem>>
    tpu.enqueue_dma source(%dma_start3A_569 : memref<128x64xf32, #tpu.memory_space<vmem>>) target(%dma_start3A_565 : memref<128x64xf32, #tpu.memory_space<hbm>>) target_semaphore(%arg11 : memref<!tpu.dma_semaphore, #tpu.memory_space<semaphore_mem>>)
    %dma_wait3A_570 = arith.constant 1 : i32
    %dma_wait3A_571 = arith.constant 0 : i32
    %dma_wait3A_572 = arith.constant 0 : i32
    %dma_wait3A_573 = arith.constant 64 : i32
    %dma_wait3A_574 = tpu.memref_slice %arg8[%dma_wait3A_570, %dma_wait3A_572, %dma_wait3A_573] : memref<2x128x128xf32, #tpu.memory_space<vmem>> -> memref<1x128x64xf32, #tpu.memory_space<vmem>>
    %dma_wait3A_575 = tpu.memref_squeeze %dma_wait3A_574 : memref<1x128x64xf32, #tpu.memory_space<vmem>> -> memref<128x64xf32, #tpu.memory_space<vmem>>
    %dma_wait3A_576 = arith.constant 0 : i32
    %dma_wait3A_577 = tpu.memref_slice %arg6[%dma_wait3A_571, %add3A_553, %dma_wait3A_576] : memref<2x16384x128xf32, #tpu.memory_space<hbm>> -> memref<1x128x64xf32, #tpu.memory_space<hbm>>
    %dma_wait3A_578 = tpu.memref_squeeze %dma_wait3A_577 : memref<1x128x64xf32, #tpu.memory_space<hbm>> -> memref<128x64xf32, #tpu.memory_space<hbm>>
    %dma_wait3A_579 = arith.constant 0 : i32
    %dma_wait3A_580 = tpu.memref_slice %arg6[%dma_wait3A_571, %add3A_553, %dma_wait3A_579] : memref<2x16384x128xf32, #tpu.memory_space<hbm>> -> memref<1x128x64xf32, #tpu.memory_space<hbm>>
    %dma_wait3A_581 = tpu.memref_squeeze %dma_wait3A_580 : memref<1x128x64xf32, #tpu.memory_space<hbm>> -> memref<128x64xf32, #tpu.memory_space<hbm>>
    %dma_wait3A_582 = arith.constant 0 : i32
    %dma_wait3A_583 = arith.constant 64 : i32
    %dma_wait3A_584 = tpu.memref_slice %arg8[%dma_wait3A_570, %dma_wait3A_582, %dma_wait3A_583] : memref<2x128x128xf32, #tpu.memory_space<vmem>> -> memref<1x128x64xf32, #tpu.memory_space<vmem>>
    %dma_wait3A_585 = tpu.memref_squeeze %dma_wait3A_584 : memref<1x128x64xf32, #tpu.memory_space<vmem>> -> memref<128x64xf32, #tpu.memory_space<vmem>>
    tpu.wait_dma2 semaphore(%arg11 : memref<!tpu.dma_semaphore, #tpu.memory_space<semaphore_mem>>) src(%dma_wait3A_585 : memref<128x64xf32, #tpu.memory_space<vmem>>) dst(%dma_wait3A_581 : memref<128x64xf32, #tpu.memory_space<hbm>>)
    %dma_start3A_586 = arith.constant 2 : i32
    %dma_start3A_587 = arith.constant 3 : i32
    %dma_start3A_588 = arith.constant 1 : i32
    %dma_start3A_589 = arith.constant 0 : i32
    %dma_start3A_590 = arith.constant 0 : i32
    %dma_start3A_591 = tpu.memref_slice %arg8[%dma_start3A_588, %dma_start3A_589, %dma_start3A_590] : memref<2x128x128xf32, #tpu.memory_space<vmem>> -> memref<1x128x128xf32, #tpu.memory_space<vmem>>
    %dma_start3A_592 = tpu.memref_squeeze %dma_start3A_591 : memref<1x128x128xf32, #tpu.memory_space<vmem>> -> memref<128x128xf32, #tpu.memory_space<vmem>>
    %dma_start3A_593 = arith.constant 0 : i32
    %dma_start3A_594 = tpu.memref_slice %arg7[%dma_start3A_586, %dma_start3A_587, %dma_start3A_593] : memref<6x4x128xi32, #tpu.memory_space<vmem>> -> memref<1x1x128xi32, #tpu.memory_space<vmem>>
    %dma_start3A_595 = tpu.memref_squeeze %dma_start3A_594 : memref<1x1x128xi32, #tpu.memory_space<vmem>> -> memref<128xi32, #tpu.memory_space<vmem>>
    %dma_start3A_596 = arith.constant 0 : i32
    %dma_start3A_597 = arith.constant 0 : i32
    %dma_start3A_598 = tpu.memref_slice %arg3[%dma_start3A_596, %dma_start3A_597] : memref<100000x128xf32, #tpu.memory_space<hbm>> -> memref<100000x128xf32, #tpu.memory_space<hbm>>
    tpu.enqueue_indirect_dma source(%dma_start3A_598 : memref<100000x128xf32, #tpu.memory_space<hbm>>) target(%dma_start3A_592 : memref<128x128xf32, #tpu.memory_space<vmem>>) offsets(%dma_start3A_595 : memref<128xi32, #tpu.memory_space<vmem>>) semaphore(%arg9 : memref<!tpu.dma_semaphore, #tpu.memory_space<semaphore_mem>>)
    %dma_wait3A_599 = arith.constant 2 : i32
    %dma_wait3A_600 = arith.constant 2 : i32
    %dma_wait3A_601 = arith.constant 0 : i32
    %dma_wait3A_602 = arith.constant 0 : i32
    %dma_wait3A_603 = arith.constant 0 : i32
    %dma_wait3A_604 = tpu.memref_slice %arg8[%dma_wait3A_601, %dma_wait3A_602, %dma_wait3A_603] : memref<2x128x128xf32, #tpu.memory_space<vmem>> -> memref<1x128x128xf32, #tpu.memory_space<vmem>>
    %dma_wait3A_605 = tpu.memref_squeeze %dma_wait3A_604 : memref<1x128x128xf32, #tpu.memory_space<vmem>> -> memref<128x128xf32, #tpu.memory_space<vmem>>
    %dma_wait3A_606 = arith.constant 0 : i32
    %dma_wait3A_607 = tpu.memref_slice %arg7[%dma_wait3A_599, %dma_wait3A_600, %dma_wait3A_606] : memref<6x4x128xi32, #tpu.memory_space<vmem>> -> memref<1x1x128xi32, #tpu.memory_space<vmem>>
    %dma_wait3A_608 = tpu.memref_squeeze %dma_wait3A_607 : memref<1x1x128xi32, #tpu.memory_space<vmem>> -> memref<128xi32, #tpu.memory_space<vmem>>
    %dma_wait3A_609 = arith.constant 0 : i32
    %dma_wait3A_610 = arith.constant 0 : i32
    %dma_wait3A_611 = tpu.memref_slice %arg3[%dma_wait3A_609, %dma_wait3A_610] : memref<100000x128xf32, #tpu.memory_space<hbm>> -> memref<100000x128xf32, #tpu.memory_space<hbm>>
    tpu.wait_indirect_dma semaphore(%arg9 : memref<!tpu.dma_semaphore, #tpu.memory_space<semaphore_mem>>) src(%dma_wait3A_611 : memref<100000x128xf32, #tpu.memory_space<hbm>>) dst(%dma_wait3A_605 : memref<128x128xf32, #tpu.memory_space<vmem>>)
    %mul3A_612 = arith.constant 512 : i32
    %mul3A_613 = arith.muli %add3A, %mul3A_612 : i32
    %add3A_614 = arith.constant 256 : i32
    %add3A_615 = arith.addi %mul3A_613, %add3A_614 : i32
    %dma_start3A_616 = arith.constant 0 : i32
    %dma_start3A_617 = arith.constant 0 : i32
    %dma_start3A_618 = arith.constant 0 : i32
    %dma_start3A_619 = arith.constant 64 : i32
    %dma_start3A_620 = tpu.memref_slice %arg8[%dma_start3A_616, %dma_start3A_618, %dma_start3A_619] : memref<2x128x128xf32, #tpu.memory_space<vmem>> -> memref<1x128x64xf32, #tpu.memory_space<vmem>>
    %dma_start3A_621 = tpu.memref_squeeze %dma_start3A_620 : memref<1x128x64xf32, #tpu.memory_space<vmem>> -> memref<128x64xf32, #tpu.memory_space<vmem>>
    %dma_start3A_622 = arith.constant 0 : i32
    %dma_start3A_623 = tpu.memref_slice %arg6[%dma_start3A_617, %add3A_615, %dma_start3A_622] : memref<2x16384x128xf32, #tpu.memory_space<hbm>> -> memref<1x128x64xf32, #tpu.memory_space<hbm>>
    %dma_start3A_624 = tpu.memref_squeeze %dma_start3A_623 : memref<1x128x64xf32, #tpu.memory_space<hbm>> -> memref<128x64xf32, #tpu.memory_space<hbm>>
    %dma_start3A_625 = arith.constant 0 : i32
    %dma_start3A_626 = tpu.memref_slice %arg6[%dma_start3A_617, %add3A_615, %dma_start3A_625] : memref<2x16384x128xf32, #tpu.memory_space<hbm>> -> memref<1x128x64xf32, #tpu.memory_space<hbm>>
    %dma_start3A_627 = tpu.memref_squeeze %dma_start3A_626 : memref<1x128x64xf32, #tpu.memory_space<hbm>> -> memref<128x64xf32, #tpu.memory_space<hbm>>
    %dma_start3A_628 = arith.constant 0 : i32
    %dma_start3A_629 = arith.constant 64 : i32
    %dma_start3A_630 = tpu.memref_slice %arg8[%dma_start3A_616, %dma_start3A_628, %dma_start3A_629] : memref<2x128x128xf32, #tpu.memory_space<vmem>> -> memref<1x128x64xf32, #tpu.memory_space<vmem>>
    %dma_start3A_631 = tpu.memref_squeeze %dma_start3A_630 : memref<1x128x64xf32, #tpu.memory_space<vmem>> -> memref<128x64xf32, #tpu.memory_space<vmem>>
    tpu.enqueue_dma source(%dma_start3A_631 : memref<128x64xf32, #tpu.memory_space<vmem>>) target(%dma_start3A_627 : memref<128x64xf32, #tpu.memory_space<hbm>>) target_semaphore(%arg10 : memref<!tpu.dma_semaphore, #tpu.memory_space<semaphore_mem>>)
    %dma_wait3A_632 = arith.constant 0 : i32
    %dma_wait3A_633 = arith.constant 0 : i32
    %dma_wait3A_634 = arith.constant 0 : i32
    %dma_wait3A_635 = arith.constant 64 : i32
    %dma_wait3A_636 = tpu.memref_slice %arg8[%dma_wait3A_632, %dma_wait3A_634, %dma_wait3A_635] : memref<2x128x128xf32, #tpu.memory_space<vmem>> -> memref<1x128x64xf32, #tpu.memory_space<vmem>>
    %dma_wait3A_637 = tpu.memref_squeeze %dma_wait3A_636 : memref<1x128x64xf32, #tpu.memory_space<vmem>> -> memref<128x64xf32, #tpu.memory_space<vmem>>
    %dma_wait3A_638 = arith.constant 0 : i32
    %dma_wait3A_639 = tpu.memref_slice %arg6[%dma_wait3A_633, %add3A_615, %dma_wait3A_638] : memref<2x16384x128xf32, #tpu.memory_space<hbm>> -> memref<1x128x64xf32, #tpu.memory_space<hbm>>
    %dma_wait3A_640 = tpu.memref_squeeze %dma_wait3A_639 : memref<1x128x64xf32, #tpu.memory_space<hbm>> -> memref<128x64xf32, #tpu.memory_space<hbm>>
    %dma_wait3A_641 = arith.constant 0 : i32
    %dma_wait3A_642 = tpu.memref_slice %arg6[%dma_wait3A_633, %add3A_615, %dma_wait3A_641] : memref<2x16384x128xf32, #tpu.memory_space<hbm>> -> memref<1x128x64xf32, #tpu.memory_space<hbm>>
    %dma_wait3A_643 = tpu.memref_squeeze %dma_wait3A_642 : memref<1x128x64xf32, #tpu.memory_space<hbm>> -> memref<128x64xf32, #tpu.memory_space<hbm>>
    %dma_wait3A_644 = arith.constant 0 : i32
    %dma_wait3A_645 = arith.constant 64 : i32
    %dma_wait3A_646 = tpu.memref_slice %arg8[%dma_wait3A_632, %dma_wait3A_644, %dma_wait3A_645] : memref<2x128x128xf32, #tpu.memory_space<vmem>> -> memref<1x128x64xf32, #tpu.memory_space<vmem>>
    %dma_wait3A_647 = tpu.memref_squeeze %dma_wait3A_646 : memref<1x128x64xf32, #tpu.memory_space<vmem>> -> memref<128x64xf32, #tpu.memory_space<vmem>>
    tpu.wait_dma2 semaphore(%arg10 : memref<!tpu.dma_semaphore, #tpu.memory_space<semaphore_mem>>) src(%dma_wait3A_647 : memref<128x64xf32, #tpu.memory_space<vmem>>) dst(%dma_wait3A_643 : memref<128x64xf32, #tpu.memory_space<hbm>>)
    %dma_start3A_648 = arith.constant 3 : i32
    %dma_start3A_649 = arith.constant 0 : i32
    %dma_start3A_650 = arith.constant 0 : i32
    %dma_start3A_651 = arith.constant 0 : i32
    %dma_start3A_652 = arith.constant 0 : i32
    %dma_start3A_653 = tpu.memref_slice %arg8[%dma_start3A_650, %dma_start3A_651, %dma_start3A_652] : memref<2x128x128xf32, #tpu.memory_space<vmem>> -> memref<1x128x128xf32, #tpu.memory_space<vmem>>
    %dma_start3A_654 = tpu.memref_squeeze %dma_start3A_653 : memref<1x128x128xf32, #tpu.memory_space<vmem>> -> memref<128x128xf32, #tpu.memory_space<vmem>>
    %dma_start3A_655 = arith.constant 0 : i32
    %dma_start3A_656 = tpu.memref_slice %arg7[%dma_start3A_648, %dma_start3A_649, %dma_start3A_655] : memref<6x4x128xi32, #tpu.memory_space<vmem>> -> memref<1x1x128xi32, #tpu.memory_space<vmem>>
    %dma_start3A_657 = tpu.memref_squeeze %dma_start3A_656 : memref<1x1x128xi32, #tpu.memory_space<vmem>> -> memref<128xi32, #tpu.memory_space<vmem>>
    %dma_start3A_658 = arith.constant 0 : i32
    %dma_start3A_659 = arith.constant 0 : i32
    %dma_start3A_660 = tpu.memref_slice %arg3[%dma_start3A_658, %dma_start3A_659] : memref<100000x128xf32, #tpu.memory_space<hbm>> -> memref<100000x128xf32, #tpu.memory_space<hbm>>
    tpu.enqueue_indirect_dma source(%dma_start3A_660 : memref<100000x128xf32, #tpu.memory_space<hbm>>) target(%dma_start3A_654 : memref<128x128xf32, #tpu.memory_space<vmem>>) offsets(%dma_start3A_657 : memref<128xi32, #tpu.memory_space<vmem>>) semaphore(%arg9 : memref<!tpu.dma_semaphore, #tpu.memory_space<semaphore_mem>>)
    %dma_wait3A_661 = arith.constant 2 : i32
    %dma_wait3A_662 = arith.constant 3 : i32
    %dma_wait3A_663 = arith.constant 1 : i32
    %dma_wait3A_664 = arith.constant 0 : i32
    %dma_wait3A_665 = arith.constant 0 : i32
    %dma_wait3A_666 = tpu.memref_slice %arg8[%dma_wait3A_663, %dma_wait3A_664, %dma_wait3A_665] : memref<2x128x128xf32, #tpu.memory_space<vmem>> -> memref<1x128x128xf32, #tpu.memory_space<vmem>>
    %dma_wait3A_667 = tpu.memref_squeeze %dma_wait3A_666 : memref<1x128x128xf32, #tpu.memory_space<vmem>> -> memref<128x128xf32, #tpu.memory_space<vmem>>
    %dma_wait3A_668 = arith.constant 0 : i32
    %dma_wait3A_669 = tpu.memref_slice %arg7[%dma_wait3A_661, %dma_wait3A_662, %dma_wait3A_668] : memref<6x4x128xi32, #tpu.memory_space<vmem>> -> memref<1x1x128xi32, #tpu.memory_space<vmem>>
    %dma_wait3A_670 = tpu.memref_squeeze %dma_wait3A_669 : memref<1x1x128xi32, #tpu.memory_space<vmem>> -> memref<128xi32, #tpu.memory_space<vmem>>
    %dma_wait3A_671 = arith.constant 0 : i32
    %dma_wait3A_672 = arith.constant 0 : i32
    %dma_wait3A_673 = tpu.memref_slice %arg3[%dma_wait3A_671, %dma_wait3A_672] : memref<100000x128xf32, #tpu.memory_space<hbm>> -> memref<100000x128xf32, #tpu.memory_space<hbm>>
    tpu.wait_indirect_dma semaphore(%arg9 : memref<!tpu.dma_semaphore, #tpu.memory_space<semaphore_mem>>) src(%dma_wait3A_673 : memref<100000x128xf32, #tpu.memory_space<hbm>>) dst(%dma_wait3A_667 : memref<128x128xf32, #tpu.memory_space<vmem>>)
    %mul3A_674 = arith.constant 512 : i32
    %mul3A_675 = arith.muli %add3A, %mul3A_674 : i32
    %add3A_676 = arith.constant 384 : i32
    %add3A_677 = arith.addi %mul3A_675, %add3A_676 : i32
    %dma_start3A_678 = arith.constant 1 : i32
    %dma_start3A_679 = arith.constant 0 : i32
    %dma_start3A_680 = arith.constant 0 : i32
    %dma_start3A_681 = arith.constant 64 : i32
    %dma_start3A_682 = tpu.memref_slice %arg8[%dma_start3A_678, %dma_start3A_680, %dma_start3A_681] : memref<2x128x128xf32, #tpu.memory_space<vmem>> -> memref<1x128x64xf32, #tpu.memory_space<vmem>>
    %dma_start3A_683 = tpu.memref_squeeze %dma_start3A_682 : memref<1x128x64xf32, #tpu.memory_space<vmem>> -> memref<128x64xf32, #tpu.memory_space<vmem>>
    %dma_start3A_684 = arith.constant 0 : i32
    %dma_start3A_685 = tpu.memref_slice %arg6[%dma_start3A_679, %add3A_677, %dma_start3A_684] : memref<2x16384x128xf32, #tpu.memory_space<hbm>> -> memref<1x128x64xf32, #tpu.memory_space<hbm>>
    %dma_start3A_686 = tpu.memref_squeeze %dma_start3A_685 : memref<1x128x64xf32, #tpu.memory_space<hbm>> -> memref<128x64xf32, #tpu.memory_space<hbm>>
    %dma_start3A_687 = arith.constant 0 : i32
    %dma_start3A_688 = tpu.memref_slice %arg6[%dma_start3A_679, %add3A_677, %dma_start3A_687] : memref<2x16384x128xf32, #tpu.memory_space<hbm>> -> memref<1x128x64xf32, #tpu.memory_space<hbm>>
    %dma_start3A_689 = tpu.memref_squeeze %dma_start3A_688 : memref<1x128x64xf32, #tpu.memory_space<hbm>> -> memref<128x64xf32, #tpu.memory_space<hbm>>
    %dma_start3A_690 = arith.constant 0 : i32
    %dma_start3A_691 = arith.constant 64 : i32
    %dma_start3A_692 = tpu.memref_slice %arg8[%dma_start3A_678, %dma_start3A_690, %dma_start3A_691] : memref<2x128x128xf32, #tpu.memory_space<vmem>> -> memref<1x128x64xf32, #tpu.memory_space<vmem>>
    %dma_start3A_693 = tpu.memref_squeeze %dma_start3A_692 : memref<1x128x64xf32, #tpu.memory_space<vmem>> -> memref<128x64xf32, #tpu.memory_space<vmem>>
    tpu.enqueue_dma source(%dma_start3A_693 : memref<128x64xf32, #tpu.memory_space<vmem>>) target(%dma_start3A_689 : memref<128x64xf32, #tpu.memory_space<hbm>>) target_semaphore(%arg11 : memref<!tpu.dma_semaphore, #tpu.memory_space<semaphore_mem>>)
    %dma_wait3A_694 = arith.constant 1 : i32
    %dma_wait3A_695 = arith.constant 0 : i32
    %dma_wait3A_696 = arith.constant 0 : i32
    %dma_wait3A_697 = arith.constant 64 : i32
    %dma_wait3A_698 = tpu.memref_slice %arg8[%dma_wait3A_694, %dma_wait3A_696, %dma_wait3A_697] : memref<2x128x128xf32, #tpu.memory_space<vmem>> -> memref<1x128x64xf32, #tpu.memory_space<vmem>>
    %dma_wait3A_699 = tpu.memref_squeeze %dma_wait3A_698 : memref<1x128x64xf32, #tpu.memory_space<vmem>> -> memref<128x64xf32, #tpu.memory_space<vmem>>
    %dma_wait3A_700 = arith.constant 0 : i32
    %dma_wait3A_701 = tpu.memref_slice %arg6[%dma_wait3A_695, %add3A_677, %dma_wait3A_700] : memref<2x16384x128xf32, #tpu.memory_space<hbm>> -> memref<1x128x64xf32, #tpu.memory_space<hbm>>
    %dma_wait3A_702 = tpu.memref_squeeze %dma_wait3A_701 : memref<1x128x64xf32, #tpu.memory_space<hbm>> -> memref<128x64xf32, #tpu.memory_space<hbm>>
    %dma_wait3A_703 = arith.constant 0 : i32
    %dma_wait3A_704 = tpu.memref_slice %arg6[%dma_wait3A_695, %add3A_677, %dma_wait3A_703] : memref<2x16384x128xf32, #tpu.memory_space<hbm>> -> memref<1x128x64xf32, #tpu.memory_space<hbm>>
    %dma_wait3A_705 = tpu.memref_squeeze %dma_wait3A_704 : memref<1x128x64xf32, #tpu.memory_space<hbm>> -> memref<128x64xf32, #tpu.memory_space<hbm>>
    %dma_wait3A_706 = arith.constant 0 : i32
    %dma_wait3A_707 = arith.constant 64 : i32
    %dma_wait3A_708 = tpu.memref_slice %arg8[%dma_wait3A_694, %dma_wait3A_706, %dma_wait3A_707] : memref<2x128x128xf32, #tpu.memory_space<vmem>> -> memref<1x128x64xf32, #tpu.memory_space<vmem>>
    %dma_wait3A_709 = tpu.memref_squeeze %dma_wait3A_708 : memref<1x128x64xf32, #tpu.memory_space<vmem>> -> memref<128x64xf32, #tpu.memory_space<vmem>>
    tpu.wait_dma2 semaphore(%arg11 : memref<!tpu.dma_semaphore, #tpu.memory_space<semaphore_mem>>) src(%dma_wait3A_709 : memref<128x64xf32, #tpu.memory_space<vmem>>) dst(%dma_wait3A_705 : memref<128x64xf32, #tpu.memory_space<hbm>>)
    %dma_start3A_710 = arith.constant 3 : i32
    %dma_start3A_711 = arith.constant 1 : i32
    %dma_start3A_712 = arith.constant 1 : i32
    %dma_start3A_713 = arith.constant 0 : i32
    %dma_start3A_714 = arith.constant 0 : i32
    %dma_start3A_715 = tpu.memref_slice %arg8[%dma_start3A_712, %dma_start3A_713, %dma_start3A_714] : memref<2x128x128xf32, #tpu.memory_space<vmem>> -> memref<1x128x128xf32, #tpu.memory_space<vmem>>
    %dma_start3A_716 = tpu.memref_squeeze %dma_start3A_715 : memref<1x128x128xf32, #tpu.memory_space<vmem>> -> memref<128x128xf32, #tpu.memory_space<vmem>>
    %dma_start3A_717 = arith.constant 0 : i32
    %dma_start3A_718 = tpu.memref_slice %arg7[%dma_start3A_710, %dma_start3A_711, %dma_start3A_717] : memref<6x4x128xi32, #tpu.memory_space<vmem>> -> memref<1x1x128xi32, #tpu.memory_space<vmem>>
    %dma_start3A_719 = tpu.memref_squeeze %dma_start3A_718 : memref<1x1x128xi32, #tpu.memory_space<vmem>> -> memref<128xi32, #tpu.memory_space<vmem>>
    %dma_start3A_720 = arith.constant 0 : i32
    %dma_start3A_721 = arith.constant 0 : i32
    %dma_start3A_722 = tpu.memref_slice %arg3[%dma_start3A_720, %dma_start3A_721] : memref<100000x128xf32, #tpu.memory_space<hbm>> -> memref<100000x128xf32, #tpu.memory_space<hbm>>
    tpu.enqueue_indirect_dma source(%dma_start3A_722 : memref<100000x128xf32, #tpu.memory_space<hbm>>) target(%dma_start3A_716 : memref<128x128xf32, #tpu.memory_space<vmem>>) offsets(%dma_start3A_719 : memref<128xi32, #tpu.memory_space<vmem>>) semaphore(%arg9 : memref<!tpu.dma_semaphore, #tpu.memory_space<semaphore_mem>>)
    %dma_wait3A_723 = arith.constant 3 : i32
    %dma_wait3A_724 = arith.constant 0 : i32
    %dma_wait3A_725 = arith.constant 0 : i32
    %dma_wait3A_726 = arith.constant 0 : i32
    %dma_wait3A_727 = arith.constant 0 : i32
    %dma_wait3A_728 = tpu.memref_slice %arg8[%dma_wait3A_725, %dma_wait3A_726, %dma_wait3A_727] : memref<2x128x128xf32, #tpu.memory_space<vmem>> -> memref<1x128x128xf32, #tpu.memory_space<vmem>>
    %dma_wait3A_729 = tpu.memref_squeeze %dma_wait3A_728 : memref<1x128x128xf32, #tpu.memory_space<vmem>> -> memref<128x128xf32, #tpu.memory_space<vmem>>
    %dma_wait3A_730 = arith.constant 0 : i32
    %dma_wait3A_731 = tpu.memref_slice %arg7[%dma_wait3A_723, %dma_wait3A_724, %dma_wait3A_730] : memref<6x4x128xi32, #tpu.memory_space<vmem>> -> memref<1x1x128xi32, #tpu.memory_space<vmem>>
    %dma_wait3A_732 = tpu.memref_squeeze %dma_wait3A_731 : memref<1x1x128xi32, #tpu.memory_space<vmem>> -> memref<128xi32, #tpu.memory_space<vmem>>
    %dma_wait3A_733 = arith.constant 0 : i32
    %dma_wait3A_734 = arith.constant 0 : i32
    %dma_wait3A_735 = tpu.memref_slice %arg3[%dma_wait3A_733, %dma_wait3A_734] : memref<100000x128xf32, #tpu.memory_space<hbm>> -> memref<100000x128xf32, #tpu.memory_space<hbm>>
    tpu.wait_indirect_dma semaphore(%arg9 : memref<!tpu.dma_semaphore, #tpu.memory_space<semaphore_mem>>) src(%dma_wait3A_735 : memref<100000x128xf32, #tpu.memory_space<hbm>>) dst(%dma_wait3A_729 : memref<128x128xf32, #tpu.memory_space<vmem>>)
    %mul3A_736 = arith.constant 512 : i32
    %mul3A_737 = arith.muli %add3A, %mul3A_736 : i32
    %add3A_738 = arith.constant 0 : i32
    %add3A_739 = arith.addi %mul3A_737, %add3A_738 : i32
    %dma_start3A_740 = arith.constant 0 : i32
    %dma_start3A_741 = arith.constant 1 : i32
    %dma_start3A_742 = arith.constant 0 : i32
    %dma_start3A_743 = arith.constant 64 : i32
    %dma_start3A_744 = tpu.memref_slice %arg8[%dma_start3A_740, %dma_start3A_742, %dma_start3A_743] : memref<2x128x128xf32, #tpu.memory_space<vmem>> -> memref<1x128x64xf32, #tpu.memory_space<vmem>>
    %dma_start3A_745 = tpu.memref_squeeze %dma_start3A_744 : memref<1x128x64xf32, #tpu.memory_space<vmem>> -> memref<128x64xf32, #tpu.memory_space<vmem>>
    %dma_start3A_746 = arith.constant 0 : i32
    %dma_start3A_747 = tpu.memref_slice %arg6[%dma_start3A_741, %add3A_739, %dma_start3A_746] : memref<2x16384x128xf32, #tpu.memory_space<hbm>> -> memref<1x128x64xf32, #tpu.memory_space<hbm>>
    %dma_start3A_748 = tpu.memref_squeeze %dma_start3A_747 : memref<1x128x64xf32, #tpu.memory_space<hbm>> -> memref<128x64xf32, #tpu.memory_space<hbm>>
    %dma_start3A_749 = arith.constant 0 : i32
    %dma_start3A_750 = tpu.memref_slice %arg6[%dma_start3A_741, %add3A_739, %dma_start3A_749] : memref<2x16384x128xf32, #tpu.memory_space<hbm>> -> memref<1x128x64xf32, #tpu.memory_space<hbm>>
    %dma_start3A_751 = tpu.memref_squeeze %dma_start3A_750 : memref<1x128x64xf32, #tpu.memory_space<hbm>> -> memref<128x64xf32, #tpu.memory_space<hbm>>
    %dma_start3A_752 = arith.constant 0 : i32
    %dma_start3A_753 = arith.constant 64 : i32
    %dma_start3A_754 = tpu.memref_slice %arg8[%dma_start3A_740, %dma_start3A_752, %dma_start3A_753] : memref<2x128x128xf32, #tpu.memory_space<vmem>> -> memref<1x128x64xf32, #tpu.memory_space<vmem>>
    %dma_start3A_755 = tpu.memref_squeeze %dma_start3A_754 : memref<1x128x64xf32, #tpu.memory_space<vmem>> -> memref<128x64xf32, #tpu.memory_space<vmem>>
    tpu.enqueue_dma source(%dma_start3A_755 : memref<128x64xf32, #tpu.memory_space<vmem>>) target(%dma_start3A_751 : memref<128x64xf32, #tpu.memory_space<hbm>>) target_semaphore(%arg10 : memref<!tpu.dma_semaphore, #tpu.memory_space<semaphore_mem>>)
    %dma_wait3A_756 = arith.constant 0 : i32
    %dma_wait3A_757 = arith.constant 1 : i32
    %dma_wait3A_758 = arith.constant 0 : i32
    %dma_wait3A_759 = arith.constant 64 : i32
    %dma_wait3A_760 = tpu.memref_slice %arg8[%dma_wait3A_756, %dma_wait3A_758, %dma_wait3A_759] : memref<2x128x128xf32, #tpu.memory_space<vmem>> -> memref<1x128x64xf32, #tpu.memory_space<vmem>>
    %dma_wait3A_761 = tpu.memref_squeeze %dma_wait3A_760 : memref<1x128x64xf32, #tpu.memory_space<vmem>> -> memref<128x64xf32, #tpu.memory_space<vmem>>
    %dma_wait3A_762 = arith.constant 0 : i32
    %dma_wait3A_763 = tpu.memref_slice %arg6[%dma_wait3A_757, %add3A_739, %dma_wait3A_762] : memref<2x16384x128xf32, #tpu.memory_space<hbm>> -> memref<1x128x64xf32, #tpu.memory_space<hbm>>
    %dma_wait3A_764 = tpu.memref_squeeze %dma_wait3A_763 : memref<1x128x64xf32, #tpu.memory_space<hbm>> -> memref<128x64xf32, #tpu.memory_space<hbm>>
    %dma_wait3A_765 = arith.constant 0 : i32
    %dma_wait3A_766 = tpu.memref_slice %arg6[%dma_wait3A_757, %add3A_739, %dma_wait3A_765] : memref<2x16384x128xf32, #tpu.memory_space<hbm>> -> memref<1x128x64xf32, #tpu.memory_space<hbm>>
    %dma_wait3A_767 = tpu.memref_squeeze %dma_wait3A_766 : memref<1x128x64xf32, #tpu.memory_space<hbm>> -> memref<128x64xf32, #tpu.memory_space<hbm>>
    %dma_wait3A_768 = arith.constant 0 : i32
    %dma_wait3A_769 = arith.constant 64 : i32
    %dma_wait3A_770 = tpu.memref_slice %arg8[%dma_wait3A_756, %dma_wait3A_768, %dma_wait3A_769] : memref<2x128x128xf32, #tpu.memory_space<vmem>> -> memref<1x128x64xf32, #tpu.memory_space<vmem>>
    %dma_wait3A_771 = tpu.memref_squeeze %dma_wait3A_770 : memref<1x128x64xf32, #tpu.memory_space<vmem>> -> memref<128x64xf32, #tpu.memory_space<vmem>>
    tpu.wait_dma2 semaphore(%arg10 : memref<!tpu.dma_semaphore, #tpu.memory_space<semaphore_mem>>) src(%dma_wait3A_771 : memref<128x64xf32, #tpu.memory_space<vmem>>) dst(%dma_wait3A_767 : memref<128x64xf32, #tpu.memory_space<hbm>>)
    %dma_start3A_772 = arith.constant 3 : i32
    %dma_start3A_773 = arith.constant 2 : i32
    %dma_start3A_774 = arith.constant 0 : i32
    %dma_start3A_775 = arith.constant 0 : i32
    %dma_start3A_776 = arith.constant 0 : i32
    %dma_start3A_777 = tpu.memref_slice %arg8[%dma_start3A_774, %dma_start3A_775, %dma_start3A_776] : memref<2x128x128xf32, #tpu.memory_space<vmem>> -> memref<1x128x128xf32, #tpu.memory_space<vmem>>
    %dma_start3A_778 = tpu.memref_squeeze %dma_start3A_777 : memref<1x128x128xf32, #tpu.memory_space<vmem>> -> memref<128x128xf32, #tpu.memory_space<vmem>>
    %dma_start3A_779 = arith.constant 0 : i32
    %dma_start3A_780 = tpu.memref_slice %arg7[%dma_start3A_772, %dma_start3A_773, %dma_start3A_779] : memref<6x4x128xi32, #tpu.memory_space<vmem>> -> memref<1x1x128xi32, #tpu.memory_space<vmem>>
    %dma_start3A_781 = tpu.memref_squeeze %dma_start3A_780 : memref<1x1x128xi32, #tpu.memory_space<vmem>> -> memref<128xi32, #tpu.memory_space<vmem>>
    %dma_start3A_782 = arith.constant 0 : i32
    %dma_start3A_783 = arith.constant 0 : i32
    %dma_start3A_784 = tpu.memref_slice %arg3[%dma_start3A_782, %dma_start3A_783] : memref<100000x128xf32, #tpu.memory_space<hbm>> -> memref<100000x128xf32, #tpu.memory_space<hbm>>
    tpu.enqueue_indirect_dma source(%dma_start3A_784 : memref<100000x128xf32, #tpu.memory_space<hbm>>) target(%dma_start3A_778 : memref<128x128xf32, #tpu.memory_space<vmem>>) offsets(%dma_start3A_781 : memref<128xi32, #tpu.memory_space<vmem>>) semaphore(%arg9 : memref<!tpu.dma_semaphore, #tpu.memory_space<semaphore_mem>>)
    %dma_wait3A_785 = arith.constant 3 : i32
    %dma_wait3A_786 = arith.constant 1 : i32
    %dma_wait3A_787 = arith.constant 1 : i32
    %dma_wait3A_788 = arith.constant 0 : i32
    %dma_wait3A_789 = arith.constant 0 : i32
    %dma_wait3A_790 = tpu.memref_slice %arg8[%dma_wait3A_787, %dma_wait3A_788, %dma_wait3A_789] : memref<2x128x128xf32, #tpu.memory_space<vmem>> -> memref<1x128x128xf32, #tpu.memory_space<vmem>>
    %dma_wait3A_791 = tpu.memref_squeeze %dma_wait3A_790 : memref<1x128x128xf32, #tpu.memory_space<vmem>> -> memref<128x128xf32, #tpu.memory_space<vmem>>
    %dma_wait3A_792 = arith.constant 0 : i32
    %dma_wait3A_793 = tpu.memref_slice %arg7[%dma_wait3A_785, %dma_wait3A_786, %dma_wait3A_792] : memref<6x4x128xi32, #tpu.memory_space<vmem>> -> memref<1x1x128xi32, #tpu.memory_space<vmem>>
    %dma_wait3A_794 = tpu.memref_squeeze %dma_wait3A_793 : memref<1x1x128xi32, #tpu.memory_space<vmem>> -> memref<128xi32, #tpu.memory_space<vmem>>
    %dma_wait3A_795 = arith.constant 0 : i32
    %dma_wait3A_796 = arith.constant 0 : i32
    %dma_wait3A_797 = tpu.memref_slice %arg3[%dma_wait3A_795, %dma_wait3A_796] : memref<100000x128xf32, #tpu.memory_space<hbm>> -> memref<100000x128xf32, #tpu.memory_space<hbm>>
    tpu.wait_indirect_dma semaphore(%arg9 : memref<!tpu.dma_semaphore, #tpu.memory_space<semaphore_mem>>) src(%dma_wait3A_797 : memref<100000x128xf32, #tpu.memory_space<hbm>>) dst(%dma_wait3A_791 : memref<128x128xf32, #tpu.memory_space<vmem>>)
    %mul3A_798 = arith.constant 512 : i32
    %mul3A_799 = arith.muli %add3A, %mul3A_798 : i32
    %add3A_800 = arith.constant 128 : i32
    %add3A_801 = arith.addi %mul3A_799, %add3A_800 : i32
    %dma_start3A_802 = arith.constant 1 : i32
    %dma_start3A_803 = arith.constant 1 : i32
    %dma_start3A_804 = arith.constant 0 : i32
    %dma_start3A_805 = arith.constant 64 : i32
    %dma_start3A_806 = tpu.memref_slice %arg8[%dma_start3A_802, %dma_start3A_804, %dma_start3A_805] : memref<2x128x128xf32, #tpu.memory_space<vmem>> -> memref<1x128x64xf32, #tpu.memory_space<vmem>>
    %dma_start3A_807 = tpu.memref_squeeze %dma_start3A_806 : memref<1x128x64xf32, #tpu.memory_space<vmem>> -> memref<128x64xf32, #tpu.memory_space<vmem>>
    %dma_start3A_808 = arith.constant 0 : i32
    %dma_start3A_809 = tpu.memref_slice %arg6[%dma_start3A_803, %add3A_801, %dma_start3A_808] : memref<2x16384x128xf32, #tpu.memory_space<hbm>> -> memref<1x128x64xf32, #tpu.memory_space<hbm>>
    %dma_start3A_810 = tpu.memref_squeeze %dma_start3A_809 : memref<1x128x64xf32, #tpu.memory_space<hbm>> -> memref<128x64xf32, #tpu.memory_space<hbm>>
    %dma_start3A_811 = arith.constant 0 : i32
    %dma_start3A_812 = tpu.memref_slice %arg6[%dma_start3A_803, %add3A_801, %dma_start3A_811] : memref<2x16384x128xf32, #tpu.memory_space<hbm>> -> memref<1x128x64xf32, #tpu.memory_space<hbm>>
    %dma_start3A_813 = tpu.memref_squeeze %dma_start3A_812 : memref<1x128x64xf32, #tpu.memory_space<hbm>> -> memref<128x64xf32, #tpu.memory_space<hbm>>
    %dma_start3A_814 = arith.constant 0 : i32
    %dma_start3A_815 = arith.constant 64 : i32
    %dma_start3A_816 = tpu.memref_slice %arg8[%dma_start3A_802, %dma_start3A_814, %dma_start3A_815] : memref<2x128x128xf32, #tpu.memory_space<vmem>> -> memref<1x128x64xf32, #tpu.memory_space<vmem>>
    %dma_start3A_817 = tpu.memref_squeeze %dma_start3A_816 : memref<1x128x64xf32, #tpu.memory_space<vmem>> -> memref<128x64xf32, #tpu.memory_space<vmem>>
    tpu.enqueue_dma source(%dma_start3A_817 : memref<128x64xf32, #tpu.memory_space<vmem>>) target(%dma_start3A_813 : memref<128x64xf32, #tpu.memory_space<hbm>>) target_semaphore(%arg11 : memref<!tpu.dma_semaphore, #tpu.memory_space<semaphore_mem>>)
    %dma_wait3A_818 = arith.constant 1 : i32
    %dma_wait3A_819 = arith.constant 1 : i32
    %dma_wait3A_820 = arith.constant 0 : i32
    %dma_wait3A_821 = arith.constant 64 : i32
    %dma_wait3A_822 = tpu.memref_slice %arg8[%dma_wait3A_818, %dma_wait3A_820, %dma_wait3A_821] : memref<2x128x128xf32, #tpu.memory_space<vmem>> -> memref<1x128x64xf32, #tpu.memory_space<vmem>>
    %dma_wait3A_823 = tpu.memref_squeeze %dma_wait3A_822 : memref<1x128x64xf32, #tpu.memory_space<vmem>> -> memref<128x64xf32, #tpu.memory_space<vmem>>
    %dma_wait3A_824 = arith.constant 0 : i32
    %dma_wait3A_825 = tpu.memref_slice %arg6[%dma_wait3A_819, %add3A_801, %dma_wait3A_824] : memref<2x16384x128xf32, #tpu.memory_space<hbm>> -> memref<1x128x64xf32, #tpu.memory_space<hbm>>
    %dma_wait3A_826 = tpu.memref_squeeze %dma_wait3A_825 : memref<1x128x64xf32, #tpu.memory_space<hbm>> -> memref<128x64xf32, #tpu.memory_space<hbm>>
    %dma_wait3A_827 = arith.constant 0 : i32
    %dma_wait3A_828 = tpu.memref_slice %arg6[%dma_wait3A_819, %add3A_801, %dma_wait3A_827] : memref<2x16384x128xf32, #tpu.memory_space<hbm>> -> memref<1x128x64xf32, #tpu.memory_space<hbm>>
    %dma_wait3A_829 = tpu.memref_squeeze %dma_wait3A_828 : memref<1x128x64xf32, #tpu.memory_space<hbm>> -> memref<128x64xf32, #tpu.memory_space<hbm>>
    %dma_wait3A_830 = arith.constant 0 : i32
    %dma_wait3A_831 = arith.constant 64 : i32
    %dma_wait3A_832 = tpu.memref_slice %arg8[%dma_wait3A_818, %dma_wait3A_830, %dma_wait3A_831] : memref<2x128x128xf32, #tpu.memory_space<vmem>> -> memref<1x128x64xf32, #tpu.memory_space<vmem>>
    %dma_wait3A_833 = tpu.memref_squeeze %dma_wait3A_832 : memref<1x128x64xf32, #tpu.memory_space<vmem>> -> memref<128x64xf32, #tpu.memory_space<vmem>>
    tpu.wait_dma2 semaphore(%arg11 : memref<!tpu.dma_semaphore, #tpu.memory_space<semaphore_mem>>) src(%dma_wait3A_833 : memref<128x64xf32, #tpu.memory_space<vmem>>) dst(%dma_wait3A_829 : memref<128x64xf32, #tpu.memory_space<hbm>>)
    %dma_start3A_834 = arith.constant 3 : i32
    %dma_start3A_835 = arith.constant 3 : i32
    %dma_start3A_836 = arith.constant 1 : i32
    %dma_start3A_837 = arith.constant 0 : i32
    %dma_start3A_838 = arith.constant 0 : i32
    %dma_start3A_839 = tpu.memref_slice %arg8[%dma_start3A_836, %dma_start3A_837, %dma_start3A_838] : memref<2x128x128xf32, #tpu.memory_space<vmem>> -> memref<1x128x128xf32, #tpu.memory_space<vmem>>
    %dma_start3A_840 = tpu.memref_squeeze %dma_start3A_839 : memref<1x128x128xf32, #tpu.memory_space<vmem>> -> memref<128x128xf32, #tpu.memory_space<vmem>>
    %dma_start3A_841 = arith.constant 0 : i32
    %dma_start3A_842 = tpu.memref_slice %arg7[%dma_start3A_834, %dma_start3A_835, %dma_start3A_841] : memref<6x4x128xi32, #tpu.memory_space<vmem>> -> memref<1x1x128xi32, #tpu.memory_space<vmem>>
    %dma_start3A_843 = tpu.memref_squeeze %dma_start3A_842 : memref<1x1x128xi32, #tpu.memory_space<vmem>> -> memref<128xi32, #tpu.memory_space<vmem>>
    %dma_start3A_844 = arith.constant 0 : i32
    %dma_start3A_845 = arith.constant 0 : i32
    %dma_start3A_846 = tpu.memref_slice %arg3[%dma_start3A_844, %dma_start3A_845] : memref<100000x128xf32, #tpu.memory_space<hbm>> -> memref<100000x128xf32, #tpu.memory_space<hbm>>
    tpu.enqueue_indirect_dma source(%dma_start3A_846 : memref<100000x128xf32, #tpu.memory_space<hbm>>) target(%dma_start3A_840 : memref<128x128xf32, #tpu.memory_space<vmem>>) offsets(%dma_start3A_843 : memref<128xi32, #tpu.memory_space<vmem>>) semaphore(%arg9 : memref<!tpu.dma_semaphore, #tpu.memory_space<semaphore_mem>>)
    %dma_wait3A_847 = arith.constant 3 : i32
    %dma_wait3A_848 = arith.constant 2 : i32
    %dma_wait3A_849 = arith.constant 0 : i32
    %dma_wait3A_850 = arith.constant 0 : i32
    %dma_wait3A_851 = arith.constant 0 : i32
    %dma_wait3A_852 = tpu.memref_slice %arg8[%dma_wait3A_849, %dma_wait3A_850, %dma_wait3A_851] : memref<2x128x128xf32, #tpu.memory_space<vmem>> -> memref<1x128x128xf32, #tpu.memory_space<vmem>>
    %dma_wait3A_853 = tpu.memref_squeeze %dma_wait3A_852 : memref<1x128x128xf32, #tpu.memory_space<vmem>> -> memref<128x128xf32, #tpu.memory_space<vmem>>
    %dma_wait3A_854 = arith.constant 0 : i32
    %dma_wait3A_855 = tpu.memref_slice %arg7[%dma_wait3A_847, %dma_wait3A_848, %dma_wait3A_854] : memref<6x4x128xi32, #tpu.memory_space<vmem>> -> memref<1x1x128xi32, #tpu.memory_space<vmem>>
    %dma_wait3A_856 = tpu.memref_squeeze %dma_wait3A_855 : memref<1x1x128xi32, #tpu.memory_space<vmem>> -> memref<128xi32, #tpu.memory_space<vmem>>
    %dma_wait3A_857 = arith.constant 0 : i32
    %dma_wait3A_858 = arith.constant 0 : i32
    %dma_wait3A_859 = tpu.memref_slice %arg3[%dma_wait3A_857, %dma_wait3A_858] : memref<100000x128xf32, #tpu.memory_space<hbm>> -> memref<100000x128xf32, #tpu.memory_space<hbm>>
    tpu.wait_indirect_dma semaphore(%arg9 : memref<!tpu.dma_semaphore, #tpu.memory_space<semaphore_mem>>) src(%dma_wait3A_859 : memref<100000x128xf32, #tpu.memory_space<hbm>>) dst(%dma_wait3A_853 : memref<128x128xf32, #tpu.memory_space<vmem>>)
    %mul3A_860 = arith.constant 512 : i32
    %mul3A_861 = arith.muli %add3A, %mul3A_860 : i32
    %add3A_862 = arith.constant 256 : i32
    %add3A_863 = arith.addi %mul3A_861, %add3A_862 : i32
    %dma_start3A_864 = arith.constant 0 : i32
    %dma_start3A_865 = arith.constant 1 : i32
    %dma_start3A_866 = arith.constant 0 : i32
    %dma_start3A_867 = arith.constant 64 : i32
    %dma_start3A_868 = tpu.memref_slice %arg8[%dma_start3A_864, %dma_start3A_866, %dma_start3A_867] : memref<2x128x128xf32, #tpu.memory_space<vmem>> -> memref<1x128x64xf32, #tpu.memory_space<vmem>>
    %dma_start3A_869 = tpu.memref_squeeze %dma_start3A_868 : memref<1x128x64xf32, #tpu.memory_space<vmem>> -> memref<128x64xf32, #tpu.memory_space<vmem>>
    %dma_start3A_870 = arith.constant 0 : i32
    %dma_start3A_871 = tpu.memref_slice %arg6[%dma_start3A_865, %add3A_863, %dma_start3A_870] : memref<2x16384x128xf32, #tpu.memory_space<hbm>> -> memref<1x128x64xf32, #tpu.memory_space<hbm>>
    %dma_start3A_872 = tpu.memref_squeeze %dma_start3A_871 : memref<1x128x64xf32, #tpu.memory_space<hbm>> -> memref<128x64xf32, #tpu.memory_space<hbm>>
    %dma_start3A_873 = arith.constant 0 : i32
    %dma_start3A_874 = tpu.memref_slice %arg6[%dma_start3A_865, %add3A_863, %dma_start3A_873] : memref<2x16384x128xf32, #tpu.memory_space<hbm>> -> memref<1x128x64xf32, #tpu.memory_space<hbm>>
    %dma_start3A_875 = tpu.memref_squeeze %dma_start3A_874 : memref<1x128x64xf32, #tpu.memory_space<hbm>> -> memref<128x64xf32, #tpu.memory_space<hbm>>
    %dma_start3A_876 = arith.constant 0 : i32
    %dma_start3A_877 = arith.constant 64 : i32
    %dma_start3A_878 = tpu.memref_slice %arg8[%dma_start3A_864, %dma_start3A_876, %dma_start3A_877] : memref<2x128x128xf32, #tpu.memory_space<vmem>> -> memref<1x128x64xf32, #tpu.memory_space<vmem>>
    %dma_start3A_879 = tpu.memref_squeeze %dma_start3A_878 : memref<1x128x64xf32, #tpu.memory_space<vmem>> -> memref<128x64xf32, #tpu.memory_space<vmem>>
    tpu.enqueue_dma source(%dma_start3A_879 : memref<128x64xf32, #tpu.memory_space<vmem>>) target(%dma_start3A_875 : memref<128x64xf32, #tpu.memory_space<hbm>>) target_semaphore(%arg10 : memref<!tpu.dma_semaphore, #tpu.memory_space<semaphore_mem>>)
    %dma_wait3A_880 = arith.constant 0 : i32
    %dma_wait3A_881 = arith.constant 1 : i32
    %dma_wait3A_882 = arith.constant 0 : i32
    %dma_wait3A_883 = arith.constant 64 : i32
    %dma_wait3A_884 = tpu.memref_slice %arg8[%dma_wait3A_880, %dma_wait3A_882, %dma_wait3A_883] : memref<2x128x128xf32, #tpu.memory_space<vmem>> -> memref<1x128x64xf32, #tpu.memory_space<vmem>>
    %dma_wait3A_885 = tpu.memref_squeeze %dma_wait3A_884 : memref<1x128x64xf32, #tpu.memory_space<vmem>> -> memref<128x64xf32, #tpu.memory_space<vmem>>
    %dma_wait3A_886 = arith.constant 0 : i32
    %dma_wait3A_887 = tpu.memref_slice %arg6[%dma_wait3A_881, %add3A_863, %dma_wait3A_886] : memref<2x16384x128xf32, #tpu.memory_space<hbm>> -> memref<1x128x64xf32, #tpu.memory_space<hbm>>
    %dma_wait3A_888 = tpu.memref_squeeze %dma_wait3A_887 : memref<1x128x64xf32, #tpu.memory_space<hbm>> -> memref<128x64xf32, #tpu.memory_space<hbm>>
    %dma_wait3A_889 = arith.constant 0 : i32
    %dma_wait3A_890 = tpu.memref_slice %arg6[%dma_wait3A_881, %add3A_863, %dma_wait3A_889] : memref<2x16384x128xf32, #tpu.memory_space<hbm>> -> memref<1x128x64xf32, #tpu.memory_space<hbm>>
    %dma_wait3A_891 = tpu.memref_squeeze %dma_wait3A_890 : memref<1x128x64xf32, #tpu.memory_space<hbm>> -> memref<128x64xf32, #tpu.memory_space<hbm>>
    %dma_wait3A_892 = arith.constant 0 : i32
    %dma_wait3A_893 = arith.constant 64 : i32
    %dma_wait3A_894 = tpu.memref_slice %arg8[%dma_wait3A_880, %dma_wait3A_892, %dma_wait3A_893] : memref<2x128x128xf32, #tpu.memory_space<vmem>> -> memref<1x128x64xf32, #tpu.memory_space<vmem>>
    %dma_wait3A_895 = tpu.memref_squeeze %dma_wait3A_894 : memref<1x128x64xf32, #tpu.memory_space<vmem>> -> memref<128x64xf32, #tpu.memory_space<vmem>>
    tpu.wait_dma2 semaphore(%arg10 : memref<!tpu.dma_semaphore, #tpu.memory_space<semaphore_mem>>) src(%dma_wait3A_895 : memref<128x64xf32, #tpu.memory_space<vmem>>) dst(%dma_wait3A_891 : memref<128x64xf32, #tpu.memory_space<hbm>>)
    %dma_start3A_896 = arith.constant 4 : i32
    %dma_start3A_897 = arith.constant 0 : i32
    %dma_start3A_898 = arith.constant 0 : i32
    %dma_start3A_899 = arith.constant 0 : i32
    %dma_start3A_900 = arith.constant 0 : i32
    %dma_start3A_901 = tpu.memref_slice %arg8[%dma_start3A_898, %dma_start3A_899, %dma_start3A_900] : memref<2x128x128xf32, #tpu.memory_space<vmem>> -> memref<1x128x128xf32, #tpu.memory_space<vmem>>
    %dma_start3A_902 = tpu.memref_squeeze %dma_start3A_901 : memref<1x128x128xf32, #tpu.memory_space<vmem>> -> memref<128x128xf32, #tpu.memory_space<vmem>>
    %dma_start3A_903 = arith.constant 0 : i32
    %dma_start3A_904 = tpu.memref_slice %arg7[%dma_start3A_896, %dma_start3A_897, %dma_start3A_903] : memref<6x4x128xi32, #tpu.memory_space<vmem>> -> memref<1x1x128xi32, #tpu.memory_space<vmem>>
    %dma_start3A_905 = tpu.memref_squeeze %dma_start3A_904 : memref<1x1x128xi32, #tpu.memory_space<vmem>> -> memref<128xi32, #tpu.memory_space<vmem>>
    %dma_start3A_906 = arith.constant 0 : i32
    %dma_start3A_907 = arith.constant 0 : i32
    %dma_start3A_908 = tpu.memref_slice %arg4[%dma_start3A_906, %dma_start3A_907] : memref<100000x128xf32, #tpu.memory_space<hbm>> -> memref<100000x128xf32, #tpu.memory_space<hbm>>
    tpu.enqueue_indirect_dma source(%dma_start3A_908 : memref<100000x128xf32, #tpu.memory_space<hbm>>) target(%dma_start3A_902 : memref<128x128xf32, #tpu.memory_space<vmem>>) offsets(%dma_start3A_905 : memref<128xi32, #tpu.memory_space<vmem>>) semaphore(%arg9 : memref<!tpu.dma_semaphore, #tpu.memory_space<semaphore_mem>>)
    %dma_wait3A_909 = arith.constant 3 : i32
    %dma_wait3A_910 = arith.constant 3 : i32
    %dma_wait3A_911 = arith.constant 1 : i32
    %dma_wait3A_912 = arith.constant 0 : i32
    %dma_wait3A_913 = arith.constant 0 : i32
    %dma_wait3A_914 = tpu.memref_slice %arg8[%dma_wait3A_911, %dma_wait3A_912, %dma_wait3A_913] : memref<2x128x128xf32, #tpu.memory_space<vmem>> -> memref<1x128x128xf32, #tpu.memory_space<vmem>>
    %dma_wait3A_915 = tpu.memref_squeeze %dma_wait3A_914 : memref<1x128x128xf32, #tpu.memory_space<vmem>> -> memref<128x128xf32, #tpu.memory_space<vmem>>
    %dma_wait3A_916 = arith.constant 0 : i32
    %dma_wait3A_917 = tpu.memref_slice %arg7[%dma_wait3A_909, %dma_wait3A_910, %dma_wait3A_916] : memref<6x4x128xi32, #tpu.memory_space<vmem>> -> memref<1x1x128xi32, #tpu.memory_space<vmem>>
    %dma_wait3A_918 = tpu.memref_squeeze %dma_wait3A_917 : memref<1x1x128xi32, #tpu.memory_space<vmem>> -> memref<128xi32, #tpu.memory_space<vmem>>
    %dma_wait3A_919 = arith.constant 0 : i32
    %dma_wait3A_920 = arith.constant 0 : i32
    %dma_wait3A_921 = tpu.memref_slice %arg3[%dma_wait3A_919, %dma_wait3A_920] : memref<100000x128xf32, #tpu.memory_space<hbm>> -> memref<100000x128xf32, #tpu.memory_space<hbm>>
    tpu.wait_indirect_dma semaphore(%arg9 : memref<!tpu.dma_semaphore, #tpu.memory_space<semaphore_mem>>) src(%dma_wait3A_921 : memref<100000x128xf32, #tpu.memory_space<hbm>>) dst(%dma_wait3A_915 : memref<128x128xf32, #tpu.memory_space<vmem>>)
    %mul3A_922 = arith.constant 512 : i32
    %mul3A_923 = arith.muli %add3A, %mul3A_922 : i32
    %add3A_924 = arith.constant 384 : i32
    %add3A_925 = arith.addi %mul3A_923, %add3A_924 : i32
    %dma_start3A_926 = arith.constant 1 : i32
    %dma_start3A_927 = arith.constant 1 : i32
    %dma_start3A_928 = arith.constant 0 : i32
    %dma_start3A_929 = arith.constant 64 : i32
    %dma_start3A_930 = tpu.memref_slice %arg8[%dma_start3A_926, %dma_start3A_928, %dma_start3A_929] : memref<2x128x128xf32, #tpu.memory_space<vmem>> -> memref<1x128x64xf32, #tpu.memory_space<vmem>>
    %dma_start3A_931 = tpu.memref_squeeze %dma_start3A_930 : memref<1x128x64xf32, #tpu.memory_space<vmem>> -> memref<128x64xf32, #tpu.memory_space<vmem>>
    %dma_start3A_932 = arith.constant 0 : i32
    %dma_start3A_933 = tpu.memref_slice %arg6[%dma_start3A_927, %add3A_925, %dma_start3A_932] : memref<2x16384x128xf32, #tpu.memory_space<hbm>> -> memref<1x128x64xf32, #tpu.memory_space<hbm>>
    %dma_start3A_934 = tpu.memref_squeeze %dma_start3A_933 : memref<1x128x64xf32, #tpu.memory_space<hbm>> -> memref<128x64xf32, #tpu.memory_space<hbm>>
    %dma_start3A_935 = arith.constant 0 : i32
    %dma_start3A_936 = tpu.memref_slice %arg6[%dma_start3A_927, %add3A_925, %dma_start3A_935] : memref<2x16384x128xf32, #tpu.memory_space<hbm>> -> memref<1x128x64xf32, #tpu.memory_space<hbm>>
    %dma_start3A_937 = tpu.memref_squeeze %dma_start3A_936 : memref<1x128x64xf32, #tpu.memory_space<hbm>> -> memref<128x64xf32, #tpu.memory_space<hbm>>
    %dma_start3A_938 = arith.constant 0 : i32
    %dma_start3A_939 = arith.constant 64 : i32
    %dma_start3A_940 = tpu.memref_slice %arg8[%dma_start3A_926, %dma_start3A_938, %dma_start3A_939] : memref<2x128x128xf32, #tpu.memory_space<vmem>> -> memref<1x128x64xf32, #tpu.memory_space<vmem>>
    %dma_start3A_941 = tpu.memref_squeeze %dma_start3A_940 : memref<1x128x64xf32, #tpu.memory_space<vmem>> -> memref<128x64xf32, #tpu.memory_space<vmem>>
    tpu.enqueue_dma source(%dma_start3A_941 : memref<128x64xf32, #tpu.memory_space<vmem>>) target(%dma_start3A_937 : memref<128x64xf32, #tpu.memory_space<hbm>>) target_semaphore(%arg11 : memref<!tpu.dma_semaphore, #tpu.memory_space<semaphore_mem>>)
    %dma_wait3A_942 = arith.constant 1 : i32
    %dma_wait3A_943 = arith.constant 1 : i32
    %dma_wait3A_944 = arith.constant 0 : i32
    %dma_wait3A_945 = arith.constant 64 : i32
    %dma_wait3A_946 = tpu.memref_slice %arg8[%dma_wait3A_942, %dma_wait3A_944, %dma_wait3A_945] : memref<2x128x128xf32, #tpu.memory_space<vmem>> -> memref<1x128x64xf32, #tpu.memory_space<vmem>>
    %dma_wait3A_947 = tpu.memref_squeeze %dma_wait3A_946 : memref<1x128x64xf32, #tpu.memory_space<vmem>> -> memref<128x64xf32, #tpu.memory_space<vmem>>
    %dma_wait3A_948 = arith.constant 0 : i32
    %dma_wait3A_949 = tpu.memref_slice %arg6[%dma_wait3A_943, %add3A_925, %dma_wait3A_948] : memref<2x16384x128xf32, #tpu.memory_space<hbm>> -> memref<1x128x64xf32, #tpu.memory_space<hbm>>
    %dma_wait3A_950 = tpu.memref_squeeze %dma_wait3A_949 : memref<1x128x64xf32, #tpu.memory_space<hbm>> -> memref<128x64xf32, #tpu.memory_space<hbm>>
    %dma_wait3A_951 = arith.constant 0 : i32
    %dma_wait3A_952 = tpu.memref_slice %arg6[%dma_wait3A_943, %add3A_925, %dma_wait3A_951] : memref<2x16384x128xf32, #tpu.memory_space<hbm>> -> memref<1x128x64xf32, #tpu.memory_space<hbm>>
    %dma_wait3A_953 = tpu.memref_squeeze %dma_wait3A_952 : memref<1x128x64xf32, #tpu.memory_space<hbm>> -> memref<128x64xf32, #tpu.memory_space<hbm>>
    %dma_wait3A_954 = arith.constant 0 : i32
    %dma_wait3A_955 = arith.constant 64 : i32
    %dma_wait3A_956 = tpu.memref_slice %arg8[%dma_wait3A_942, %dma_wait3A_954, %dma_wait3A_955] : memref<2x128x128xf32, #tpu.memory_space<vmem>> -> memref<1x128x64xf32, #tpu.memory_space<vmem>>
    %dma_wait3A_957 = tpu.memref_squeeze %dma_wait3A_956 : memref<1x128x64xf32, #tpu.memory_space<vmem>> -> memref<128x64xf32, #tpu.memory_space<vmem>>
    tpu.wait_dma2 semaphore(%arg11 : memref<!tpu.dma_semaphore, #tpu.memory_space<semaphore_mem>>) src(%dma_wait3A_957 : memref<128x64xf32, #tpu.memory_space<vmem>>) dst(%dma_wait3A_953 : memref<128x64xf32, #tpu.memory_space<hbm>>)
    %dma_start3A_958 = arith.constant 4 : i32
    %dma_start3A_959 = arith.constant 1 : i32
    %dma_start3A_960 = arith.constant 1 : i32
    %dma_start3A_961 = arith.constant 0 : i32
    %dma_start3A_962 = arith.constant 0 : i32
    %dma_start3A_963 = tpu.memref_slice %arg8[%dma_start3A_960, %dma_start3A_961, %dma_start3A_962] : memref<2x128x128xf32, #tpu.memory_space<vmem>> -> memref<1x128x128xf32, #tpu.memory_space<vmem>>
    %dma_start3A_964 = tpu.memref_squeeze %dma_start3A_963 : memref<1x128x128xf32, #tpu.memory_space<vmem>> -> memref<128x128xf32, #tpu.memory_space<vmem>>
    %dma_start3A_965 = arith.constant 0 : i32
    %dma_start3A_966 = tpu.memref_slice %arg7[%dma_start3A_958, %dma_start3A_959, %dma_start3A_965] : memref<6x4x128xi32, #tpu.memory_space<vmem>> -> memref<1x1x128xi32, #tpu.memory_space<vmem>>
    %dma_start3A_967 = tpu.memref_squeeze %dma_start3A_966 : memref<1x1x128xi32, #tpu.memory_space<vmem>> -> memref<128xi32, #tpu.memory_space<vmem>>
    %dma_start3A_968 = arith.constant 0 : i32
    %dma_start3A_969 = arith.constant 0 : i32
    %dma_start3A_970 = tpu.memref_slice %arg4[%dma_start3A_968, %dma_start3A_969] : memref<100000x128xf32, #tpu.memory_space<hbm>> -> memref<100000x128xf32, #tpu.memory_space<hbm>>
    tpu.enqueue_indirect_dma source(%dma_start3A_970 : memref<100000x128xf32, #tpu.memory_space<hbm>>) target(%dma_start3A_964 : memref<128x128xf32, #tpu.memory_space<vmem>>) offsets(%dma_start3A_967 : memref<128xi32, #tpu.memory_space<vmem>>) semaphore(%arg9 : memref<!tpu.dma_semaphore, #tpu.memory_space<semaphore_mem>>)
    %dma_wait3A_971 = arith.constant 4 : i32
    %dma_wait3A_972 = arith.constant 0 : i32
    %dma_wait3A_973 = arith.constant 0 : i32
    %dma_wait3A_974 = arith.constant 0 : i32
    %dma_wait3A_975 = arith.constant 0 : i32
    %dma_wait3A_976 = tpu.memref_slice %arg8[%dma_wait3A_973, %dma_wait3A_974, %dma_wait3A_975] : memref<2x128x128xf32, #tpu.memory_space<vmem>> -> memref<1x128x128xf32, #tpu.memory_space<vmem>>
    %dma_wait3A_977 = tpu.memref_squeeze %dma_wait3A_976 : memref<1x128x128xf32, #tpu.memory_space<vmem>> -> memref<128x128xf32, #tpu.memory_space<vmem>>
    %dma_wait3A_978 = arith.constant 0 : i32
    %dma_wait3A_979 = tpu.memref_slice %arg7[%dma_wait3A_971, %dma_wait3A_972, %dma_wait3A_978] : memref<6x4x128xi32, #tpu.memory_space<vmem>> -> memref<1x1x128xi32, #tpu.memory_space<vmem>>
    %dma_wait3A_980 = tpu.memref_squeeze %dma_wait3A_979 : memref<1x1x128xi32, #tpu.memory_space<vmem>> -> memref<128xi32, #tpu.memory_space<vmem>>
    %dma_wait3A_981 = arith.constant 0 : i32
    %dma_wait3A_982 = arith.constant 0 : i32
    %dma_wait3A_983 = tpu.memref_slice %arg4[%dma_wait3A_981, %dma_wait3A_982] : memref<100000x128xf32, #tpu.memory_space<hbm>> -> memref<100000x128xf32, #tpu.memory_space<hbm>>
    tpu.wait_indirect_dma semaphore(%arg9 : memref<!tpu.dma_semaphore, #tpu.memory_space<semaphore_mem>>) src(%dma_wait3A_983 : memref<100000x128xf32, #tpu.memory_space<hbm>>) dst(%dma_wait3A_977 : memref<128x128xf32, #tpu.memory_space<vmem>>)
    %mul3A_984 = arith.constant 512 : i32
    %mul3A_985 = arith.muli %add3A, %mul3A_984 : i32
    %add3A_986 = arith.constant 0 : i32
    %add3A_987 = arith.addi %mul3A_985, %add3A_986 : i32
    %dma_start3A_988 = arith.constant 0 : i32
    %dma_start3A_989 = arith.constant 0 : i32
    %dma_start3A_990 = arith.constant 0 : i32
    %dma_start3A_991 = arith.constant 64 : i32
    %dma_start3A_992 = tpu.memref_slice %arg8[%dma_start3A_988, %dma_start3A_990, %dma_start3A_991] : memref<2x128x128xf32, #tpu.memory_space<vmem>> -> memref<1x128x64xf32, #tpu.memory_space<vmem>>
    %dma_start3A_993 = tpu.memref_squeeze %dma_start3A_992 : memref<1x128x64xf32, #tpu.memory_space<vmem>> -> memref<128x64xf32, #tpu.memory_space<vmem>>
    %dma_start3A_994 = arith.constant 64 : i32
    %dma_start3A_995 = tpu.memref_slice %arg6[%dma_start3A_989, %add3A_987, %dma_start3A_994] : memref<2x16384x128xf32, #tpu.memory_space<hbm>> -> memref<1x128x64xf32, #tpu.memory_space<hbm>>
    %dma_start3A_996 = tpu.memref_squeeze %dma_start3A_995 : memref<1x128x64xf32, #tpu.memory_space<hbm>> -> memref<128x64xf32, #tpu.memory_space<hbm>>
    %dma_start3A_997 = arith.constant 64 : i32
    %dma_start3A_998 = tpu.memref_slice %arg6[%dma_start3A_989, %add3A_987, %dma_start3A_997] : memref<2x16384x128xf32, #tpu.memory_space<hbm>> -> memref<1x128x64xf32, #tpu.memory_space<hbm>>
    %dma_start3A_999 = tpu.memref_squeeze %dma_start3A_998 : memref<1x128x64xf32, #tpu.memory_space<hbm>> -> memref<128x64xf32, #tpu.memory_space<hbm>>
    %dma_start3A_1000 = arith.constant 0 : i32
    %dma_start3A_1001 = arith.constant 64 : i32
    %dma_start3A_1002 = tpu.memref_slice %arg8[%dma_start3A_988, %dma_start3A_1000, %dma_start3A_1001] : memref<2x128x128xf32, #tpu.memory_space<vmem>> -> memref<1x128x64xf32, #tpu.memory_space<vmem>>
    %dma_start3A_1003 = tpu.memref_squeeze %dma_start3A_1002 : memref<1x128x64xf32, #tpu.memory_space<vmem>> -> memref<128x64xf32, #tpu.memory_space<vmem>>
    tpu.enqueue_dma source(%dma_start3A_1003 : memref<128x64xf32, #tpu.memory_space<vmem>>) target(%dma_start3A_999 : memref<128x64xf32, #tpu.memory_space<hbm>>) target_semaphore(%arg10 : memref<!tpu.dma_semaphore, #tpu.memory_space<semaphore_mem>>)
    %dma_wait3A_1004 = arith.constant 0 : i32
    %dma_wait3A_1005 = arith.constant 0 : i32
    %dma_wait3A_1006 = arith.constant 0 : i32
    %dma_wait3A_1007 = arith.constant 64 : i32
    %dma_wait3A_1008 = tpu.memref_slice %arg8[%dma_wait3A_1004, %dma_wait3A_1006, %dma_wait3A_1007] : memref<2x128x128xf32, #tpu.memory_space<vmem>> -> memref<1x128x64xf32, #tpu.memory_space<vmem>>
    %dma_wait3A_1009 = tpu.memref_squeeze %dma_wait3A_1008 : memref<1x128x64xf32, #tpu.memory_space<vmem>> -> memref<128x64xf32, #tpu.memory_space<vmem>>
    %dma_wait3A_1010 = arith.constant 64 : i32
    %dma_wait3A_1011 = tpu.memref_slice %arg6[%dma_wait3A_1005, %add3A_987, %dma_wait3A_1010] : memref<2x16384x128xf32, #tpu.memory_space<hbm>> -> memref<1x128x64xf32, #tpu.memory_space<hbm>>
    %dma_wait3A_1012 = tpu.memref_squeeze %dma_wait3A_1011 : memref<1x128x64xf32, #tpu.memory_space<hbm>> -> memref<128x64xf32, #tpu.memory_space<hbm>>
    %dma_wait3A_1013 = arith.constant 64 : i32
    %dma_wait3A_1014 = tpu.memref_slice %arg6[%dma_wait3A_1005, %add3A_987, %dma_wait3A_1013] : memref<2x16384x128xf32, #tpu.memory_space<hbm>> -> memref<1x128x64xf32, #tpu.memory_space<hbm>>
    %dma_wait3A_1015 = tpu.memref_squeeze %dma_wait3A_1014 : memref<1x128x64xf32, #tpu.memory_space<hbm>> -> memref<128x64xf32, #tpu.memory_space<hbm>>
    %dma_wait3A_1016 = arith.constant 0 : i32
    %dma_wait3A_1017 = arith.constant 64 : i32
    %dma_wait3A_1018 = tpu.memref_slice %arg8[%dma_wait3A_1004, %dma_wait3A_1016, %dma_wait3A_1017] : memref<2x128x128xf32, #tpu.memory_space<vmem>> -> memref<1x128x64xf32, #tpu.memory_space<vmem>>
    %dma_wait3A_1019 = tpu.memref_squeeze %dma_wait3A_1018 : memref<1x128x64xf32, #tpu.memory_space<vmem>> -> memref<128x64xf32, #tpu.memory_space<vmem>>
    tpu.wait_dma2 semaphore(%arg10 : memref<!tpu.dma_semaphore, #tpu.memory_space<semaphore_mem>>) src(%dma_wait3A_1019 : memref<128x64xf32, #tpu.memory_space<vmem>>) dst(%dma_wait3A_1015 : memref<128x64xf32, #tpu.memory_space<hbm>>)
    %dma_start3A_1020 = arith.constant 4 : i32
    %dma_start3A_1021 = arith.constant 2 : i32
    %dma_start3A_1022 = arith.constant 0 : i32
    %dma_start3A_1023 = arith.constant 0 : i32
    %dma_start3A_1024 = arith.constant 0 : i32
    %dma_start3A_1025 = tpu.memref_slice %arg8[%dma_start3A_1022, %dma_start3A_1023, %dma_start3A_1024] : memref<2x128x128xf32, #tpu.memory_space<vmem>> -> memref<1x128x128xf32, #tpu.memory_space<vmem>>
    %dma_start3A_1026 = tpu.memref_squeeze %dma_start3A_1025 : memref<1x128x128xf32, #tpu.memory_space<vmem>> -> memref<128x128xf32, #tpu.memory_space<vmem>>
    %dma_start3A_1027 = arith.constant 0 : i32
    %dma_start3A_1028 = tpu.memref_slice %arg7[%dma_start3A_1020, %dma_start3A_1021, %dma_start3A_1027] : memref<6x4x128xi32, #tpu.memory_space<vmem>> -> memref<1x1x128xi32, #tpu.memory_space<vmem>>
    %dma_start3A_1029 = tpu.memref_squeeze %dma_start3A_1028 : memref<1x1x128xi32, #tpu.memory_space<vmem>> -> memref<128xi32, #tpu.memory_space<vmem>>
    %dma_start3A_1030 = arith.constant 0 : i32
    %dma_start3A_1031 = arith.constant 0 : i32
    %dma_start3A_1032 = tpu.memref_slice %arg4[%dma_start3A_1030, %dma_start3A_1031] : memref<100000x128xf32, #tpu.memory_space<hbm>> -> memref<100000x128xf32, #tpu.memory_space<hbm>>
    tpu.enqueue_indirect_dma source(%dma_start3A_1032 : memref<100000x128xf32, #tpu.memory_space<hbm>>) target(%dma_start3A_1026 : memref<128x128xf32, #tpu.memory_space<vmem>>) offsets(%dma_start3A_1029 : memref<128xi32, #tpu.memory_space<vmem>>) semaphore(%arg9 : memref<!tpu.dma_semaphore, #tpu.memory_space<semaphore_mem>>)
    %dma_wait3A_1033 = arith.constant 4 : i32
    %dma_wait3A_1034 = arith.constant 1 : i32
    %dma_wait3A_1035 = arith.constant 1 : i32
    %dma_wait3A_1036 = arith.constant 0 : i32
    %dma_wait3A_1037 = arith.constant 0 : i32
    %dma_wait3A_1038 = tpu.memref_slice %arg8[%dma_wait3A_1035, %dma_wait3A_1036, %dma_wait3A_1037] : memref<2x128x128xf32, #tpu.memory_space<vmem>> -> memref<1x128x128xf32, #tpu.memory_space<vmem>>
    %dma_wait3A_1039 = tpu.memref_squeeze %dma_wait3A_1038 : memref<1x128x128xf32, #tpu.memory_space<vmem>> -> memref<128x128xf32, #tpu.memory_space<vmem>>
    %dma_wait3A_1040 = arith.constant 0 : i32
    %dma_wait3A_1041 = tpu.memref_slice %arg7[%dma_wait3A_1033, %dma_wait3A_1034, %dma_wait3A_1040] : memref<6x4x128xi32, #tpu.memory_space<vmem>> -> memref<1x1x128xi32, #tpu.memory_space<vmem>>
    %dma_wait3A_1042 = tpu.memref_squeeze %dma_wait3A_1041 : memref<1x1x128xi32, #tpu.memory_space<vmem>> -> memref<128xi32, #tpu.memory_space<vmem>>
    %dma_wait3A_1043 = arith.constant 0 : i32
    %dma_wait3A_1044 = arith.constant 0 : i32
    %dma_wait3A_1045 = tpu.memref_slice %arg4[%dma_wait3A_1043, %dma_wait3A_1044] : memref<100000x128xf32, #tpu.memory_space<hbm>> -> memref<100000x128xf32, #tpu.memory_space<hbm>>
    tpu.wait_indirect_dma semaphore(%arg9 : memref<!tpu.dma_semaphore, #tpu.memory_space<semaphore_mem>>) src(%dma_wait3A_1045 : memref<100000x128xf32, #tpu.memory_space<hbm>>) dst(%dma_wait3A_1039 : memref<128x128xf32, #tpu.memory_space<vmem>>)
    %mul3A_1046 = arith.constant 512 : i32
    %mul3A_1047 = arith.muli %add3A, %mul3A_1046 : i32
    %add3A_1048 = arith.constant 128 : i32
    %add3A_1049 = arith.addi %mul3A_1047, %add3A_1048 : i32
    %dma_start3A_1050 = arith.constant 1 : i32
    %dma_start3A_1051 = arith.constant 0 : i32
    %dma_start3A_1052 = arith.constant 0 : i32
    %dma_start3A_1053 = arith.constant 64 : i32
    %dma_start3A_1054 = tpu.memref_slice %arg8[%dma_start3A_1050, %dma_start3A_1052, %dma_start3A_1053] : memref<2x128x128xf32, #tpu.memory_space<vmem>> -> memref<1x128x64xf32, #tpu.memory_space<vmem>>
    %dma_start3A_1055 = tpu.memref_squeeze %dma_start3A_1054 : memref<1x128x64xf32, #tpu.memory_space<vmem>> -> memref<128x64xf32, #tpu.memory_space<vmem>>
    %dma_start3A_1056 = arith.constant 64 : i32
    %dma_start3A_1057 = tpu.memref_slice %arg6[%dma_start3A_1051, %add3A_1049, %dma_start3A_1056] : memref<2x16384x128xf32, #tpu.memory_space<hbm>> -> memref<1x128x64xf32, #tpu.memory_space<hbm>>
    %dma_start3A_1058 = tpu.memref_squeeze %dma_start3A_1057 : memref<1x128x64xf32, #tpu.memory_space<hbm>> -> memref<128x64xf32, #tpu.memory_space<hbm>>
    %dma_start3A_1059 = arith.constant 64 : i32
    %dma_start3A_1060 = tpu.memref_slice %arg6[%dma_start3A_1051, %add3A_1049, %dma_start3A_1059] : memref<2x16384x128xf32, #tpu.memory_space<hbm>> -> memref<1x128x64xf32, #tpu.memory_space<hbm>>
    %dma_start3A_1061 = tpu.memref_squeeze %dma_start3A_1060 : memref<1x128x64xf32, #tpu.memory_space<hbm>> -> memref<128x64xf32, #tpu.memory_space<hbm>>
    %dma_start3A_1062 = arith.constant 0 : i32
    %dma_start3A_1063 = arith.constant 64 : i32
    %dma_start3A_1064 = tpu.memref_slice %arg8[%dma_start3A_1050, %dma_start3A_1062, %dma_start3A_1063] : memref<2x128x128xf32, #tpu.memory_space<vmem>> -> memref<1x128x64xf32, #tpu.memory_space<vmem>>
    %dma_start3A_1065 = tpu.memref_squeeze %dma_start3A_1064 : memref<1x128x64xf32, #tpu.memory_space<vmem>> -> memref<128x64xf32, #tpu.memory_space<vmem>>
    tpu.enqueue_dma source(%dma_start3A_1065 : memref<128x64xf32, #tpu.memory_space<vmem>>) target(%dma_start3A_1061 : memref<128x64xf32, #tpu.memory_space<hbm>>) target_semaphore(%arg11 : memref<!tpu.dma_semaphore, #tpu.memory_space<semaphore_mem>>)
    %dma_wait3A_1066 = arith.constant 1 : i32
    %dma_wait3A_1067 = arith.constant 0 : i32
    %dma_wait3A_1068 = arith.constant 0 : i32
    %dma_wait3A_1069 = arith.constant 64 : i32
    %dma_wait3A_1070 = tpu.memref_slice %arg8[%dma_wait3A_1066, %dma_wait3A_1068, %dma_wait3A_1069] : memref<2x128x128xf32, #tpu.memory_space<vmem>> -> memref<1x128x64xf32, #tpu.memory_space<vmem>>
    %dma_wait3A_1071 = tpu.memref_squeeze %dma_wait3A_1070 : memref<1x128x64xf32, #tpu.memory_space<vmem>> -> memref<128x64xf32, #tpu.memory_space<vmem>>
    %dma_wait3A_1072 = arith.constant 64 : i32
    %dma_wait3A_1073 = tpu.memref_slice %arg6[%dma_wait3A_1067, %add3A_1049, %dma_wait3A_1072] : memref<2x16384x128xf32, #tpu.memory_space<hbm>> -> memref<1x128x64xf32, #tpu.memory_space<hbm>>
    %dma_wait3A_1074 = tpu.memref_squeeze %dma_wait3A_1073 : memref<1x128x64xf32, #tpu.memory_space<hbm>> -> memref<128x64xf32, #tpu.memory_space<hbm>>
    %dma_wait3A_1075 = arith.constant 64 : i32
    %dma_wait3A_1076 = tpu.memref_slice %arg6[%dma_wait3A_1067, %add3A_1049, %dma_wait3A_1075] : memref<2x16384x128xf32, #tpu.memory_space<hbm>> -> memref<1x128x64xf32, #tpu.memory_space<hbm>>
    %dma_wait3A_1077 = tpu.memref_squeeze %dma_wait3A_1076 : memref<1x128x64xf32, #tpu.memory_space<hbm>> -> memref<128x64xf32, #tpu.memory_space<hbm>>
    %dma_wait3A_1078 = arith.constant 0 : i32
    %dma_wait3A_1079 = arith.constant 64 : i32
    %dma_wait3A_1080 = tpu.memref_slice %arg8[%dma_wait3A_1066, %dma_wait3A_1078, %dma_wait3A_1079] : memref<2x128x128xf32, #tpu.memory_space<vmem>> -> memref<1x128x64xf32, #tpu.memory_space<vmem>>
    %dma_wait3A_1081 = tpu.memref_squeeze %dma_wait3A_1080 : memref<1x128x64xf32, #tpu.memory_space<vmem>> -> memref<128x64xf32, #tpu.memory_space<vmem>>
    tpu.wait_dma2 semaphore(%arg11 : memref<!tpu.dma_semaphore, #tpu.memory_space<semaphore_mem>>) src(%dma_wait3A_1081 : memref<128x64xf32, #tpu.memory_space<vmem>>) dst(%dma_wait3A_1077 : memref<128x64xf32, #tpu.memory_space<hbm>>)
    %dma_start3A_1082 = arith.constant 4 : i32
    %dma_start3A_1083 = arith.constant 3 : i32
    %dma_start3A_1084 = arith.constant 1 : i32
    %dma_start3A_1085 = arith.constant 0 : i32
    %dma_start3A_1086 = arith.constant 0 : i32
    %dma_start3A_1087 = tpu.memref_slice %arg8[%dma_start3A_1084, %dma_start3A_1085, %dma_start3A_1086] : memref<2x128x128xf32, #tpu.memory_space<vmem>> -> memref<1x128x128xf32, #tpu.memory_space<vmem>>
    %dma_start3A_1088 = tpu.memref_squeeze %dma_start3A_1087 : memref<1x128x128xf32, #tpu.memory_space<vmem>> -> memref<128x128xf32, #tpu.memory_space<vmem>>
    %dma_start3A_1089 = arith.constant 0 : i32
    %dma_start3A_1090 = tpu.memref_slice %arg7[%dma_start3A_1082, %dma_start3A_1083, %dma_start3A_1089] : memref<6x4x128xi32, #tpu.memory_space<vmem>> -> memref<1x1x128xi32, #tpu.memory_space<vmem>>
    %dma_start3A_1091 = tpu.memref_squeeze %dma_start3A_1090 : memref<1x1x128xi32, #tpu.memory_space<vmem>> -> memref<128xi32, #tpu.memory_space<vmem>>
    %dma_start3A_1092 = arith.constant 0 : i32
    %dma_start3A_1093 = arith.constant 0 : i32
    %dma_start3A_1094 = tpu.memref_slice %arg4[%dma_start3A_1092, %dma_start3A_1093] : memref<100000x128xf32, #tpu.memory_space<hbm>> -> memref<100000x128xf32, #tpu.memory_space<hbm>>
    tpu.enqueue_indirect_dma source(%dma_start3A_1094 : memref<100000x128xf32, #tpu.memory_space<hbm>>) target(%dma_start3A_1088 : memref<128x128xf32, #tpu.memory_space<vmem>>) offsets(%dma_start3A_1091 : memref<128xi32, #tpu.memory_space<vmem>>) semaphore(%arg9 : memref<!tpu.dma_semaphore, #tpu.memory_space<semaphore_mem>>)
    %dma_wait3A_1095 = arith.constant 4 : i32
    %dma_wait3A_1096 = arith.constant 2 : i32
    %dma_wait3A_1097 = arith.constant 0 : i32
    %dma_wait3A_1098 = arith.constant 0 : i32
    %dma_wait3A_1099 = arith.constant 0 : i32
    %dma_wait3A_1100 = tpu.memref_slice %arg8[%dma_wait3A_1097, %dma_wait3A_1098, %dma_wait3A_1099] : memref<2x128x128xf32, #tpu.memory_space<vmem>> -> memref<1x128x128xf32, #tpu.memory_space<vmem>>
    %dma_wait3A_1101 = tpu.memref_squeeze %dma_wait3A_1100 : memref<1x128x128xf32, #tpu.memory_space<vmem>> -> memref<128x128xf32, #tpu.memory_space<vmem>>
    %dma_wait3A_1102 = arith.constant 0 : i32
    %dma_wait3A_1103 = tpu.memref_slice %arg7[%dma_wait3A_1095, %dma_wait3A_1096, %dma_wait3A_1102] : memref<6x4x128xi32, #tpu.memory_space<vmem>> -> memref<1x1x128xi32, #tpu.memory_space<vmem>>
    %dma_wait3A_1104 = tpu.memref_squeeze %dma_wait3A_1103 : memref<1x1x128xi32, #tpu.memory_space<vmem>> -> memref<128xi32, #tpu.memory_space<vmem>>
    %dma_wait3A_1105 = arith.constant 0 : i32
    %dma_wait3A_1106 = arith.constant 0 : i32
    %dma_wait3A_1107 = tpu.memref_slice %arg4[%dma_wait3A_1105, %dma_wait3A_1106] : memref<100000x128xf32, #tpu.memory_space<hbm>> -> memref<100000x128xf32, #tpu.memory_space<hbm>>
    tpu.wait_indirect_dma semaphore(%arg9 : memref<!tpu.dma_semaphore, #tpu.memory_space<semaphore_mem>>) src(%dma_wait3A_1107 : memref<100000x128xf32, #tpu.memory_space<hbm>>) dst(%dma_wait3A_1101 : memref<128x128xf32, #tpu.memory_space<vmem>>)
    %mul3A_1108 = arith.constant 512 : i32
    %mul3A_1109 = arith.muli %add3A, %mul3A_1108 : i32
    %add3A_1110 = arith.constant 256 : i32
    %add3A_1111 = arith.addi %mul3A_1109, %add3A_1110 : i32
    %dma_start3A_1112 = arith.constant 0 : i32
    %dma_start3A_1113 = arith.constant 0 : i32
    %dma_start3A_1114 = arith.constant 0 : i32
    %dma_start3A_1115 = arith.constant 64 : i32
    %dma_start3A_1116 = tpu.memref_slice %arg8[%dma_start3A_1112, %dma_start3A_1114, %dma_start3A_1115] : memref<2x128x128xf32, #tpu.memory_space<vmem>> -> memref<1x128x64xf32, #tpu.memory_space<vmem>>
    %dma_start3A_1117 = tpu.memref_squeeze %dma_start3A_1116 : memref<1x128x64xf32, #tpu.memory_space<vmem>> -> memref<128x64xf32, #tpu.memory_space<vmem>>
    %dma_start3A_1118 = arith.constant 64 : i32
    %dma_start3A_1119 = tpu.memref_slice %arg6[%dma_start3A_1113, %add3A_1111, %dma_start3A_1118] : memref<2x16384x128xf32, #tpu.memory_space<hbm>> -> memref<1x128x64xf32, #tpu.memory_space<hbm>>
    %dma_start3A_1120 = tpu.memref_squeeze %dma_start3A_1119 : memref<1x128x64xf32, #tpu.memory_space<hbm>> -> memref<128x64xf32, #tpu.memory_space<hbm>>
    %dma_start3A_1121 = arith.constant 64 : i32
    %dma_start3A_1122 = tpu.memref_slice %arg6[%dma_start3A_1113, %add3A_1111, %dma_start3A_1121] : memref<2x16384x128xf32, #tpu.memory_space<hbm>> -> memref<1x128x64xf32, #tpu.memory_space<hbm>>
    %dma_start3A_1123 = tpu.memref_squeeze %dma_start3A_1122 : memref<1x128x64xf32, #tpu.memory_space<hbm>> -> memref<128x64xf32, #tpu.memory_space<hbm>>
    %dma_start3A_1124 = arith.constant 0 : i32
    %dma_start3A_1125 = arith.constant 64 : i32
    %dma_start3A_1126 = tpu.memref_slice %arg8[%dma_start3A_1112, %dma_start3A_1124, %dma_start3A_1125] : memref<2x128x128xf32, #tpu.memory_space<vmem>> -> memref<1x128x64xf32, #tpu.memory_space<vmem>>
    %dma_start3A_1127 = tpu.memref_squeeze %dma_start3A_1126 : memref<1x128x64xf32, #tpu.memory_space<vmem>> -> memref<128x64xf32, #tpu.memory_space<vmem>>
    tpu.enqueue_dma source(%dma_start3A_1127 : memref<128x64xf32, #tpu.memory_space<vmem>>) target(%dma_start3A_1123 : memref<128x64xf32, #tpu.memory_space<hbm>>) target_semaphore(%arg10 : memref<!tpu.dma_semaphore, #tpu.memory_space<semaphore_mem>>)
    %dma_wait3A_1128 = arith.constant 0 : i32
    %dma_wait3A_1129 = arith.constant 0 : i32
    %dma_wait3A_1130 = arith.constant 0 : i32
    %dma_wait3A_1131 = arith.constant 64 : i32
    %dma_wait3A_1132 = tpu.memref_slice %arg8[%dma_wait3A_1128, %dma_wait3A_1130, %dma_wait3A_1131] : memref<2x128x128xf32, #tpu.memory_space<vmem>> -> memref<1x128x64xf32, #tpu.memory_space<vmem>>
    %dma_wait3A_1133 = tpu.memref_squeeze %dma_wait3A_1132 : memref<1x128x64xf32, #tpu.memory_space<vmem>> -> memref<128x64xf32, #tpu.memory_space<vmem>>
    %dma_wait3A_1134 = arith.constant 64 : i32
    %dma_wait3A_1135 = tpu.memref_slice %arg6[%dma_wait3A_1129, %add3A_1111, %dma_wait3A_1134] : memref<2x16384x128xf32, #tpu.memory_space<hbm>> -> memref<1x128x64xf32, #tpu.memory_space<hbm>>
    %dma_wait3A_1136 = tpu.memref_squeeze %dma_wait3A_1135 : memref<1x128x64xf32, #tpu.memory_space<hbm>> -> memref<128x64xf32, #tpu.memory_space<hbm>>
    %dma_wait3A_1137 = arith.constant 64 : i32
    %dma_wait3A_1138 = tpu.memref_slice %arg6[%dma_wait3A_1129, %add3A_1111, %dma_wait3A_1137] : memref<2x16384x128xf32, #tpu.memory_space<hbm>> -> memref<1x128x64xf32, #tpu.memory_space<hbm>>
    %dma_wait3A_1139 = tpu.memref_squeeze %dma_wait3A_1138 : memref<1x128x64xf32, #tpu.memory_space<hbm>> -> memref<128x64xf32, #tpu.memory_space<hbm>>
    %dma_wait3A_1140 = arith.constant 0 : i32
    %dma_wait3A_1141 = arith.constant 64 : i32
    %dma_wait3A_1142 = tpu.memref_slice %arg8[%dma_wait3A_1128, %dma_wait3A_1140, %dma_wait3A_1141] : memref<2x128x128xf32, #tpu.memory_space<vmem>> -> memref<1x128x64xf32, #tpu.memory_space<vmem>>
    %dma_wait3A_1143 = tpu.memref_squeeze %dma_wait3A_1142 : memref<1x128x64xf32, #tpu.memory_space<vmem>> -> memref<128x64xf32, #tpu.memory_space<vmem>>
    tpu.wait_dma2 semaphore(%arg10 : memref<!tpu.dma_semaphore, #tpu.memory_space<semaphore_mem>>) src(%dma_wait3A_1143 : memref<128x64xf32, #tpu.memory_space<vmem>>) dst(%dma_wait3A_1139 : memref<128x64xf32, #tpu.memory_space<hbm>>)
    %dma_start3A_1144 = arith.constant 5 : i32
    %dma_start3A_1145 = arith.constant 0 : i32
    %dma_start3A_1146 = arith.constant 0 : i32
    %dma_start3A_1147 = arith.constant 0 : i32
    %dma_start3A_1148 = arith.constant 0 : i32
    %dma_start3A_1149 = tpu.memref_slice %arg8[%dma_start3A_1146, %dma_start3A_1147, %dma_start3A_1148] : memref<2x128x128xf32, #tpu.memory_space<vmem>> -> memref<1x128x128xf32, #tpu.memory_space<vmem>>
    %dma_start3A_1150 = tpu.memref_squeeze %dma_start3A_1149 : memref<1x128x128xf32, #tpu.memory_space<vmem>> -> memref<128x128xf32, #tpu.memory_space<vmem>>
    %dma_start3A_1151 = arith.constant 0 : i32
    %dma_start3A_1152 = tpu.memref_slice %arg7[%dma_start3A_1144, %dma_start3A_1145, %dma_start3A_1151] : memref<6x4x128xi32, #tpu.memory_space<vmem>> -> memref<1x1x128xi32, #tpu.memory_space<vmem>>
    %dma_start3A_1153 = tpu.memref_squeeze %dma_start3A_1152 : memref<1x1x128xi32, #tpu.memory_space<vmem>> -> memref<128xi32, #tpu.memory_space<vmem>>
    %dma_start3A_1154 = arith.constant 0 : i32
    %dma_start3A_1155 = arith.constant 0 : i32
    %dma_start3A_1156 = tpu.memref_slice %arg4[%dma_start3A_1154, %dma_start3A_1155] : memref<100000x128xf32, #tpu.memory_space<hbm>> -> memref<100000x128xf32, #tpu.memory_space<hbm>>
    tpu.enqueue_indirect_dma source(%dma_start3A_1156 : memref<100000x128xf32, #tpu.memory_space<hbm>>) target(%dma_start3A_1150 : memref<128x128xf32, #tpu.memory_space<vmem>>) offsets(%dma_start3A_1153 : memref<128xi32, #tpu.memory_space<vmem>>) semaphore(%arg9 : memref<!tpu.dma_semaphore, #tpu.memory_space<semaphore_mem>>)
    %dma_wait3A_1157 = arith.constant 4 : i32
    %dma_wait3A_1158 = arith.constant 3 : i32
    %dma_wait3A_1159 = arith.constant 1 : i32
    %dma_wait3A_1160 = arith.constant 0 : i32
    %dma_wait3A_1161 = arith.constant 0 : i32
    %dma_wait3A_1162 = tpu.memref_slice %arg8[%dma_wait3A_1159, %dma_wait3A_1160, %dma_wait3A_1161] : memref<2x128x128xf32, #tpu.memory_space<vmem>> -> memref<1x128x128xf32, #tpu.memory_space<vmem>>
    %dma_wait3A_1163 = tpu.memref_squeeze %dma_wait3A_1162 : memref<1x128x128xf32, #tpu.memory_space<vmem>> -> memref<128x128xf32, #tpu.memory_space<vmem>>
    %dma_wait3A_1164 = arith.constant 0 : i32
    %dma_wait3A_1165 = tpu.memref_slice %arg7[%dma_wait3A_1157, %dma_wait3A_1158, %dma_wait3A_1164] : memref<6x4x128xi32, #tpu.memory_space<vmem>> -> memref<1x1x128xi32, #tpu.memory_space<vmem>>
    %dma_wait3A_1166 = tpu.memref_squeeze %dma_wait3A_1165 : memref<1x1x128xi32, #tpu.memory_space<vmem>> -> memref<128xi32, #tpu.memory_space<vmem>>
    %dma_wait3A_1167 = arith.constant 0 : i32
    %dma_wait3A_1168 = arith.constant 0 : i32
    %dma_wait3A_1169 = tpu.memref_slice %arg4[%dma_wait3A_1167, %dma_wait3A_1168] : memref<100000x128xf32, #tpu.memory_space<hbm>> -> memref<100000x128xf32, #tpu.memory_space<hbm>>
    tpu.wait_indirect_dma semaphore(%arg9 : memref<!tpu.dma_semaphore, #tpu.memory_space<semaphore_mem>>) src(%dma_wait3A_1169 : memref<100000x128xf32, #tpu.memory_space<hbm>>) dst(%dma_wait3A_1163 : memref<128x128xf32, #tpu.memory_space<vmem>>)
    %mul3A_1170 = arith.constant 512 : i32
    %mul3A_1171 = arith.muli %add3A, %mul3A_1170 : i32
    %add3A_1172 = arith.constant 384 : i32
    %add3A_1173 = arith.addi %mul3A_1171, %add3A_1172 : i32
    %dma_start3A_1174 = arith.constant 1 : i32
    %dma_start3A_1175 = arith.constant 0 : i32
    %dma_start3A_1176 = arith.constant 0 : i32
    %dma_start3A_1177 = arith.constant 64 : i32
    %dma_start3A_1178 = tpu.memref_slice %arg8[%dma_start3A_1174, %dma_start3A_1176, %dma_start3A_1177] : memref<2x128x128xf32, #tpu.memory_space<vmem>> -> memref<1x128x64xf32, #tpu.memory_space<vmem>>
    %dma_start3A_1179 = tpu.memref_squeeze %dma_start3A_1178 : memref<1x128x64xf32, #tpu.memory_space<vmem>> -> memref<128x64xf32, #tpu.memory_space<vmem>>
    %dma_start3A_1180 = arith.constant 64 : i32
    %dma_start3A_1181 = tpu.memref_slice %arg6[%dma_start3A_1175, %add3A_1173, %dma_start3A_1180] : memref<2x16384x128xf32, #tpu.memory_space<hbm>> -> memref<1x128x64xf32, #tpu.memory_space<hbm>>
    %dma_start3A_1182 = tpu.memref_squeeze %dma_start3A_1181 : memref<1x128x64xf32, #tpu.memory_space<hbm>> -> memref<128x64xf32, #tpu.memory_space<hbm>>
    %dma_start3A_1183 = arith.constant 64 : i32
    %dma_start3A_1184 = tpu.memref_slice %arg6[%dma_start3A_1175, %add3A_1173, %dma_start3A_1183] : memref<2x16384x128xf32, #tpu.memory_space<hbm>> -> memref<1x128x64xf32, #tpu.memory_space<hbm>>
    %dma_start3A_1185 = tpu.memref_squeeze %dma_start3A_1184 : memref<1x128x64xf32, #tpu.memory_space<hbm>> -> memref<128x64xf32, #tpu.memory_space<hbm>>
    %dma_start3A_1186 = arith.constant 0 : i32
    %dma_start3A_1187 = arith.constant 64 : i32
    %dma_start3A_1188 = tpu.memref_slice %arg8[%dma_start3A_1174, %dma_start3A_1186, %dma_start3A_1187] : memref<2x128x128xf32, #tpu.memory_space<vmem>> -> memref<1x128x64xf32, #tpu.memory_space<vmem>>
    %dma_start3A_1189 = tpu.memref_squeeze %dma_start3A_1188 : memref<1x128x64xf32, #tpu.memory_space<vmem>> -> memref<128x64xf32, #tpu.memory_space<vmem>>
    tpu.enqueue_dma source(%dma_start3A_1189 : memref<128x64xf32, #tpu.memory_space<vmem>>) target(%dma_start3A_1185 : memref<128x64xf32, #tpu.memory_space<hbm>>) target_semaphore(%arg11 : memref<!tpu.dma_semaphore, #tpu.memory_space<semaphore_mem>>)
    %dma_wait3A_1190 = arith.constant 1 : i32
    %dma_wait3A_1191 = arith.constant 0 : i32
    %dma_wait3A_1192 = arith.constant 0 : i32
    %dma_wait3A_1193 = arith.constant 64 : i32
    %dma_wait3A_1194 = tpu.memref_slice %arg8[%dma_wait3A_1190, %dma_wait3A_1192, %dma_wait3A_1193] : memref<2x128x128xf32, #tpu.memory_space<vmem>> -> memref<1x128x64xf32, #tpu.memory_space<vmem>>
    %dma_wait3A_1195 = tpu.memref_squeeze %dma_wait3A_1194 : memref<1x128x64xf32, #tpu.memory_space<vmem>> -> memref<128x64xf32, #tpu.memory_space<vmem>>
    %dma_wait3A_1196 = arith.constant 64 : i32
    %dma_wait3A_1197 = tpu.memref_slice %arg6[%dma_wait3A_1191, %add3A_1173, %dma_wait3A_1196] : memref<2x16384x128xf32, #tpu.memory_space<hbm>> -> memref<1x128x64xf32, #tpu.memory_space<hbm>>
    %dma_wait3A_1198 = tpu.memref_squeeze %dma_wait3A_1197 : memref<1x128x64xf32, #tpu.memory_space<hbm>> -> memref<128x64xf32, #tpu.memory_space<hbm>>
    %dma_wait3A_1199 = arith.constant 64 : i32
    %dma_wait3A_1200 = tpu.memref_slice %arg6[%dma_wait3A_1191, %add3A_1173, %dma_wait3A_1199] : memref<2x16384x128xf32, #tpu.memory_space<hbm>> -> memref<1x128x64xf32, #tpu.memory_space<hbm>>
    %dma_wait3A_1201 = tpu.memref_squeeze %dma_wait3A_1200 : memref<1x128x64xf32, #tpu.memory_space<hbm>> -> memref<128x64xf32, #tpu.memory_space<hbm>>
    %dma_wait3A_1202 = arith.constant 0 : i32
    %dma_wait3A_1203 = arith.constant 64 : i32
    %dma_wait3A_1204 = tpu.memref_slice %arg8[%dma_wait3A_1190, %dma_wait3A_1202, %dma_wait3A_1203] : memref<2x128x128xf32, #tpu.memory_space<vmem>> -> memref<1x128x64xf32, #tpu.memory_space<vmem>>
    %dma_wait3A_1205 = tpu.memref_squeeze %dma_wait3A_1204 : memref<1x128x64xf32, #tpu.memory_space<vmem>> -> memref<128x64xf32, #tpu.memory_space<vmem>>
    tpu.wait_dma2 semaphore(%arg11 : memref<!tpu.dma_semaphore, #tpu.memory_space<semaphore_mem>>) src(%dma_wait3A_1205 : memref<128x64xf32, #tpu.memory_space<vmem>>) dst(%dma_wait3A_1201 : memref<128x64xf32, #tpu.memory_space<hbm>>)
    %dma_start3A_1206 = arith.constant 5 : i32
    %dma_start3A_1207 = arith.constant 1 : i32
    %dma_start3A_1208 = arith.constant 1 : i32
    %dma_start3A_1209 = arith.constant 0 : i32
    %dma_start3A_1210 = arith.constant 0 : i32
    %dma_start3A_1211 = tpu.memref_slice %arg8[%dma_start3A_1208, %dma_start3A_1209, %dma_start3A_1210] : memref<2x128x128xf32, #tpu.memory_space<vmem>> -> memref<1x128x128xf32, #tpu.memory_space<vmem>>
    %dma_start3A_1212 = tpu.memref_squeeze %dma_start3A_1211 : memref<1x128x128xf32, #tpu.memory_space<vmem>> -> memref<128x128xf32, #tpu.memory_space<vmem>>
    %dma_start3A_1213 = arith.constant 0 : i32
    %dma_start3A_1214 = tpu.memref_slice %arg7[%dma_start3A_1206, %dma_start3A_1207, %dma_start3A_1213] : memref<6x4x128xi32, #tpu.memory_space<vmem>> -> memref<1x1x128xi32, #tpu.memory_space<vmem>>
    %dma_start3A_1215 = tpu.memref_squeeze %dma_start3A_1214 : memref<1x1x128xi32, #tpu.memory_space<vmem>> -> memref<128xi32, #tpu.memory_space<vmem>>
    %dma_start3A_1216 = arith.constant 0 : i32
    %dma_start3A_1217 = arith.constant 0 : i32
    %dma_start3A_1218 = tpu.memref_slice %arg4[%dma_start3A_1216, %dma_start3A_1217] : memref<100000x128xf32, #tpu.memory_space<hbm>> -> memref<100000x128xf32, #tpu.memory_space<hbm>>
    tpu.enqueue_indirect_dma source(%dma_start3A_1218 : memref<100000x128xf32, #tpu.memory_space<hbm>>) target(%dma_start3A_1212 : memref<128x128xf32, #tpu.memory_space<vmem>>) offsets(%dma_start3A_1215 : memref<128xi32, #tpu.memory_space<vmem>>) semaphore(%arg9 : memref<!tpu.dma_semaphore, #tpu.memory_space<semaphore_mem>>)
    %dma_wait3A_1219 = arith.constant 5 : i32
    %dma_wait3A_1220 = arith.constant 0 : i32
    %dma_wait3A_1221 = arith.constant 0 : i32
    %dma_wait3A_1222 = arith.constant 0 : i32
    %dma_wait3A_1223 = arith.constant 0 : i32
    %dma_wait3A_1224 = tpu.memref_slice %arg8[%dma_wait3A_1221, %dma_wait3A_1222, %dma_wait3A_1223] : memref<2x128x128xf32, #tpu.memory_space<vmem>> -> memref<1x128x128xf32, #tpu.memory_space<vmem>>
    %dma_wait3A_1225 = tpu.memref_squeeze %dma_wait3A_1224 : memref<1x128x128xf32, #tpu.memory_space<vmem>> -> memref<128x128xf32, #tpu.memory_space<vmem>>
    %dma_wait3A_1226 = arith.constant 0 : i32
    %dma_wait3A_1227 = tpu.memref_slice %arg7[%dma_wait3A_1219, %dma_wait3A_1220, %dma_wait3A_1226] : memref<6x4x128xi32, #tpu.memory_space<vmem>> -> memref<1x1x128xi32, #tpu.memory_space<vmem>>
    %dma_wait3A_1228 = tpu.memref_squeeze %dma_wait3A_1227 : memref<1x1x128xi32, #tpu.memory_space<vmem>> -> memref<128xi32, #tpu.memory_space<vmem>>
    %dma_wait3A_1229 = arith.constant 0 : i32
    %dma_wait3A_1230 = arith.constant 0 : i32
    %dma_wait3A_1231 = tpu.memref_slice %arg4[%dma_wait3A_1229, %dma_wait3A_1230] : memref<100000x128xf32, #tpu.memory_space<hbm>> -> memref<100000x128xf32, #tpu.memory_space<hbm>>
    tpu.wait_indirect_dma semaphore(%arg9 : memref<!tpu.dma_semaphore, #tpu.memory_space<semaphore_mem>>) src(%dma_wait3A_1231 : memref<100000x128xf32, #tpu.memory_space<hbm>>) dst(%dma_wait3A_1225 : memref<128x128xf32, #tpu.memory_space<vmem>>)
    %mul3A_1232 = arith.constant 512 : i32
    %mul3A_1233 = arith.muli %add3A, %mul3A_1232 : i32
    %add3A_1234 = arith.constant 0 : i32
    %add3A_1235 = arith.addi %mul3A_1233, %add3A_1234 : i32
    %dma_start3A_1236 = arith.constant 0 : i32
    %dma_start3A_1237 = arith.constant 1 : i32
    %dma_start3A_1238 = arith.constant 0 : i32
    %dma_start3A_1239 = arith.constant 64 : i32
    %dma_start3A_1240 = tpu.memref_slice %arg8[%dma_start3A_1236, %dma_start3A_1238, %dma_start3A_1239] : memref<2x128x128xf32, #tpu.memory_space<vmem>> -> memref<1x128x64xf32, #tpu.memory_space<vmem>>
    %dma_start3A_1241 = tpu.memref_squeeze %dma_start3A_1240 : memref<1x128x64xf32, #tpu.memory_space<vmem>> -> memref<128x64xf32, #tpu.memory_space<vmem>>
    %dma_start3A_1242 = arith.constant 64 : i32
    %dma_start3A_1243 = tpu.memref_slice %arg6[%dma_start3A_1237, %add3A_1235, %dma_start3A_1242] : memref<2x16384x128xf32, #tpu.memory_space<hbm>> -> memref<1x128x64xf32, #tpu.memory_space<hbm>>
    %dma_start3A_1244 = tpu.memref_squeeze %dma_start3A_1243 : memref<1x128x64xf32, #tpu.memory_space<hbm>> -> memref<128x64xf32, #tpu.memory_space<hbm>>
    %dma_start3A_1245 = arith.constant 64 : i32
    %dma_start3A_1246 = tpu.memref_slice %arg6[%dma_start3A_1237, %add3A_1235, %dma_start3A_1245] : memref<2x16384x128xf32, #tpu.memory_space<hbm>> -> memref<1x128x64xf32, #tpu.memory_space<hbm>>
    %dma_start3A_1247 = tpu.memref_squeeze %dma_start3A_1246 : memref<1x128x64xf32, #tpu.memory_space<hbm>> -> memref<128x64xf32, #tpu.memory_space<hbm>>
    %dma_start3A_1248 = arith.constant 0 : i32
    %dma_start3A_1249 = arith.constant 64 : i32
    %dma_start3A_1250 = tpu.memref_slice %arg8[%dma_start3A_1236, %dma_start3A_1248, %dma_start3A_1249] : memref<2x128x128xf32, #tpu.memory_space<vmem>> -> memref<1x128x64xf32, #tpu.memory_space<vmem>>
    %dma_start3A_1251 = tpu.memref_squeeze %dma_start3A_1250 : memref<1x128x64xf32, #tpu.memory_space<vmem>> -> memref<128x64xf32, #tpu.memory_space<vmem>>
    tpu.enqueue_dma source(%dma_start3A_1251 : memref<128x64xf32, #tpu.memory_space<vmem>>) target(%dma_start3A_1247 : memref<128x64xf32, #tpu.memory_space<hbm>>) target_semaphore(%arg10 : memref<!tpu.dma_semaphore, #tpu.memory_space<semaphore_mem>>)
    %dma_wait3A_1252 = arith.constant 0 : i32
    %dma_wait3A_1253 = arith.constant 1 : i32
    %dma_wait3A_1254 = arith.constant 0 : i32
    %dma_wait3A_1255 = arith.constant 64 : i32
    %dma_wait3A_1256 = tpu.memref_slice %arg8[%dma_wait3A_1252, %dma_wait3A_1254, %dma_wait3A_1255] : memref<2x128x128xf32, #tpu.memory_space<vmem>> -> memref<1x128x64xf32, #tpu.memory_space<vmem>>
    %dma_wait3A_1257 = tpu.memref_squeeze %dma_wait3A_1256 : memref<1x128x64xf32, #tpu.memory_space<vmem>> -> memref<128x64xf32, #tpu.memory_space<vmem>>
    %dma_wait3A_1258 = arith.constant 64 : i32
    %dma_wait3A_1259 = tpu.memref_slice %arg6[%dma_wait3A_1253, %add3A_1235, %dma_wait3A_1258] : memref<2x16384x128xf32, #tpu.memory_space<hbm>> -> memref<1x128x64xf32, #tpu.memory_space<hbm>>
    %dma_wait3A_1260 = tpu.memref_squeeze %dma_wait3A_1259 : memref<1x128x64xf32, #tpu.memory_space<hbm>> -> memref<128x64xf32, #tpu.memory_space<hbm>>
    %dma_wait3A_1261 = arith.constant 64 : i32
    %dma_wait3A_1262 = tpu.memref_slice %arg6[%dma_wait3A_1253, %add3A_1235, %dma_wait3A_1261] : memref<2x16384x128xf32, #tpu.memory_space<hbm>> -> memref<1x128x64xf32, #tpu.memory_space<hbm>>
    %dma_wait3A_1263 = tpu.memref_squeeze %dma_wait3A_1262 : memref<1x128x64xf32, #tpu.memory_space<hbm>> -> memref<128x64xf32, #tpu.memory_space<hbm>>
    %dma_wait3A_1264 = arith.constant 0 : i32
    %dma_wait3A_1265 = arith.constant 64 : i32
    %dma_wait3A_1266 = tpu.memref_slice %arg8[%dma_wait3A_1252, %dma_wait3A_1264, %dma_wait3A_1265] : memref<2x128x128xf32, #tpu.memory_space<vmem>> -> memref<1x128x64xf32, #tpu.memory_space<vmem>>
    %dma_wait3A_1267 = tpu.memref_squeeze %dma_wait3A_1266 : memref<1x128x64xf32, #tpu.memory_space<vmem>> -> memref<128x64xf32, #tpu.memory_space<vmem>>
    tpu.wait_dma2 semaphore(%arg10 : memref<!tpu.dma_semaphore, #tpu.memory_space<semaphore_mem>>) src(%dma_wait3A_1267 : memref<128x64xf32, #tpu.memory_space<vmem>>) dst(%dma_wait3A_1263 : memref<128x64xf32, #tpu.memory_space<hbm>>)
    %dma_start3A_1268 = arith.constant 5 : i32
    %dma_start3A_1269 = arith.constant 2 : i32
    %dma_start3A_1270 = arith.constant 0 : i32
    %dma_start3A_1271 = arith.constant 0 : i32
    %dma_start3A_1272 = arith.constant 0 : i32
    %dma_start3A_1273 = tpu.memref_slice %arg8[%dma_start3A_1270, %dma_start3A_1271, %dma_start3A_1272] : memref<2x128x128xf32, #tpu.memory_space<vmem>> -> memref<1x128x128xf32, #tpu.memory_space<vmem>>
    %dma_start3A_1274 = tpu.memref_squeeze %dma_start3A_1273 : memref<1x128x128xf32, #tpu.memory_space<vmem>> -> memref<128x128xf32, #tpu.memory_space<vmem>>
    %dma_start3A_1275 = arith.constant 0 : i32
    %dma_start3A_1276 = tpu.memref_slice %arg7[%dma_start3A_1268, %dma_start3A_1269, %dma_start3A_1275] : memref<6x4x128xi32, #tpu.memory_space<vmem>> -> memref<1x1x128xi32, #tpu.memory_space<vmem>>
    %dma_start3A_1277 = tpu.memref_squeeze %dma_start3A_1276 : memref<1x1x128xi32, #tpu.memory_space<vmem>> -> memref<128xi32, #tpu.memory_space<vmem>>
    %dma_start3A_1278 = arith.constant 0 : i32
    %dma_start3A_1279 = arith.constant 0 : i32
    %dma_start3A_1280 = tpu.memref_slice %arg4[%dma_start3A_1278, %dma_start3A_1279] : memref<100000x128xf32, #tpu.memory_space<hbm>> -> memref<100000x128xf32, #tpu.memory_space<hbm>>
    tpu.enqueue_indirect_dma source(%dma_start3A_1280 : memref<100000x128xf32, #tpu.memory_space<hbm>>) target(%dma_start3A_1274 : memref<128x128xf32, #tpu.memory_space<vmem>>) offsets(%dma_start3A_1277 : memref<128xi32, #tpu.memory_space<vmem>>) semaphore(%arg9 : memref<!tpu.dma_semaphore, #tpu.memory_space<semaphore_mem>>)
    %dma_wait3A_1281 = arith.constant 5 : i32
    %dma_wait3A_1282 = arith.constant 1 : i32
    %dma_wait3A_1283 = arith.constant 1 : i32
    %dma_wait3A_1284 = arith.constant 0 : i32
    %dma_wait3A_1285 = arith.constant 0 : i32
    %dma_wait3A_1286 = tpu.memref_slice %arg8[%dma_wait3A_1283, %dma_wait3A_1284, %dma_wait3A_1285] : memref<2x128x128xf32, #tpu.memory_space<vmem>> -> memref<1x128x128xf32, #tpu.memory_space<vmem>>
    %dma_wait3A_1287 = tpu.memref_squeeze %dma_wait3A_1286 : memref<1x128x128xf32, #tpu.memory_space<vmem>> -> memref<128x128xf32, #tpu.memory_space<vmem>>
    %dma_wait3A_1288 = arith.constant 0 : i32
    %dma_wait3A_1289 = tpu.memref_slice %arg7[%dma_wait3A_1281, %dma_wait3A_1282, %dma_wait3A_1288] : memref<6x4x128xi32, #tpu.memory_space<vmem>> -> memref<1x1x128xi32, #tpu.memory_space<vmem>>
    %dma_wait3A_1290 = tpu.memref_squeeze %dma_wait3A_1289 : memref<1x1x128xi32, #tpu.memory_space<vmem>> -> memref<128xi32, #tpu.memory_space<vmem>>
    %dma_wait3A_1291 = arith.constant 0 : i32
    %dma_wait3A_1292 = arith.constant 0 : i32
    %dma_wait3A_1293 = tpu.memref_slice %arg4[%dma_wait3A_1291, %dma_wait3A_1292] : memref<100000x128xf32, #tpu.memory_space<hbm>> -> memref<100000x128xf32, #tpu.memory_space<hbm>>
    tpu.wait_indirect_dma semaphore(%arg9 : memref<!tpu.dma_semaphore, #tpu.memory_space<semaphore_mem>>) src(%dma_wait3A_1293 : memref<100000x128xf32, #tpu.memory_space<hbm>>) dst(%dma_wait3A_1287 : memref<128x128xf32, #tpu.memory_space<vmem>>)
    %mul3A_1294 = arith.constant 512 : i32
    %mul3A_1295 = arith.muli %add3A, %mul3A_1294 : i32
    %add3A_1296 = arith.constant 128 : i32
    %add3A_1297 = arith.addi %mul3A_1295, %add3A_1296 : i32
    %dma_start3A_1298 = arith.constant 1 : i32
    %dma_start3A_1299 = arith.constant 1 : i32
    %dma_start3A_1300 = arith.constant 0 : i32
    %dma_start3A_1301 = arith.constant 64 : i32
    %dma_start3A_1302 = tpu.memref_slice %arg8[%dma_start3A_1298, %dma_start3A_1300, %dma_start3A_1301] : memref<2x128x128xf32, #tpu.memory_space<vmem>> -> memref<1x128x64xf32, #tpu.memory_space<vmem>>
    %dma_start3A_1303 = tpu.memref_squeeze %dma_start3A_1302 : memref<1x128x64xf32, #tpu.memory_space<vmem>> -> memref<128x64xf32, #tpu.memory_space<vmem>>
    %dma_start3A_1304 = arith.constant 64 : i32
    %dma_start3A_1305 = tpu.memref_slice %arg6[%dma_start3A_1299, %add3A_1297, %dma_start3A_1304] : memref<2x16384x128xf32, #tpu.memory_space<hbm>> -> memref<1x128x64xf32, #tpu.memory_space<hbm>>
    %dma_start3A_1306 = tpu.memref_squeeze %dma_start3A_1305 : memref<1x128x64xf32, #tpu.memory_space<hbm>> -> memref<128x64xf32, #tpu.memory_space<hbm>>
    %dma_start3A_1307 = arith.constant 64 : i32
    %dma_start3A_1308 = tpu.memref_slice %arg6[%dma_start3A_1299, %add3A_1297, %dma_start3A_1307] : memref<2x16384x128xf32, #tpu.memory_space<hbm>> -> memref<1x128x64xf32, #tpu.memory_space<hbm>>
    %dma_start3A_1309 = tpu.memref_squeeze %dma_start3A_1308 : memref<1x128x64xf32, #tpu.memory_space<hbm>> -> memref<128x64xf32, #tpu.memory_space<hbm>>
    %dma_start3A_1310 = arith.constant 0 : i32
    %dma_start3A_1311 = arith.constant 64 : i32
    %dma_start3A_1312 = tpu.memref_slice %arg8[%dma_start3A_1298, %dma_start3A_1310, %dma_start3A_1311] : memref<2x128x128xf32, #tpu.memory_space<vmem>> -> memref<1x128x64xf32, #tpu.memory_space<vmem>>
    %dma_start3A_1313 = tpu.memref_squeeze %dma_start3A_1312 : memref<1x128x64xf32, #tpu.memory_space<vmem>> -> memref<128x64xf32, #tpu.memory_space<vmem>>
    tpu.enqueue_dma source(%dma_start3A_1313 : memref<128x64xf32, #tpu.memory_space<vmem>>) target(%dma_start3A_1309 : memref<128x64xf32, #tpu.memory_space<hbm>>) target_semaphore(%arg11 : memref<!tpu.dma_semaphore, #tpu.memory_space<semaphore_mem>>)
    %dma_wait3A_1314 = arith.constant 1 : i32
    %dma_wait3A_1315 = arith.constant 1 : i32
    %dma_wait3A_1316 = arith.constant 0 : i32
    %dma_wait3A_1317 = arith.constant 64 : i32
    %dma_wait3A_1318 = tpu.memref_slice %arg8[%dma_wait3A_1314, %dma_wait3A_1316, %dma_wait3A_1317] : memref<2x128x128xf32, #tpu.memory_space<vmem>> -> memref<1x128x64xf32, #tpu.memory_space<vmem>>
    %dma_wait3A_1319 = tpu.memref_squeeze %dma_wait3A_1318 : memref<1x128x64xf32, #tpu.memory_space<vmem>> -> memref<128x64xf32, #tpu.memory_space<vmem>>
    %dma_wait3A_1320 = arith.constant 64 : i32
    %dma_wait3A_1321 = tpu.memref_slice %arg6[%dma_wait3A_1315, %add3A_1297, %dma_wait3A_1320] : memref<2x16384x128xf32, #tpu.memory_space<hbm>> -> memref<1x128x64xf32, #tpu.memory_space<hbm>>
    %dma_wait3A_1322 = tpu.memref_squeeze %dma_wait3A_1321 : memref<1x128x64xf32, #tpu.memory_space<hbm>> -> memref<128x64xf32, #tpu.memory_space<hbm>>
    %dma_wait3A_1323 = arith.constant 64 : i32
    %dma_wait3A_1324 = tpu.memref_slice %arg6[%dma_wait3A_1315, %add3A_1297, %dma_wait3A_1323] : memref<2x16384x128xf32, #tpu.memory_space<hbm>> -> memref<1x128x64xf32, #tpu.memory_space<hbm>>
    %dma_wait3A_1325 = tpu.memref_squeeze %dma_wait3A_1324 : memref<1x128x64xf32, #tpu.memory_space<hbm>> -> memref<128x64xf32, #tpu.memory_space<hbm>>
    %dma_wait3A_1326 = arith.constant 0 : i32
    %dma_wait3A_1327 = arith.constant 64 : i32
    %dma_wait3A_1328 = tpu.memref_slice %arg8[%dma_wait3A_1314, %dma_wait3A_1326, %dma_wait3A_1327] : memref<2x128x128xf32, #tpu.memory_space<vmem>> -> memref<1x128x64xf32, #tpu.memory_space<vmem>>
    %dma_wait3A_1329 = tpu.memref_squeeze %dma_wait3A_1328 : memref<1x128x64xf32, #tpu.memory_space<vmem>> -> memref<128x64xf32, #tpu.memory_space<vmem>>
    tpu.wait_dma2 semaphore(%arg11 : memref<!tpu.dma_semaphore, #tpu.memory_space<semaphore_mem>>) src(%dma_wait3A_1329 : memref<128x64xf32, #tpu.memory_space<vmem>>) dst(%dma_wait3A_1325 : memref<128x64xf32, #tpu.memory_space<hbm>>)
    %dma_start3A_1330 = arith.constant 5 : i32
    %dma_start3A_1331 = arith.constant 3 : i32
    %dma_start3A_1332 = arith.constant 1 : i32
    %dma_start3A_1333 = arith.constant 0 : i32
    %dma_start3A_1334 = arith.constant 0 : i32
    %dma_start3A_1335 = tpu.memref_slice %arg8[%dma_start3A_1332, %dma_start3A_1333, %dma_start3A_1334] : memref<2x128x128xf32, #tpu.memory_space<vmem>> -> memref<1x128x128xf32, #tpu.memory_space<vmem>>
    %dma_start3A_1336 = tpu.memref_squeeze %dma_start3A_1335 : memref<1x128x128xf32, #tpu.memory_space<vmem>> -> memref<128x128xf32, #tpu.memory_space<vmem>>
    %dma_start3A_1337 = arith.constant 0 : i32
    %dma_start3A_1338 = tpu.memref_slice %arg7[%dma_start3A_1330, %dma_start3A_1331, %dma_start3A_1337] : memref<6x4x128xi32, #tpu.memory_space<vmem>> -> memref<1x1x128xi32, #tpu.memory_space<vmem>>
    %dma_start3A_1339 = tpu.memref_squeeze %dma_start3A_1338 : memref<1x1x128xi32, #tpu.memory_space<vmem>> -> memref<128xi32, #tpu.memory_space<vmem>>
    %dma_start3A_1340 = arith.constant 0 : i32
    %dma_start3A_1341 = arith.constant 0 : i32
    %dma_start3A_1342 = tpu.memref_slice %arg4[%dma_start3A_1340, %dma_start3A_1341] : memref<100000x128xf32, #tpu.memory_space<hbm>> -> memref<100000x128xf32, #tpu.memory_space<hbm>>
    tpu.enqueue_indirect_dma source(%dma_start3A_1342 : memref<100000x128xf32, #tpu.memory_space<hbm>>) target(%dma_start3A_1336 : memref<128x128xf32, #tpu.memory_space<vmem>>) offsets(%dma_start3A_1339 : memref<128xi32, #tpu.memory_space<vmem>>) semaphore(%arg9 : memref<!tpu.dma_semaphore, #tpu.memory_space<semaphore_mem>>)
    %dma_wait3A_1343 = arith.constant 5 : i32
    %dma_wait3A_1344 = arith.constant 2 : i32
    %dma_wait3A_1345 = arith.constant 0 : i32
    %dma_wait3A_1346 = arith.constant 0 : i32
    %dma_wait3A_1347 = arith.constant 0 : i32
    %dma_wait3A_1348 = tpu.memref_slice %arg8[%dma_wait3A_1345, %dma_wait3A_1346, %dma_wait3A_1347] : memref<2x128x128xf32, #tpu.memory_space<vmem>> -> memref<1x128x128xf32, #tpu.memory_space<vmem>>
    %dma_wait3A_1349 = tpu.memref_squeeze %dma_wait3A_1348 : memref<1x128x128xf32, #tpu.memory_space<vmem>> -> memref<128x128xf32, #tpu.memory_space<vmem>>
    %dma_wait3A_1350 = arith.constant 0 : i32
    %dma_wait3A_1351 = tpu.memref_slice %arg7[%dma_wait3A_1343, %dma_wait3A_1344, %dma_wait3A_1350] : memref<6x4x128xi32, #tpu.memory_space<vmem>> -> memref<1x1x128xi32, #tpu.memory_space<vmem>>
    %dma_wait3A_1352 = tpu.memref_squeeze %dma_wait3A_1351 : memref<1x1x128xi32, #tpu.memory_space<vmem>> -> memref<128xi32, #tpu.memory_space<vmem>>
    %dma_wait3A_1353 = arith.constant 0 : i32
    %dma_wait3A_1354 = arith.constant 0 : i32
    %dma_wait3A_1355 = tpu.memref_slice %arg4[%dma_wait3A_1353, %dma_wait3A_1354] : memref<100000x128xf32, #tpu.memory_space<hbm>> -> memref<100000x128xf32, #tpu.memory_space<hbm>>
    tpu.wait_indirect_dma semaphore(%arg9 : memref<!tpu.dma_semaphore, #tpu.memory_space<semaphore_mem>>) src(%dma_wait3A_1355 : memref<100000x128xf32, #tpu.memory_space<hbm>>) dst(%dma_wait3A_1349 : memref<128x128xf32, #tpu.memory_space<vmem>>)
    %mul3A_1356 = arith.constant 512 : i32
    %mul3A_1357 = arith.muli %add3A, %mul3A_1356 : i32
    %add3A_1358 = arith.constant 256 : i32
    %add3A_1359 = arith.addi %mul3A_1357, %add3A_1358 : i32
    %dma_start3A_1360 = arith.constant 0 : i32
    %dma_start3A_1361 = arith.constant 1 : i32
    %dma_start3A_1362 = arith.constant 0 : i32
    %dma_start3A_1363 = arith.constant 64 : i32
    %dma_start3A_1364 = tpu.memref_slice %arg8[%dma_start3A_1360, %dma_start3A_1362, %dma_start3A_1363] : memref<2x128x128xf32, #tpu.memory_space<vmem>> -> memref<1x128x64xf32, #tpu.memory_space<vmem>>
    %dma_start3A_1365 = tpu.memref_squeeze %dma_start3A_1364 : memref<1x128x64xf32, #tpu.memory_space<vmem>> -> memref<128x64xf32, #tpu.memory_space<vmem>>
    %dma_start3A_1366 = arith.constant 64 : i32
    %dma_start3A_1367 = tpu.memref_slice %arg6[%dma_start3A_1361, %add3A_1359, %dma_start3A_1366] : memref<2x16384x128xf32, #tpu.memory_space<hbm>> -> memref<1x128x64xf32, #tpu.memory_space<hbm>>
    %dma_start3A_1368 = tpu.memref_squeeze %dma_start3A_1367 : memref<1x128x64xf32, #tpu.memory_space<hbm>> -> memref<128x64xf32, #tpu.memory_space<hbm>>
    %dma_start3A_1369 = arith.constant 64 : i32
    %dma_start3A_1370 = tpu.memref_slice %arg6[%dma_start3A_1361, %add3A_1359, %dma_start3A_1369] : memref<2x16384x128xf32, #tpu.memory_space<hbm>> -> memref<1x128x64xf32, #tpu.memory_space<hbm>>
    %dma_start3A_1371 = tpu.memref_squeeze %dma_start3A_1370 : memref<1x128x64xf32, #tpu.memory_space<hbm>> -> memref<128x64xf32, #tpu.memory_space<hbm>>
    %dma_start3A_1372 = arith.constant 0 : i32
    %dma_start3A_1373 = arith.constant 64 : i32
    %dma_start3A_1374 = tpu.memref_slice %arg8[%dma_start3A_1360, %dma_start3A_1372, %dma_start3A_1373] : memref<2x128x128xf32, #tpu.memory_space<vmem>> -> memref<1x128x64xf32, #tpu.memory_space<vmem>>
    %dma_start3A_1375 = tpu.memref_squeeze %dma_start3A_1374 : memref<1x128x64xf32, #tpu.memory_space<vmem>> -> memref<128x64xf32, #tpu.memory_space<vmem>>
    tpu.enqueue_dma source(%dma_start3A_1375 : memref<128x64xf32, #tpu.memory_space<vmem>>) target(%dma_start3A_1371 : memref<128x64xf32, #tpu.memory_space<hbm>>) target_semaphore(%arg10 : memref<!tpu.dma_semaphore, #tpu.memory_space<semaphore_mem>>)
    %dma_wait3A_1376 = arith.constant 5 : i32
    %dma_wait3A_1377 = arith.constant 3 : i32
    %dma_wait3A_1378 = arith.constant 1 : i32
    %dma_wait3A_1379 = arith.constant 0 : i32
    %dma_wait3A_1380 = arith.constant 0 : i32
    %dma_wait3A_1381 = tpu.memref_slice %arg8[%dma_wait3A_1378, %dma_wait3A_1379, %dma_wait3A_1380] : memref<2x128x128xf32, #tpu.memory_space<vmem>> -> memref<1x128x128xf32, #tpu.memory_space<vmem>>
    %dma_wait3A_1382 = tpu.memref_squeeze %dma_wait3A_1381 : memref<1x128x128xf32, #tpu.memory_space<vmem>> -> memref<128x128xf32, #tpu.memory_space<vmem>>
    %dma_wait3A_1383 = arith.constant 0 : i32
    %dma_wait3A_1384 = tpu.memref_slice %arg7[%dma_wait3A_1376, %dma_wait3A_1377, %dma_wait3A_1383] : memref<6x4x128xi32, #tpu.memory_space<vmem>> -> memref<1x1x128xi32, #tpu.memory_space<vmem>>
    %dma_wait3A_1385 = tpu.memref_squeeze %dma_wait3A_1384 : memref<1x1x128xi32, #tpu.memory_space<vmem>> -> memref<128xi32, #tpu.memory_space<vmem>>
    %dma_wait3A_1386 = arith.constant 0 : i32
    %dma_wait3A_1387 = arith.constant 0 : i32
    %dma_wait3A_1388 = tpu.memref_slice %arg4[%dma_wait3A_1386, %dma_wait3A_1387] : memref<100000x128xf32, #tpu.memory_space<hbm>> -> memref<100000x128xf32, #tpu.memory_space<hbm>>
    tpu.wait_indirect_dma semaphore(%arg9 : memref<!tpu.dma_semaphore, #tpu.memory_space<semaphore_mem>>) src(%dma_wait3A_1388 : memref<100000x128xf32, #tpu.memory_space<hbm>>) dst(%dma_wait3A_1382 : memref<128x128xf32, #tpu.memory_space<vmem>>)
    %mul3A_1389 = arith.constant 512 : i32
    %mul3A_1390 = arith.muli %add3A, %mul3A_1389 : i32
    %add3A_1391 = arith.constant 384 : i32
    %add3A_1392 = arith.addi %mul3A_1390, %add3A_1391 : i32
    %dma_start3A_1393 = arith.constant 1 : i32
    %dma_start3A_1394 = arith.constant 1 : i32
    %dma_start3A_1395 = arith.constant 0 : i32
    %dma_start3A_1396 = arith.constant 64 : i32
    %dma_start3A_1397 = tpu.memref_slice %arg8[%dma_start3A_1393, %dma_start3A_1395, %dma_start3A_1396] : memref<2x128x128xf32, #tpu.memory_space<vmem>> -> memref<1x128x64xf32, #tpu.memory_space<vmem>>
    %dma_start3A_1398 = tpu.memref_squeeze %dma_start3A_1397 : memref<1x128x64xf32, #tpu.memory_space<vmem>> -> memref<128x64xf32, #tpu.memory_space<vmem>>
    %dma_start3A_1399 = arith.constant 64 : i32
    %dma_start3A_1400 = tpu.memref_slice %arg6[%dma_start3A_1394, %add3A_1392, %dma_start3A_1399] : memref<2x16384x128xf32, #tpu.memory_space<hbm>> -> memref<1x128x64xf32, #tpu.memory_space<hbm>>
    %dma_start3A_1401 = tpu.memref_squeeze %dma_start3A_1400 : memref<1x128x64xf32, #tpu.memory_space<hbm>> -> memref<128x64xf32, #tpu.memory_space<hbm>>
    %dma_start3A_1402 = arith.constant 64 : i32
    %dma_start3A_1403 = tpu.memref_slice %arg6[%dma_start3A_1394, %add3A_1392, %dma_start3A_1402] : memref<2x16384x128xf32, #tpu.memory_space<hbm>> -> memref<1x128x64xf32, #tpu.memory_space<hbm>>
    %dma_start3A_1404 = tpu.memref_squeeze %dma_start3A_1403 : memref<1x128x64xf32, #tpu.memory_space<hbm>> -> memref<128x64xf32, #tpu.memory_space<hbm>>
    %dma_start3A_1405 = arith.constant 0 : i32
    %dma_start3A_1406 = arith.constant 64 : i32
    %dma_start3A_1407 = tpu.memref_slice %arg8[%dma_start3A_1393, %dma_start3A_1405, %dma_start3A_1406] : memref<2x128x128xf32, #tpu.memory_space<vmem>> -> memref<1x128x64xf32, #tpu.memory_space<vmem>>
    %dma_start3A_1408 = tpu.memref_squeeze %dma_start3A_1407 : memref<1x128x64xf32, #tpu.memory_space<vmem>> -> memref<128x64xf32, #tpu.memory_space<vmem>>
    tpu.enqueue_dma source(%dma_start3A_1408 : memref<128x64xf32, #tpu.memory_space<vmem>>) target(%dma_start3A_1404 : memref<128x64xf32, #tpu.memory_space<hbm>>) target_semaphore(%arg11 : memref<!tpu.dma_semaphore, #tpu.memory_space<semaphore_mem>>)
    %dma_wait3A_1409 = arith.constant 0 : i32
    %dma_wait3A_1410 = arith.constant 1 : i32
    %dma_wait3A_1411 = arith.constant 0 : i32
    %dma_wait3A_1412 = arith.constant 64 : i32
    %dma_wait3A_1413 = tpu.memref_slice %arg8[%dma_wait3A_1409, %dma_wait3A_1411, %dma_wait3A_1412] : memref<2x128x128xf32, #tpu.memory_space<vmem>> -> memref<1x128x64xf32, #tpu.memory_space<vmem>>
    %dma_wait3A_1414 = tpu.memref_squeeze %dma_wait3A_1413 : memref<1x128x64xf32, #tpu.memory_space<vmem>> -> memref<128x64xf32, #tpu.memory_space<vmem>>
    %dma_wait3A_1415 = arith.constant 64 : i32
    %dma_wait3A_1416 = tpu.memref_slice %arg6[%dma_wait3A_1410, %add3A_1359, %dma_wait3A_1415] : memref<2x16384x128xf32, #tpu.memory_space<hbm>> -> memref<1x128x64xf32, #tpu.memory_space<hbm>>
    %dma_wait3A_1417 = tpu.memref_squeeze %dma_wait3A_1416 : memref<1x128x64xf32, #tpu.memory_space<hbm>> -> memref<128x64xf32, #tpu.memory_space<hbm>>
    %dma_wait3A_1418 = arith.constant 64 : i32
    %dma_wait3A_1419 = tpu.memref_slice %arg6[%dma_wait3A_1410, %add3A_1359, %dma_wait3A_1418] : memref<2x16384x128xf32, #tpu.memory_space<hbm>> -> memref<1x128x64xf32, #tpu.memory_space<hbm>>
    %dma_wait3A_1420 = tpu.memref_squeeze %dma_wait3A_1419 : memref<1x128x64xf32, #tpu.memory_space<hbm>> -> memref<128x64xf32, #tpu.memory_space<hbm>>
    %dma_wait3A_1421 = arith.constant 0 : i32
    %dma_wait3A_1422 = arith.constant 64 : i32
    %dma_wait3A_1423 = tpu.memref_slice %arg8[%dma_wait3A_1409, %dma_wait3A_1421, %dma_wait3A_1422] : memref<2x128x128xf32, #tpu.memory_space<vmem>> -> memref<1x128x64xf32, #tpu.memory_space<vmem>>
    %dma_wait3A_1424 = tpu.memref_squeeze %dma_wait3A_1423 : memref<1x128x64xf32, #tpu.memory_space<vmem>> -> memref<128x64xf32, #tpu.memory_space<vmem>>
    tpu.wait_dma2 semaphore(%arg10 : memref<!tpu.dma_semaphore, #tpu.memory_space<semaphore_mem>>) src(%dma_wait3A_1424 : memref<128x64xf32, #tpu.memory_space<vmem>>) dst(%dma_wait3A_1420 : memref<128x64xf32, #tpu.memory_space<hbm>>)
    %dma_wait3A_1425 = arith.constant 1 : i32
    %dma_wait3A_1426 = arith.constant 1 : i32
    %dma_wait3A_1427 = arith.constant 0 : i32
    %dma_wait3A_1428 = arith.constant 64 : i32
    %dma_wait3A_1429 = tpu.memref_slice %arg8[%dma_wait3A_1425, %dma_wait3A_1427, %dma_wait3A_1428] : memref<2x128x128xf32, #tpu.memory_space<vmem>> -> memref<1x128x64xf32, #tpu.memory_space<vmem>>
    %dma_wait3A_1430 = tpu.memref_squeeze %dma_wait3A_1429 : memref<1x128x64xf32, #tpu.memory_space<vmem>> -> memref<128x64xf32, #tpu.memory_space<vmem>>
    %dma_wait3A_1431 = arith.constant 64 : i32
    %dma_wait3A_1432 = tpu.memref_slice %arg6[%dma_wait3A_1426, %add3A_1392, %dma_wait3A_1431] : memref<2x16384x128xf32, #tpu.memory_space<hbm>> -> memref<1x128x64xf32, #tpu.memory_space<hbm>>
    %dma_wait3A_1433 = tpu.memref_squeeze %dma_wait3A_1432 : memref<1x128x64xf32, #tpu.memory_space<hbm>> -> memref<128x64xf32, #tpu.memory_space<hbm>>
    %dma_wait3A_1434 = arith.constant 64 : i32
    %dma_wait3A_1435 = tpu.memref_slice %arg6[%dma_wait3A_1426, %add3A_1392, %dma_wait3A_1434] : memref<2x16384x128xf32, #tpu.memory_space<hbm>> -> memref<1x128x64xf32, #tpu.memory_space<hbm>>
    %dma_wait3A_1436 = tpu.memref_squeeze %dma_wait3A_1435 : memref<1x128x64xf32, #tpu.memory_space<hbm>> -> memref<128x64xf32, #tpu.memory_space<hbm>>
    %dma_wait3A_1437 = arith.constant 0 : i32
    %dma_wait3A_1438 = arith.constant 64 : i32
    %dma_wait3A_1439 = tpu.memref_slice %arg8[%dma_wait3A_1425, %dma_wait3A_1437, %dma_wait3A_1438] : memref<2x128x128xf32, #tpu.memory_space<vmem>> -> memref<1x128x64xf32, #tpu.memory_space<vmem>>
    %dma_wait3A_1440 = tpu.memref_squeeze %dma_wait3A_1439 : memref<1x128x64xf32, #tpu.memory_space<vmem>> -> memref<128x64xf32, #tpu.memory_space<vmem>>
    tpu.wait_dma2 semaphore(%arg11 : memref<!tpu.dma_semaphore, #tpu.memory_space<semaphore_mem>>) src(%dma_wait3A_1440 : memref<128x64xf32, #tpu.memory_space<vmem>>) dst(%dma_wait3A_1436 : memref<128x64xf32, #tpu.memory_space<hbm>>)
    return
  }
}

module attributes {stable_mosaic.version = 14 : i64} {
  func.func @_pack_body(%arg0: i32, %arg1: memref<64x4096xf32, #tpu.memory_space<vmem>>, %arg2: memref<64x4096xf32, #tpu.memory_space<vmem>>, %arg3: memref<64x4096xf32, #tpu.memory_space<vmem>>, %arg4: memref<64x4096xf32, #tpu.memory_space<vmem>>, %arg5: memref<4096x128xf32, #tpu.memory_space<vmem>>, %arg6: memref<4096x128xf32, #tpu.memory_space<vmem>>) attributes {dimension_semantics = [#tpu.dimension_semantics<arbitrary>], iteration_bounds = array<i64: 25>, scalar_prefetch = 0 : i64, scratch_operands = 0 : i64, tpu.core_type = #tpu.core_type<tc>, window_params = [{transform_indices = @transform_0, window_bounds = array<i64: 64, 4096>}, {transform_indices = @transform_1, window_bounds = array<i64: 64, 4096>}, {transform_indices = @transform_2, window_bounds = array<i64: 64, 4096>}, {transform_indices = @transform_3, window_bounds = array<i64: 64, 4096>}, {transform_indices = @transform_4, window_bounds = array<i64: 4096, 128>}, {transform_indices = @transform_5, window_bounds = array<i64: 4096, 128>}]} {
    %iota3A = tpu.iota {dimensions = array<i32: 0>} : vector<64x64xi32>
    %iota3A_0 = tpu.iota {dimensions = array<i32: 1>} : vector<64x64xi32>
    %add3A = arith.constant 0 : i32
    %add3A_1 = vector.broadcast %add3A : i32 to vector<64x64xi32>
    %add3A_2 = arith.addi %iota3A, %add3A_1 : vector<64x64xi32>
    %eq3A = arith.cmpi eq, %add3A_2, %iota3A_0 : vector<64x64xi32>
    %convert_element_type3A = arith.extui %eq3A : vector<64x64xi1> to vector<64x64xi32>
    %convert_element_type3A_3 = arith.sitofp %convert_element_type3A : vector<64x64xi32> to vector<64x64xf32>
    %get3A = arith.constant 0 : index
    %get3A_4 = arith.constant 0 : index
    %get3A_5 = vector.load %arg1[%get3A, %get3A_4] : memref<64x4096xf32, #tpu.memory_space<vmem>>, vector<64x4096xf32>
    %dot_general3A = arith.constant dense<0.000000e+00> : vector<4096x64xf32>
    %dot_general3A_6 = tpu.matmul %get3A_5, %convert_element_type3A_3, %dot_general3A {dimension_numbers = #tpu.dot_dimension_numbers<[0], [0], [1], [1], [0, 1, 1, 1], [], []>, transpose_lhs_hint = false} : vector<64x4096xf32>, vector<64x64xf32>, vector<4096x64xf32> -> vector<4096x64xf32>
    %get3A_7 = arith.constant 0 : index
    %get3A_8 = arith.constant 0 : index
    %get3A_9 = vector.load %arg2[%get3A_7, %get3A_8] : memref<64x4096xf32, #tpu.memory_space<vmem>>, vector<64x4096xf32>
    %dot_general3A_10 = arith.constant dense<0.000000e+00> : vector<4096x64xf32>
    %dot_general3A_11 = tpu.matmul %get3A_9, %convert_element_type3A_3, %dot_general3A_10 {dimension_numbers = #tpu.dot_dimension_numbers<[0], [0], [1], [1], [0, 1, 1, 1], [], []>, transpose_lhs_hint = false} : vector<64x4096xf32>, vector<64x64xf32>, vector<4096x64xf32> -> vector<4096x64xf32>
    %concatenate3A = tpu.concatenate %dot_general3A_6, %dot_general3A_11 in 1 : vector<4096x64xf32>, vector<4096x64xf32> -> vector<4096x128xf32>
    %swap3A = arith.constant 0 : index
    %swap3A_12 = arith.constant 0 : index
    %swap3A_13 = vector.load %arg5[%swap3A, %swap3A_12] : memref<4096x128xf32, #tpu.memory_space<vmem>>, vector<4096x128xf32>
    tpu.vector_store %arg5[%swap3A, %swap3A_12], %concatenate3A {strides = array<i32>} : memref<4096x128xf32, #tpu.memory_space<vmem>>, vector<4096x128xf32>,
    %get3A_14 = arith.constant 0 : index
    %get3A_15 = arith.constant 0 : index
    %get3A_16 = vector.load %arg3[%get3A_14, %get3A_15] : memref<64x4096xf32, #tpu.memory_space<vmem>>, vector<64x4096xf32>
    %dot_general3A_17 = arith.constant dense<0.000000e+00> : vector<4096x64xf32>
    %dot_general3A_18 = tpu.matmul %get3A_16, %convert_element_type3A_3, %dot_general3A_17 {dimension_numbers = #tpu.dot_dimension_numbers<[0], [0], [1], [1], [0, 1, 1, 1], [], []>, transpose_lhs_hint = false} : vector<64x4096xf32>, vector<64x64xf32>, vector<4096x64xf32> -> vector<4096x64xf32>
    %get3A_19 = arith.constant 0 : index
    %get3A_20 = arith.constant 0 : index
    %get3A_21 = vector.load %arg4[%get3A_19, %get3A_20] : memref<64x4096xf32, #tpu.memory_space<vmem>>, vector<64x4096xf32>
    %dot_general3A_22 = arith.constant dense<0.000000e+00> : vector<4096x64xf32>
    %dot_general3A_23 = tpu.matmul %get3A_21, %convert_element_type3A_3, %dot_general3A_22 {dimension_numbers = #tpu.dot_dimension_numbers<[0], [0], [1], [1], [0, 1, 1, 1], [], []>, transpose_lhs_hint = false} : vector<64x4096xf32>, vector<64x64xf32>, vector<4096x64xf32> -> vector<4096x64xf32>
    %concatenate3A_24 = tpu.concatenate %dot_general3A_18, %dot_general3A_23 in 1 : vector<4096x64xf32>, vector<4096x64xf32> -> vector<4096x128xf32>
    %swap3A_25 = arith.constant 0 : index
    %swap3A_26 = arith.constant 0 : index
    %swap3A_27 = vector.load %arg6[%swap3A_25, %swap3A_26] : memref<4096x128xf32, #tpu.memory_space<vmem>>, vector<4096x128xf32>
    tpu.vector_store %arg6[%swap3A_25, %swap3A_26], %concatenate3A_24 {strides = array<i32>} : memref<4096x128xf32, #tpu.memory_space<vmem>>, vector<4096x128xf32>,
    return
  }
  func.func @transform_0(%arg0: i32) -> (i32, i32) {
    %c0_i32 = arith.constant 0 : i32
    %c0_i32_0 = arith.constant 0 : i32
    return %c0_i32, %arg0 : i32, i32
  }
  func.func @transform_1(%arg0: i32) -> (i32, i32) {
    %c0_i32 = arith.constant 0 : i32
    %c0_i32_0 = arith.constant 0 : i32
    return %c0_i32, %arg0 : i32, i32
  }
  func.func @transform_2(%arg0: i32) -> (i32, i32) {
    %c0_i32 = arith.constant 0 : i32
    %c0_i32_0 = arith.constant 0 : i32
    return %c0_i32, %arg0 : i32, i32
  }
  func.func @transform_3(%arg0: i32) -> (i32, i32) {
    %c0_i32 = arith.constant 0 : i32
    %c0_i32_0 = arith.constant 0 : i32
    return %c0_i32, %arg0 : i32, i32
  }
  func.func @transform_4(%arg0: i32) -> (i32, i32) {
    %c0_i32 = arith.constant 0 : i32
    %c0_i32_0 = arith.constant 0 : i32
    return %arg0, %c0_i32 : i32, i32
  }
  func.func @transform_5(%arg0: i32) -> (i32, i32) {
    %c0_i32 = arith.constant 0 : i32
    %c0_i32_0 = arith.constant 0 : i32
    return %arg0, %c0_i32 : i32, i32
  }
}

module attributes {stable_mosaic.version = 14 : i64} {
  func.func @_tc_body(%arg0: i32, %arg1: memref<2xf32, #tpu.memory_space<smem>>, %arg2: memref<1xf32, #tpu.memory_space<smem>>, %arg3: memref<2048x128xf32, #tpu.memory_space<vmem>>, %arg4: memref<2x2048x128xf32, #tpu.memory_space<vmem>>, %arg5: memref<128x128xf32, #tpu.memory_space<vmem>>, %arg6: memref<1x128xf32, #tpu.memory_space<vmem>>, %arg7: memref<128x64xf32, #tpu.memory_space<vmem>>, %arg8: memref<1x64xf32, #tpu.memory_space<vmem>>, %arg9: memref<64x1xf32, #tpu.memory_space<vmem>>, %arg10: memref<2048x1xf32, #tpu.memory_space<vmem>>) attributes {dimension_semantics = [#tpu.dimension_semantics<arbitrary>], iteration_bounds = array<i64: 8>, scalar_prefetch = 0 : i64, scratch_operands = 0 : i64, tpu.core_type = #tpu.core_type<tc>, window_params = [{transform_indices = @transform_0, window_bounds = array<i64: 2>}, {transform_indices = @transform_1, window_bounds = array<i64: 1>}, {transform_indices = @transform_2, window_bounds = array<i64: 2048, 128>}, {transform_indices = @transform_3, window_bounds = array<i64: 2, 2048, 128>}, {pipeline_mode = #tpu.pipeline_mode<synchronous>, transform_indices = @transform_4, window_bounds = array<i64: 128, 128>}, {pipeline_mode = #tpu.pipeline_mode<synchronous>, transform_indices = @transform_5, window_bounds = array<i64: 1, 128>}, {pipeline_mode = #tpu.pipeline_mode<synchronous>, transform_indices = @transform_6, window_bounds = array<i64: 128, 64>}, {pipeline_mode = #tpu.pipeline_mode<synchronous>, transform_indices = @transform_7, window_bounds = array<i64: 1, 64>}, {pipeline_mode = #tpu.pipeline_mode<synchronous>, transform_indices = @transform_8, window_bounds = array<i64: 64, 1>}, {transform_indices = @transform_9, window_bounds = array<i64: 2048, 1>}]} {
    %get3A = arith.constant 0 : index
    %get3A_0 = arith.constant 0 : index
    %get3A_1 = vector.load %arg3[%get3A, %get3A_0] : memref<2048x128xf32, #tpu.memory_space<vmem>>, vector<2048x128xf32>
    %get3A_2 = arith.constant 0 : index
    %get3A_3 = arith.constant 0 : index
    %get3A_4 = vector.load %arg5[%get3A_2, %get3A_3] : memref<128x128xf32, #tpu.memory_space<vmem>>, vector<128x128xf32>
    %dot_general3A = arith.constant dense<0.000000e+00> : vector<2048x128xf32>
    %dot_general3A_5 = tpu.matmul %get3A_1, %get3A_4, %dot_general3A {dimension_numbers = #tpu.dot_dimension_numbers<[1], [0], [0], [1], [0, 0, 1, 1], [], []>, transpose_lhs_hint = false} : vector<2048x128xf32>, vector<128x128xf32>, vector<2048x128xf32> -> vector<2048x128xf32>
    %get3A_6 = arith.constant 0 : index
    %get3A_7 = arith.constant 0 : index
    %get3A_8 = vector.load %arg6[%get3A_6, %get3A_7] : memref<1x128xf32, #tpu.memory_space<vmem>>, vector<1x128xf32>
    %add3A = vector.broadcast %get3A_8 : vector<1x128xf32> to vector<2048x128xf32>
    %add3A_9 = arith.addf %dot_general3A_5, %add3A : vector<2048x128xf32>
    %max3A = arith.constant 0.000000e+00 : f32
    %max3A_10 = vector.broadcast %max3A : f32 to vector<2048x128xf32>
    %max3A_11 = arith.maximumf %add3A_9, %max3A_10 : vector<2048x128xf32>
    %get3A_12 = arith.constant 0 : index
    %get3A_13 = arith.constant 0 : index
    %get3A_14 = vector.load %arg7[%get3A_12, %get3A_13] : memref<128x64xf32, #tpu.memory_space<vmem>>, vector<128x64xf32>
    %dot_general3A_15 = arith.constant dense<0.000000e+00> : vector<2048x64xf32>
    %dot_general3A_16 = tpu.matmul %max3A_11, %get3A_14, %dot_general3A_15 {dimension_numbers = #tpu.dot_dimension_numbers<[1], [0], [0], [1], [0, 0, 1, 1], [], []>, transpose_lhs_hint = false} : vector<2048x128xf32>, vector<128x64xf32>, vector<2048x64xf32> -> vector<2048x64xf32>
    %get3A_17 = arith.constant 0 : index
    %get3A_18 = arith.constant 0 : index
    %get3A_19 = vector.load %arg8[%get3A_17, %get3A_18] : memref<1x64xf32, #tpu.memory_space<vmem>>, vector<1x64xf32>
    %add3A_20 = vector.broadcast %get3A_19 : vector<1x64xf32> to vector<2048x64xf32>
    %add3A_21 = arith.addf %dot_general3A_16, %add3A_20 : vector<2048x64xf32>
    %max3A_22 = arith.constant 0.000000e+00 : f32
    %max3A_23 = vector.broadcast %max3A_22 : f32 to vector<2048x64xf32>
    %max3A_24 = arith.maximumf %add3A_21, %max3A_23 : vector<2048x64xf32>
    %iota3A = tpu.iota {dimensions = array<i32: 0>} : vector<192x3xi32>
    %jit3A = arith.constant 64 : i32
    %div3A = vector.broadcast %jit3A : i32 to vector<192x3xi32>
    %div3A_25 = arith.divsi %iota3A, %div3A : vector<192x3xi32>
    %sign3A = arith.constant 0 : i32
    %sign3A_26 = vector.broadcast %sign3A : i32 to vector<192x3xi32>
    %sign3A_27 = arith.cmpi sgt, %iota3A, %sign3A_26 : vector<192x3xi32>
    %sign3A_28 = arith.extui %sign3A_27 : vector<192x3xi1> to vector<192x3xi32>
    %sign3A_29 = arith.constant 0 : i32
    %sign3A_30 = vector.broadcast %sign3A_29 : i32 to vector<192x3xi32>
    %sign3A_31 = arith.cmpi slt, %iota3A, %sign3A_30 : vector<192x3xi32>
    %sign3A_32 = arith.extui %sign3A_31 : vector<192x3xi1> to vector<192x3xi32>
    %sign3A_33 = arith.subi %sign3A_28, %sign3A_32 : vector<192x3xi32>
    %sign3A_34 = arith.constant 0 : i32
    %sign3A_35 = arith.cmpi sgt, %jit3A, %sign3A_34 : i32
    %sign3A_36 = arith.extui %sign3A_35 : i1 to i32
    %sign3A_37 = arith.constant 0 : i32
    %sign3A_38 = arith.cmpi slt, %jit3A, %sign3A_37 : i32
    %sign3A_39 = arith.extui %sign3A_38 : i1 to i32
    %sign3A_40 = arith.subi %sign3A_36, %sign3A_39 : i32
    %ne3A = vector.broadcast %sign3A_40 : i32 to vector<192x3xi32>
    %ne3A_41 = arith.cmpi ne, %sign3A_33, %ne3A : vector<192x3xi32>
    %rem3A = vector.broadcast %jit3A : i32 to vector<192x3xi32>
    %rem3A_42 = arith.remsi %iota3A, %rem3A : vector<192x3xi32>
    %ne3A_43 = arith.constant 0 : i32
    %ne3A_44 = vector.broadcast %ne3A_43 : i32 to vector<192x3xi32>
    %ne3A_45 = arith.cmpi ne, %rem3A_42, %ne3A_44 : vector<192x3xi32>
    %and3A = arith.andi %ne3A_41, %ne3A_45 : vector<192x3xi1>
    %sub3A = arith.constant 1 : i32
    %sub3A_46 = vector.broadcast %sub3A : i32 to vector<192x3xi32>
    %sub3A_47 = arith.subi %div3A_25, %sub3A_46 : vector<192x3xi32>
    %select_n3A = arith.select %and3A, %sub3A_47, %div3A_25 : vector<192x3xi1>, vector<192x3xi32>
    %iota3A_48 = tpu.iota {dimensions = array<i32: 1>} : vector<192x3xi32>
    %eq3A = arith.cmpi eq, %select_n3A, %iota3A_48 : vector<192x3xi32>
    %jit3A_49 = arith.constant 1.000000e+00 : f32
    %jit3A_50 = arith.constant 0.000000e+00 : f32
    %broadcast_in_dim3A = vector.broadcast %jit3A_49 : f32 to vector<192x3xf32>
    %broadcast_in_dim3A_51 = vector.broadcast %jit3A_50 : f32 to vector<192x3xf32>
    %select_n3A_52 = arith.select %eq3A, %broadcast_in_dim3A, %broadcast_in_dim3A_51 : vector<192x3xi1>, vector<192x3xf32>
    %get3A_53 = arith.constant 0 : index
    %get3A_54 = arith.constant 0 : index
    %get3A_55 = vector.load %arg9[%get3A_53, %get3A_54] : memref<64x1xf32, #tpu.memory_space<vmem>>, vector<64x1xf32>
    %dot_general3A_56 = arith.constant dense<0.000000e+00> : vector<2048x1xf32>
    %dot_general3A_57 = tpu.matmul %max3A_24, %get3A_55, %dot_general3A_56 {dimension_numbers = #tpu.dot_dimension_numbers<[1], [0], [0], [1], [0, 0, 1, 1], [], []>, transpose_lhs_hint = false} : vector<2048x64xf32>, vector<64x1xf32>, vector<2048x1xf32> -> vector<2048x1xf32>
    %get3A_58 = arith.constant 0 : index
    %get3A_59 = arith.constant 0 : index
    %get3A_60 = arith.constant 0 : index
    %get3A_61 = vector.load %arg4[%get3A_58, %get3A_59, %get3A_60] : memref<2x2048x128xf32, #tpu.memory_space<vmem>>, vector<1x2048x64xf32>
    %get3A_62 = vector.shape_cast %get3A_61 : vector<1x2048x64xf32> to vector<2048x64xf32>
    %get3A_63 = arith.constant 0 : index
    %get3A_64 = arith.constant 0 : index
    %get3A_65 = arith.constant 64 : index
    %get3A_66 = vector.load %arg4[%get3A_63, %get3A_64, %get3A_65] : memref<2x2048x128xf32, #tpu.memory_space<vmem>>, vector<1x2048x64xf32>
    %get3A_67 = vector.shape_cast %get3A_66 : vector<1x2048x64xf32> to vector<2048x64xf32>
    %mul3A = arith.mulf %get3A_62, %get3A_67 : vector<2048x64xf32>
    %mul3A_68 = arith.mulf %get3A_62, %get3A_62 : vector<2048x64xf32>
    %mul3A_69 = arith.mulf %get3A_67, %get3A_67 : vector<2048x64xf32>
    %concatenate3A = tpu.concatenate %mul3A, %mul3A_68, %mul3A_69 in 1 : vector<2048x64xf32>, vector<2048x64xf32>, vector<2048x64xf32> -> vector<2048x192xf32>
    %dot_general3A_70 = arith.constant dense<0.000000e+00> : vector<2048x3xf32>
    %dot_general3A_71 = tpu.matmul %concatenate3A, %select_n3A_52, %dot_general3A_70 {dimension_numbers = #tpu.dot_dimension_numbers<[1], [0], [0], [1], [0, 0, 1, 1], [], []>, transpose_lhs_hint = false} : vector<2048x192xf32>, vector<192x3xf32>, vector<2048x3xf32> -> vector<2048x3xf32>
    %slice3A = vector.extract_strided_slice %dot_general3A_71 {offsets = [0, 0], sizes = [2048, 1], strides = [1, 1]} : vector<2048x3xf32> to vector<2048x1xf32>
    %slice3A_72 = vector.extract_strided_slice %dot_general3A_71 {offsets = [0, 1], sizes = [2048, 1], strides = [1, 1]} : vector<2048x3xf32> to vector<2048x1xf32>
    %sqrt3A = math.sqrt %slice3A_72 : vector<2048x1xf32>
    %slice3A_73 = vector.extract_strided_slice %dot_general3A_71 {offsets = [0, 2], sizes = [2048, 1], strides = [1, 1]} : vector<2048x3xf32> to vector<2048x1xf32>
    %sqrt3A_74 = math.sqrt %slice3A_73 : vector<2048x1xf32>
    %mul3A_75 = arith.mulf %sqrt3A, %sqrt3A_74 : vector<2048x1xf32>
    %max3A_76 = arith.constant 9.99999993E-9 : f32
    %max3A_77 = vector.broadcast %max3A_76 : f32 to vector<2048x1xf32>
    %max3A_78 = arith.maximumf %mul3A_75, %max3A_77 : vector<2048x1xf32>
    %div3A_79 = arith.divf %slice3A, %max3A_78 : vector<2048x1xf32>
    %get3A_80 = arith.constant 0 : index
    %get3A_81 = memref.load %arg1[%get3A_80] : memref<2xf32, #tpu.memory_space<smem>>
    %mul3A_82 = vector.broadcast %get3A_81 : f32 to vector<2048x1xf32>
    %mul3A_83 = arith.mulf %div3A_79, %mul3A_82 : vector<2048x1xf32>
    %add3A_84 = arith.addf %dot_general3A_57, %mul3A_83 : vector<2048x1xf32>
    %get3A_85 = arith.constant 1 : index
    %get3A_86 = arith.constant 0 : index
    %get3A_87 = arith.constant 0 : index
    %get3A_88 = vector.load %arg4[%get3A_85, %get3A_86, %get3A_87] : memref<2x2048x128xf32, #tpu.memory_space<vmem>>, vector<1x2048x64xf32>
    %get3A_89 = vector.shape_cast %get3A_88 : vector<1x2048x64xf32> to vector<2048x64xf32>
    %get3A_90 = arith.constant 1 : index
    %get3A_91 = arith.constant 0 : index
    %get3A_92 = arith.constant 64 : index
    %get3A_93 = vector.load %arg4[%get3A_90, %get3A_91, %get3A_92] : memref<2x2048x128xf32, #tpu.memory_space<vmem>>, vector<1x2048x64xf32>
    %get3A_94 = vector.shape_cast %get3A_93 : vector<1x2048x64xf32> to vector<2048x64xf32>
    %mul3A_95 = arith.mulf %get3A_89, %get3A_94 : vector<2048x64xf32>
    %mul3A_96 = arith.mulf %get3A_89, %get3A_89 : vector<2048x64xf32>
    %mul3A_97 = arith.mulf %get3A_94, %get3A_94 : vector<2048x64xf32>
    %concatenate3A_98 = tpu.concatenate %mul3A_95, %mul3A_96, %mul3A_97 in 1 : vector<2048x64xf32>, vector<2048x64xf32>, vector<2048x64xf32> -> vector<2048x192xf32>
    %dot_general3A_99 = arith.constant dense<0.000000e+00> : vector<2048x3xf32>
    %dot_general3A_100 = tpu.matmul %concatenate3A_98, %select_n3A_52, %dot_general3A_99 {dimension_numbers = #tpu.dot_dimension_numbers<[1], [0], [0], [1], [0, 0, 1, 1], [], []>, transpose_lhs_hint = false} : vector<2048x192xf32>, vector<192x3xf32>, vector<2048x3xf32> -> vector<2048x3xf32>
    %slice3A_101 = vector.extract_strided_slice %dot_general3A_100 {offsets = [0, 0], sizes = [2048, 1], strides = [1, 1]} : vector<2048x3xf32> to vector<2048x1xf32>
    %slice3A_102 = vector.extract_strided_slice %dot_general3A_100 {offsets = [0, 1], sizes = [2048, 1], strides = [1, 1]} : vector<2048x3xf32> to vector<2048x1xf32>
    %sqrt3A_103 = math.sqrt %slice3A_102 : vector<2048x1xf32>
    %slice3A_104 = vector.extract_strided_slice %dot_general3A_100 {offsets = [0, 2], sizes = [2048, 1], strides = [1, 1]} : vector<2048x3xf32> to vector<2048x1xf32>
    %sqrt3A_105 = math.sqrt %slice3A_104 : vector<2048x1xf32>
    %mul3A_106 = arith.mulf %sqrt3A_103, %sqrt3A_105 : vector<2048x1xf32>
    %max3A_107 = arith.constant 9.99999993E-9 : f32
    %max3A_108 = vector.broadcast %max3A_107 : f32 to vector<2048x1xf32>
    %max3A_109 = arith.maximumf %mul3A_106, %max3A_108 : vector<2048x1xf32>
    %div3A_110 = arith.divf %slice3A_101, %max3A_109 : vector<2048x1xf32>
    %get3A_111 = arith.constant 1 : index
    %get3A_112 = memref.load %arg1[%get3A_111] : memref<2xf32, #tpu.memory_space<smem>>
    %mul3A_113 = vector.broadcast %get3A_112 : f32 to vector<2048x1xf32>
    %mul3A_114 = arith.mulf %div3A_110, %mul3A_113 : vector<2048x1xf32>
    %add3A_115 = arith.addf %add3A_84, %mul3A_114 : vector<2048x1xf32>
    %get3A_116 = arith.constant 0 : index
    %get3A_117 = memref.load %arg2[%get3A_116] : memref<1xf32, #tpu.memory_space<smem>>
    %add3A_118 = vector.broadcast %get3A_117 : f32 to vector<2048x1xf32>
    %add3A_119 = arith.addf %add3A_115, %add3A_118 : vector<2048x1xf32>
    %swap3A = arith.constant 0 : index
    %swap3A_120 = arith.constant 0 : index
    %swap3A_121 = vector.load %arg10[%swap3A, %swap3A_120] : memref<2048x1xf32, #tpu.memory_space<vmem>>, vector<2048x1xf32>
    tpu.vector_store %arg10[%swap3A, %swap3A_120], %add3A_119 {strides = array<i32>} : memref<2048x1xf32, #tpu.memory_space<vmem>>, vector<2048x1xf32>,
    return
  }
  func.func @transform_0(%arg0: i32) -> i32 {
    %c0_i32 = arith.constant 0 : i32
    %c0_i32_0 = arith.constant 0 : i32
    return %c0_i32 : i32
  }
  func.func @transform_1(%arg0: i32) -> i32 {
    %c0_i32 = arith.constant 0 : i32
    %c0_i32_0 = arith.constant 0 : i32
    return %c0_i32 : i32
  }
  func.func @transform_2(%arg0: i32) -> (i32, i32) {
    %c0_i32 = arith.constant 0 : i32
    %c0_i32_0 = arith.constant 0 : i32
    return %arg0, %c0_i32 : i32, i32
  }
  func.func @transform_3(%arg0: i32) -> (i32, i32, i32) {
    %c0_i32 = arith.constant 0 : i32
    %c0_i32_0 = arith.constant 0 : i32
    %c0_i32_1 = arith.constant 0 : i32
    return %c0_i32, %arg0, %c0_i32_0 : i32, i32, i32
  }
  func.func @transform_4(%arg0: i32) -> (i32, i32) {
    %c0_i32 = arith.constant 0 : i32
    %c0_i32_0 = arith.constant 0 : i32
    %c0_i32_1 = arith.constant 0 : i32
    return %c0_i32, %c0_i32_0 : i32, i32
  }
  func.func @transform_5(%arg0: i32) -> (i32, i32) {
    %c0_i32 = arith.constant 0 : i32
    %c0_i32_0 = arith.constant 0 : i32
    %c0_i32_1 = arith.constant 0 : i32
    return %c0_i32, %c0_i32_0 : i32, i32
  }
  func.func @transform_6(%arg0: i32) -> (i32, i32) {
    %c0_i32 = arith.constant 0 : i32
    %c0_i32_0 = arith.constant 0 : i32
    %c0_i32_1 = arith.constant 0 : i32
    return %c0_i32, %c0_i32_0 : i32, i32
  }
  func.func @transform_7(%arg0: i32) -> (i32, i32) {
    %c0_i32 = arith.constant 0 : i32
    %c0_i32_0 = arith.constant 0 : i32
    %c0_i32_1 = arith.constant 0 : i32
    return %c0_i32, %c0_i32_0 : i32, i32
  }
  func.func @transform_8(%arg0: i32) -> (i32, i32) {
    %c0_i32 = arith.constant 0 : i32
    %c0_i32_0 = arith.constant 0 : i32
    %c0_i32_1 = arith.constant 0 : i32
    return %c0_i32, %c0_i32_0 : i32, i32
  }
  func.func @transform_9(%arg0: i32) -> (i32, i32) {
    %c0_i32 = arith.constant 0 : i32
    %c0_i32_0 = arith.constant 0 : i32
    return %arg0, %c0_i32 : i32, i32
  }
}

</mosaic_0001>

<sc_bundles>
// kernel: kernel.5.cloned.1.call-start
scs
__scs_entry_jumppad:
0x0: {  	(pc) =	sbr.rel $0x88, $3  }
0x1: {  	(tag) =	ssettag $0x0;
	lr =	simm.s32 $0x1  }
0x2: {  	[smem:$0x3F95] =	sst lr;
	_ =	strace $0xD0000000  }
0x3: {  	_ = 	snop  }
0x4: {  	_ = 	snop  }
0x5: {  	_ = 	snop  }
0x6: {  	_ = 	snop  }
0x7: {  	_ = 	snop  }
__scs_overlays_trampoline_lowered:
0x8: {  	[smem:$0x3FA4] =	sst s0  }
0x9: {  	[smem:$0x3FA5] =	sst s1  }
0xa: {  	[smem:$0x3FA6] =	sst s2  }
0xb: {  	[smem:$0x3FA7] =	sst s3  }
0xc: {  	[smem:$0x3FA8] =	sst s4  }
0xd: {  	[smem:$0x3FA9] =	sst s5  }
0xe: {  	[smem:$0x3FAA] =	sst s6  }
0xf: {  	[smem:$0x3FAB] =	sst s7  }
0x10: {  	[smem:$0x3FAC] =	sst s8  }
0x11: {  	[smem:$0x3FAD] =	sst s9;
	s0 =	simm.s32 @!p0 $0x0  }
0x12: {  	s1 =	sld [smem:$0x3F93];
	s0 =	simm.s32 @p0 $0x1  }
0x13: {  	[smem:$0x3FAE] =	sst s0;
	s0 =	simm.s32 @!p1 $0x0  }
0x14: {  	s2 =	sld [smem:$0x3F92];
	s0 =	simm.s32 @p1 $0x1  }
0x15: {  	[smem:$0x3FAF] =	sst s0;
	s0 =	simm.s32 @!p2 $0x0  }
0x16: {  	s3 =	sld [smem:$0x3FDB];
	s0 =	simm.s32 @p2 $0x1  }
0x17: {  	s4 =	simm.s32 $0x1BF5;
	[smem:$0x3FB1] =	sst s0  }
0x18: {  	s0 =	sld [smem:$0x3F94];
	_ =	swait.ge [sflag:s4], $0x0  }
0x19: {  	s7 =	sld [smem:$0x3F95]  }
0x1a: {  	s8 =	sadd.s32 $0xFFFFE003, lr  }
0x1b: {  	s9 =	sadd.s32 $0xFFFFFEF7, lr;
	s5 =	simm.s32 $0xFFFFFFFF;
	p2 =	slt.u32 s8, $0xFFFFF086  }
0x1c: {  	p1 =	slt.u32 s9, $0xF7A;
	s5 =	simm.s32 @!p2 $0x0  }
0x1d: {  	s5 =	simm.s32 @p1 $0x1;
	p0 =	seq.s32 s7, s2  }
0x1e: {  	s7 =	smul.u32 @!p0 $0xF7A, s2;
	p2 =	seq.s32 @!p0 s5, $0x0  }
0x1f: {  	s9 =	smul.u32 $0xF7A, s1;
	s8 =	simm.s32 @!p0 $0x1BF5;
	p2 =	por !p2, p0  }
0x20: {  	[sflag:s8] =	ssyncset.s32 @!p0 $0xFFFFF086;
	s6 =	sadd.s32 @!p0 s3, s7;
	s7 =	simm.s32 @!p0 $0x108  }
0x21: {  	s3 =	sadd.s32 s3, s9;
	s6 =	sadd.s32 @!p0 $0x88, s6;
	s7 =	simm.s32 @p2 $0x1082  }
0x22: {  	[simem:s7], [sflag:s8] =	dma.local @!p0 [hbm:s6], $0xF7A  }
0x23: {  	s9 =	sor.u32 $0xD0000000, s2;
	s6 =	simm.s32 $0x108;
	_ =	swait.ge @!p0 [sflag:s8], $0x0  }
0x24: {  	s3 =	sadd.s32 $0x88, s3;
	s6 =	simm.s32 @!p1 $0x1082;
	[sflag:s4] =	ssyncset.s32 $0xFFFFF086  }
0x25: {  	[simem:s6], [sflag:s4] =	dma.local [hbm:s3], $0xF7A  }
0x26: {  	[smem:$0x3F95] =	sst s1;
	(tag) =	ssettag s2;
	_ =	strace s9  }
0x27: {  	s1 =	sld [smem:$0x3FA5]  }
0x28: {  	s2 =	sld [smem:$0x3FA6]  }
0x29: {  	s4 =	sld [smem:$0x3FA8]  }
0x2a: {  	p0 =	seq.s32 s5, $0x0;
	s5 =	sld [smem:$0x3FA9]  }
0x2b: {  	s6 =	sld [smem:$0x3FAA]  }
0x2c: {  	s7 =	sld [smem:$0x3FAB]  }
0x2d: {  	s3 =	simm.s32 $0x108;
	s8 =	sld [smem:$0x3FAC]  }
0x2e: {  	s3 =	simm.s32 @!p0 $0x1082;
	s9 =	sld [smem:$0x3FAD]  }
0x2f: {  	lr =	sadd.s32 s0, s3;
	s0 =	sld [smem:$0x3FA4]  }
0x30: {  	s3 =	sld [smem:$0x3FA7]  }
0x31: {  	[smem:$0x3FB0] =	sst s10  }
0x32: {  	s10 =	sld [smem:$0x3FAE];
	_ =	sdelay $0x3  }
0x33: {  	p0 =	seq.s32 s10, $0x1;
	s10 =	sld [smem:$0x3FB0];
	_ =	sdelay $0x3  }
0x34: {  	[smem:$0x3FB0] =	sst s10  }
0x35: {  	s10 =	sld [smem:$0x3FAF];
	_ =	sdelay $0x3  }
0x36: {  	p1 =	seq.s32 s10, $0x1;
	s10 =	sld [smem:$0x3FB0];
	_ =	sdelay $0x3  }
0x37: {  	[smem:$0x3FB0] =	sst s10  }
0x38: {  	s10 =	sld [smem:$0x3FB1]  }
0x39: {  	_ = 	snop;
	(pc) =	sbr.ind lr, $3  }
0x3a: {  	_ = 	snop  }
0x3b: {  	_ = 	snop  }
0x3c: {  	p2 =	seq.s32 s10, $0x1;
	s10 =	sld [smem:$0x3FB0]  }
0x3d: {  	_ =	shalt  }
0x3e: {  	_ =	shalt  }
0x3f: {  	_ =	shalt  }
0x40: {  	_ =	shalt  }
0x41: {  	_ =	shalt  }
0x42: {  	_ =	shalt  }
0x43: {  	_ =	shalt  }
0x44: {  	_ =	shalt  }
0x45: {  	_ =	shalt  }
0x46: {  	_ =	shalt  }
0x47: {  	_ =	shalt  }
0x48: {  	_ =	shalt  }
0x49: {  	_ =	shalt  }
0x4a: {  	_ =	shalt  }
0x4b: {  	_ =	shalt  }
0x4c: {  	_ =	shalt  }
0x4d: {  	_ =	shalt  }
0x4e: {  	_ =	shalt  }
0x4f: {  	_ =	shalt  }
0x50: {  	_ =	shalt  }
0x51: {  	_ =	shalt  }
0x52: {  	_ =	shalt  }
0x53: {  	_ =	shalt  }
0x54: {  	_ =	shalt  }
0x55: {  	_ =	shalt  }
0x56: {  	_ =	shalt  }
0x57: {  	_ =	shalt  }
0x58: {  	_ =	shalt  }
0x59: {  	_ =	shalt  }
0x5a: {  	_ =	shalt  }
0x5b: {  	_ =	shalt  }
0x5c: {  	_ =	shalt  }
0x5d: {  	_ =	shalt  }
0x5e: {  	_ =	shalt  }
0x5f: {  	_ =	shalt  }
0x60: {  	_ =	shalt  }
0x61: {  	_ =	shalt  }
0x62: {  	_ =	shalt  }
0x63: {  	_ =	shalt  }
0x64: {  	_ =	shalt  }
0x65: {  	_ =	shalt  }
0x66: {  	_ =	shalt  }
0x67: {  	_ =	shalt  }
0x68: {  	_ =	shalt  }
0x69: {  	_ =	shalt  }
0x6a: {  	_ =	shalt  }
0x6b: {  	_ =	shalt  }
0x6c: {  	_ =	shalt  }
0x6d: {  	_ =	shalt  }
0x6e: {  	_ =	shalt  }
0x6f: {  	_ =	shalt  }
0x70: {  	_ =	shalt  }
0x71: {  	_ =	shalt  }
0x72: {  	_ =	shalt  }
0x73: {  	_ =	shalt  }
0x74: {  	_ =	shalt  }
0x75: {  	_ =	shalt  }
0x76: {  	_ =	shalt  }
0x77: {  	_ =	shalt  }
0x78: {  	_ =	shalt  }
0x79: {  	_ =	shalt  }
0x7a: {  	_ =	shalt  }
0x7b: {  	_ =	shalt  }
0x7c: {  	_ =	shalt  }
0x7d: {  	_ =	shalt  }
0x7e: {  	_ =	shalt  }
0x7f: {  	_ =	shalt  }
0x80: {  	_ =	shalt  }
0x81: {  	_ =	shalt  }
0x82: {  	_ =	shalt  }
0x83: {  	_ =	shalt  }
0x84: {  	_ =	shalt  }
0x85: {  	_ =	shalt  }
0x86: {  	_ =	shalt  }
0x87: {  	_ =	shalt  }
.Lfunc_end0:
.L_simem_size_0:
called_computation_lowered:
.L_overlay_start_0:
0x88: {  	s2 =	sld [smem:$0x3FD9]  }
0x89: {  	s3 =	sld [smem:$0x3FFE];
	_ =	sdelay $0x1  }
0x8a: {  	s1 =	srdreg.scid  }
0x8b: {  	s0 =	sand.u32 $0x1, s1  }
0x8c: {  	s16 =	sshll.u32 s0, $0xA;
	s2 =	sadd.s32 s3, s2  }
0x8d: {  	s2 =	sadd.s32 s2, s16  }
0x8e: {  	[smem:$0x3FBC] =	sst s2  }
0x8f: {  	_ = 	snop  }
0x90: {  	(tm) =	ssettm $0x1  }
0x91: {  	s17 =	sld [smem:$0x3FFB];
	_ =	sdelay $0x3  }
0x92: {  	_ =	strace s17  }
0x93: {  	s2 =	sld [smem:$0x3FFC];
	_ =	sdelay $0x3  }
0x94: {  	_ =	strace s2  }
0x95: {  	s2 =	sld [smem:$0x3FFD];
	_ =	sdelay $0x3  }
0x96: {  	_ =	strace s2  }
0x97: {  	_ =	strace $0x8FFFFFFF  }
0x98: {  	s18 =	sld [smem:$0x3FDB];
	_ =	sdelay $0x1  }
0x99: {  	s19 =	simm.s32 $_scs_section_size  }
0x9a: {  	s4 =	simm.s32 $_size__tile_overlayer_lowered;
	s5 =	simm.s32 $_tile_overlayer_lowered  }
0x9b: {  	s22 =	simm.s32 $0x1BFF;
	s21 =	sshll.u32 s5, $0x1;
	s2 =	sadd.s32 s19, s18  }
0x9c: {  	s6 =	simm.s32 $0x0;
	s20 =	sshll.u32 s4, $0x1;
	s4 =	sadd.s32 s21, s2  }
0x9d: {  	[timem:s6], [sflag:s22] =	dma.local [hbm:s4], s20  }
0x9e: {  	_ =	swait.ge [sflag:s22], s20  }
0x9f: {  	s3 =	ssub.s32 $0x0, s20;
	[sflag:s22] =	ssyncset.done $0x0  }
0xa0: {  	[sflag:s22] =	ssyncadd.s32 s3;
	_ =	sdelay $0x1  }
0xa1: {  	s23 =	simm.s32 $0x1B8B  }
0xa2: {  	_ =	swait.ge [sflag:s23], $0x1  }
0xa3: {  	[sflag:s23] =	ssyncset.done $0x0  }
0xa4: {  	s25 =	simm.s32 $0x1B8E;
	s24 =	sld [smem:$0x3FFE];
	[sflag:s23] =	ssyncadd.s32 $0xFFFFFFFF  }
0xa5: {  	s26 =	simm.s32 $execute0_lowered;
	[smem:$0x3FD2] =	sst s25  }
0xa6: {  	s4 =	sshll.u32 s26, $0x1;
	_ =	strace $0x80000046;
	[dreg:$0x1] =	wrdreg $0xFFFFFFFF  }
0xa7: {  	s28 =	simm.s32 $_size_execute0_lowered;
	s2 =	sadd.s32 s2, s4;
	[dreg:$0x0] =	wrdreg $0x0  }
0xa8: {  	s4 =	sshll.u32 s28, $0x1;
	[dreg:$0x2] =	wrdreg s2  }
0xa9: {  	[dreg:$0x3] =	wrdreg s4  }
0xaa: {  	[dreg:$0x4] =	wrdreg $0xC0  }
0xab: {  	_ =	task [dreg:s6], $0x5FFFF  }
0xac: {  	[dreg:$0x1] =	wrdreg $0xFFFFFFFF  }
0xad: {  	[dreg:$0x0] =	wrdreg $0x60  }
0xae: {  	[dreg:$0x2] =	wrdreg s24  }
0xaf: {  	[dreg:$0x3] =	wrdreg $0x9  }
0xb0: {  	_ =	task.clear_ibuf [dreg:s6], $0x4FFFF;
	_ =	strace $0x90000046  }
0xb1: {  	s29 =	simm.s32 $0x9;
	_ =	strace $0x80000048  }
0xb2: {  	_ =	swait.ge [sflag:s29], $0x1  }
0xb3: {  	[sflag:s29] =	ssyncadd.s32 $0xFFFFFFFF  }
0xb4: {  	_ =	strace $0x90000048  }
0xb5: {  	_ =	sfence  }
0xb6: {  	s30 =	sld [smem:$0x0];
	_ =	sdelay $0x2  }
0xb7: {  	s31 =	sshll.u32 s1, $0xD;
	s1 =	sshrl.u32 s1, $0x2  }
0xb8: {  	s3 =	sand.u32 $0x4000, s31;
	s1 =	sadd.s32 s1, s30  }
0xb9: {  	s0 =	sor.u32 s3, s0;
	s1 =	sshll.u32 s1, $0x11  }
0xba: {  	s0 =	sor.u32 s1, s0  }
0xbb: {  	s0 =	sadd.s32 $0x8F2B, s0  }
0xbc: {  	[sflag:s0] =	ssyncadd.remote.s32 $0x1  }
0xbd: {  	_ =	sfence.sel $0xFFFF  }
0xbe: {  	[dreg:$0x0] =	wrdreg $0xFFFFFFFF;
	(pc) =	sbr.abs _section_cstart, $3  }
0xbf: {  	[dreg:$0x1] =	wrdreg $0xFFFFFFFF  }
0xc0: {  	_ =	task.clear_ibuf [dreg:s6], $0x2FFFF;
	_ =	strace $0x9FFFFFFF  }
0xc1: {  	(tm) =	ssettm $0x7FFFFFFF  }
tec
execute0_lowered:
.L_overlay_start_1:
0x0: {  	(tag) =	ssettag $0x1  }
0x1: {  	s0 =	srdreg.scid;
	s2 =	stileid.u32  }
0x2: {  	s1 =	rddreg [dreg:$0x0];
	s0 =	sand.u32 $0x1, s0;
	s3 =	sshll.u32 s2, $0x1  }
0x3: {  	s2 =	simm.s32 $0x0;
	s5 =	sadd.s32 $0x4C00, s1;
	s24 =	sadd.s32 $0x18B600, s1  }
0x4: {  	s25 =	sadd.s32 $0x312000, s1;
	s3 =	sor.u32 s0, s3;
	[smem:$0x7FF] =	sst s2  }
0x5: {  	s0 =	ssub.s32 $0x2, s0;
	_ =	strace $0x80000047;
	[dreg:$0x2] =	wrdreg s5  }
0x6: {  	s4 =	sshll.u32 s3, $0x6;
	[dreg:$0x3] =	wrdreg s24;
	s6 =	sshrl.u32 s0, $0x1  }
0x7: {  	s3 =	sshll.u32 s3, $0xD;
	s4 =	sadd.s32 s4, s1;
	s1 =	sadd.s32 $0x352000, s1  }
0x8: {  	s0 =	ssub.s32 s0, s6;
	s15 =	sor.u32 $0x800, s3;
	s6 =	sadd.s32 s25, s3  }
0x9: {  	s26 =	sor.u32 $0x1000, s3;
	s17 =	sor.u32 $0x1800, s3;
	s20 =	sor.u32 $0x8, s3  }
0xa: {  	s21 =	sor.u32 $0x808, s3;
	s22 =	sor.u32 $0x1008, s3;
	s23 =	sor.u32 $0x1808, s3  }
0xb: {  	s4 =	sadd.s32 $0x1C00, s4;
	s7 =	sadd.s32 s25, s15;
	s8 =	sadd.s32 s25, s26  }
0xc: {  	s9 =	sadd.s32 s25, s17;
	s10 =	sadd.s32 s25, s20;
	s11 =	sadd.s32 s25, s21  }
0xd: {  	s12 =	sadd.s32 s25, s22;
	s13 =	sadd.s32 s25, s23;
	s14 =	sadd.s32 s1, s3  }
0xe: {  	s15 =	sadd.s32 s1, s15;
	s16 =	sadd.s32 s1, s26;
	s17 =	sadd.s32 s1, s17  }
0xf: {  	s20 =	sadd.s32 s1, s20;
	s21 =	sadd.s32 s1, s21;
	s22 =	sadd.s32 s1, s22  }
0x10: {  	s23 =	sadd.s32 s1, s23;
	s0 =	smax.u32 s0, $0x1;
	s25 =	simm.s32 $0x1  }
0x11: {  	s1 =	simm.s32 $0x3;
	s3 =	simm.s32 $0x0;
	[dreg:$0x4] =	wrdreg s4  }
0x12: {  	s18 =	sadd.s32 $0x40000, s14;
	s19 =	sadd.s32 $0x40800, s14;
	s24 =	sadd.s32 $0x41000, s14  }
0x13: {  	[dreg:$0x5] =	wrdreg s0;
	s26 =	sadd.s32 $0x41800, s14;
	s28 =	sadd.s32 $0x40008, s14  }
0x14: {  	s29 =	sadd.s32 $0x40808, s14;
	s30 =	sadd.s32 $0x41008, s14;
	s31 =	sadd.s32 $0x41808, s14  }
.LBB2_1:
0x15: {  	s0 =	rddreg [dreg:$0x4];
	s5 =	simm.s32 $0x200;
	s4 =	simm.s32 $0x4000  }
0x16: {  	[tilespmem:s2], [sflag:$0x4] =	stream.strided.gather [hbm4b:s0+s5], $0xC00, s4, s5, $0x38;
	[tilespmem:$0x8C00] =	vst v63  }
0x17: {  	[dreg:$0x6] =	wrdreg s3;
	s4 =	simm.s32 $0x4  }
0x18: {  	_ =	swait.ge [sflag:s4], $0xC00  }
0x19: {  	s3 =	simm.s32 $0x80;
	[sflag:s4] =	ssyncset.done $0x0  }
0x1a: {  	s5 =	simm.s32 $0xC00;
	s0 =	rddreg [dreg:$0x2];
	[sflag:s4] =	ssyncadd.s32 $0xFFFFF400  }
0x1b: {  	[tilespmem:s5], [sflag:$0x1] =	stream.indirect.gather [hbm4b:s0+s3], $0x80, s2, s3, $0xb8;
	[tilespmem:$0x8C00] =	vst v63  }
0x1c: {  	s5 =	simm.s32 $0x4C00  }
0x1d: {  	[tilespmem:s5], [sflag:$0x1] =	stream.indirect.gather [hbm4b:s0+s3], $0x80, s3, s3, $0xb8;
	[tilespmem:$0x8C00] =	vst v63  }
0x1e: {  	_ =	swait.ge [sflag:s25], $0x4000  }
0x1f: {  	s4 =	simm.s32 $0xC80;
	s3 =	simm.s32 $0x10;
	[sflag:s25] =	ssyncset.done $0x0  }
0x20: {  	s0 =	sadd.s32 $0x0, s6;
	s5 =	simm.s32 $0xC00;
	[sflag:s25] =	ssyncadd.s32 $0xFFFFC000  }
.LBB2_2:
0x21: {  	[hbm4b:s0+s2] =	stream.linear.scatter [tilespmem:s5], [sflag:$0x2], $0x40, $0x38;
	[tilespmem:$0x8C00] =	vst v63  }
0x22: {  	s0 =	smov.u32 s3;
	s5 =	smov.u32 s4;
	p0 =	sne.s32 s3, $0x7F0  }
.Ltmp0:
0x23: {  	s3 =	sadd.s32 $0x10, s3;
	(pc) =	sbr.rel @p0 .LBB2_2-.Ltmp0, $2  }
0x24: {  	_ =	sdelay $0x2  }
0x25: {  	s4 =	sadd.s32 $0x80, s4;
	s0 =	sadd.s32 s0, s6  }
0x26: {  	[hbm4b:s0+s2] =	stream.linear.scatter [tilespmem:s5], [sflag:$0x2], $0x40, $0x38;
	[tilespmem:$0x8C00] =	vst v63  }
0x27: {  	s5 =	simm.s32 $0x2  }
0x28: {  	_ =	swait.ge [sflag:s5], $0x2000  }
0x29: {  	s3 =	simm.s32 $0x80;
	s4 =	simm.s32 $0x100;
	[sflag:s5] =	ssyncset.done $0x0  }
0x2a: {  	s0 =	rddreg [dreg:$0x2];
	[sflag:s5] =	ssyncadd.s32 $0xFFFFE000;
	s5 =	simm.s32 $0xC00  }
0x2b: {  	[tilespmem:s5], [sflag:$0x1] =	stream.indirect.gather [hbm4b:s0+s3], $0x80, s4, s3, $0xb8;
	[tilespmem:$0x8C00] =	vst v63  }
0x2c: {  	_ =	swait.ge [sflag:s25], $0x4000  }
0x2d: {  	s3 =	simm.s32 $0x4C00;
	s4 =	simm.s32 $0x10;
	[sflag:s25] =	ssyncset.done $0x0  }
0x2e: {  	s0 =	sadd.s32 $0x0, s7;
	s5 =	simm.s32 $0x4C80;
	[sflag:s25] =	ssyncadd.s32 $0xFFFFC000  }
.LBB2_4:
0x2f: {  	[hbm4b:s0+s2] =	stream.linear.scatter [tilespmem:s3], [sflag:$0x3], $0x40, $0x38;
	[tilespmem:$0x8C00] =	vst v63  }
0x30: {  	s0 =	smov.u32 s4;
	s3 =	smov.u32 s5;
	p0 =	sne.s32 s4, $0x7F0  }
.Ltmp1:
0x31: {  	s4 =	sadd.s32 $0x10, s4;
	(pc) =	sbr.rel @p0 .LBB2_4-.Ltmp1, $2  }
0x32: {  	_ =	sdelay $0x2  }
0x33: {  	s5 =	sadd.s32 $0x80, s5;
	s0 =	sadd.s32 s0, s7  }
0x34: {  	[hbm4b:s0+s2] =	stream.linear.scatter [tilespmem:s3], [sflag:$0x3], $0x40, $0x38;
	[tilespmem:$0x8C00] =	vst v63  }
0x35: {  	_ =	swait.ge [sflag:s1], $0x2000  }
0x36: {  	s3 =	simm.s32 $0x80;
	s4 =	simm.s32 $0x4C00;
	[sflag:s1] =	ssyncset.done $0x0  }
0x37: {  	s5 =	simm.s32 $0x180;
	s0 =	rddreg [dreg:$0x2];
	[sflag:s1] =	ssyncadd.s32 $0xFFFFE000  }
0x38: {  	[tilespmem:s4], [sflag:$0x1] =	stream.indirect.gather [hbm4b:s0+s3], $0x80, s5, s3, $0xb8;
	[tilespmem:$0x8C00] =	vst v63  }
0x39: {  	_ =	swait.ge [sflag:s25], $0x4000  }
0x3a: {  	s3 =	simm.s32 $0xC00;
	s4 =	simm.s32 $0x10;
	[sflag:s25] =	ssyncset.done $0x0  }
0x3b: {  	s0 =	sadd.s32 $0x0, s8;
	s5 =	simm.s32 $0xC80;
	[sflag:s25] =	ssyncadd.s32 $0xFFFFC000  }
.LBB2_6:
0x3c: {  	[hbm4b:s0+s2] =	stream.linear.scatter [tilespmem:s3], [sflag:$0x2], $0x40, $0x38;
	[tilespmem:$0x8C00] =	vst v63  }
0x3d: {  	s0 =	smov.u32 s4;
	s3 =	smov.u32 s5;
	p0 =	sne.s32 s4, $0x7F0  }
.Ltmp2:
0x3e: {  	s4 =	sadd.s32 $0x10, s4;
	(pc) =	sbr.rel @p0 .LBB2_6-.Ltmp2, $2  }
0x3f: {  	_ =	sdelay $0x2  }
0x40: {  	s5 =	sadd.s32 $0x80, s5;
	s0 =	sadd.s32 s0, s8  }
0x41: {  	[hbm4b:s0+s2] =	stream.linear.scatter [tilespmem:s3], [sflag:$0x2], $0x40, $0x38;
	[tilespmem:$0x8C00] =	vst v63  }
0x42: {  	s5 =	simm.s32 $0x2  }
0x43: {  	_ =	swait.ge [sflag:s5], $0x2000  }
0x44: {  	s3 =	simm.s32 $0x200;
	s4 =	simm.s32 $0x80;
	[sflag:s5] =	ssyncset.done $0x0  }
0x45: {  	s0 =	rddreg [dreg:$0x3];
	[sflag:s5] =	ssyncadd.s32 $0xFFFFE000;
	s5 =	simm.s32 $0xC00  }
0x46: {  	[tilespmem:s5], [sflag:$0x1] =	stream.indirect.gather [hbm4b:s0+s4], $0x80, s3, s4, $0xb8;
	[tilespmem:$0x8C00] =	vst v63  }
0x47: {  	_ =	swait.ge [sflag:s25], $0x4000  }
0x48: {  	s3 =	simm.s32 $0x4C00;
	s4 =	simm.s32 $0x10;
	[sflag:s25] =	ssyncset.done $0x0  }
0x49: {  	s0 =	sadd.s32 $0x0, s9;
	s5 =	simm.s32 $0x4C80;
	[sflag:s25] =	ssyncadd.s32 $0xFFFFC000  }
.LBB2_8:
0x4a: {  	[hbm4b:s0+s2] =	stream.linear.scatter [tilespmem:s3], [sflag:$0x3], $0x40, $0x38;
	[tilespmem:$0x8C00] =	vst v63  }
0x4b: {  	s0 =	smov.u32 s4;
	s3 =	smov.u32 s5;
	p0 =	sne.s32 s4, $0x7F0  }
.Ltmp3:
0x4c: {  	s4 =	sadd.s32 $0x10, s4;
	(pc) =	sbr.rel @p0 .LBB2_8-.Ltmp3, $2  }
0x4d: {  	_ =	sdelay $0x2  }
0x4e: {  	s5 =	sadd.s32 $0x80, s5;
	s0 =	sadd.s32 s0, s9  }
0x4f: {  	[hbm4b:s0+s2] =	stream.linear.scatter [tilespmem:s3], [sflag:$0x3], $0x40, $0x38;
	[tilespmem:$0x8C00] =	vst v63  }
0x50: {  	_ =	swait.ge [sflag:s1], $0x2000  }
0x51: {  	s3 =	simm.s32 $0x80;
	s4 =	simm.s32 $0x4C00;
	[sflag:s1] =	ssyncset.done $0x0  }
0x52: {  	s5 =	simm.s32 $0x280;
	s0 =	rddreg [dreg:$0x3];
	[sflag:s1] =	ssyncadd.s32 $0xFFFFE000  }
0x53: {  	[tilespmem:s4], [sflag:$0x1] =	stream.indirect.gather [hbm4b:s0+s3], $0x80, s5, s3, $0xb8;
	[tilespmem:$0x8C00] =	vst v63  }
0x54: {  	_ =	swait.ge [sflag:s25], $0x4000  }
0x55: {  	s3 =	simm.s32 $0xC00;
	s4 =	simm.s32 $0x10;
	[sflag:s25] =	ssyncset.done $0x0  }
0x56: {  	s0 =	sadd.s32 $0x0, s10;
	s5 =	simm.s32 $0xC80;
	[sflag:s25] =	ssyncadd.s32 $0xFFFFC000  }
.LBB2_10:
0x57: {  	[hbm4b:s0+s2] =	stream.linear.scatter [tilespmem:s3], [sflag:$0x2], $0x40, $0x38;
	[tilespmem:$0x8C00] =	vst v63  }
0x58: {  	s0 =	smov.u32 s4;
	s3 =	smov.u32 s5;
	p0 =	sne.s32 s4, $0x7F0  }
.Ltmp4:
0x59: {  	s4 =	sadd.s32 $0x10, s4;
	(pc) =	sbr.rel @p0 .LBB2_10-.Ltmp4, $2  }
0x5a: {  	_ =	sdelay $0x2  }
0x5b: {  	s5 =	sadd.s32 $0x80, s5;
	s0 =	sadd.s32 s0, s10  }
0x5c: {  	[hbm4b:s0+s2] =	stream.linear.scatter [tilespmem:s3], [sflag:$0x2], $0x40, $0x38;
	[tilespmem:$0x8C00] =	vst v63  }
0x5d: {  	s5 =	simm.s32 $0x2  }
0x5e: {  	_ =	swait.ge [sflag:s5], $0x2000  }
0x5f: {  	s3 =	simm.s32 $0x80;
	s4 =	simm.s32 $0xC00;
	[sflag:s5] =	ssyncset.done $0x0  }
0x60: {  	s0 =	rddreg [dreg:$0x3];
	[sflag:s5] =	ssyncadd.s32 $0xFFFFE000;
	s5 =	simm.s32 $0x300  }
0x61: {  	[tilespmem:s4], [sflag:$0x1] =	stream.indirect.gather [hbm4b:s0+s3], $0x80, s5, s3, $0xb8;
	[tilespmem:$0x8C00] =	vst v63  }
0x62: {  	_ =	swait.ge [sflag:s25], $0x4000  }
0x63: {  	s3 =	simm.s32 $0x4C00;
	s4 =	simm.s32 $0x10;
	[sflag:s25] =	ssyncset.done $0x0  }
0x64: {  	s0 =	sadd.s32 $0x0, s11;
	s5 =	simm.s32 $0x4C80;
	[sflag:s25] =	ssyncadd.s32 $0xFFFFC000  }
.LBB2_12:
0x65: {  	[hbm4b:s0+s2] =	stream.linear.scatter [tilespmem:s3], [sflag:$0x3], $0x40, $0x38;
	[tilespmem:$0x8C00] =	vst v63  }
0x66: {  	s0 =	smov.u32 s4;
	s3 =	smov.u32 s5;
	p0 =	sne.s32 s4, $0x7F0  }
.Ltmp5:
0x67: {  	s4 =	sadd.s32 $0x10, s4;
	(pc) =	sbr.rel @p0 .LBB2_12-.Ltmp5, $2  }
0x68: {  	_ =	sdelay $0x2  }
0x69: {  	s5 =	sadd.s32 $0x80, s5;
	s0 =	sadd.s32 s0, s11  }
0x6a: {  	[hbm4b:s0+s2] =	stream.linear.scatter [tilespmem:s3], [sflag:$0x3], $0x40, $0x38;
	[tilespmem:$0x8C00] =	vst v63  }
0x6b: {  	_ =	swait.ge [sflag:s1], $0x2000  }
0x6c: {  	s3 =	simm.s32 $0x80;
	s4 =	simm.s32 $0x4C00;
	[sflag:s1] =	ssyncset.done $0x0  }
0x6d: {  	s5 =	simm.s32 $0x380;
	s0 =	rddreg [dreg:$0x3];
	[sflag:s1] =	ssyncadd.s32 $0xFFFFE000  }
0x6e: {  	[tilespmem:s4], [sflag:$0x1] =	stream.indirect.gather [hbm4b:s0+s3], $0x80, s5, s3, $0xb8;
	[tilespmem:$0x8C00] =	vst v63  }
0x6f: {  	_ =	swait.ge [sflag:s25], $0x4000  }
0x70: {  	s3 =	simm.s32 $0xC00;
	s4 =	simm.s32 $0x10;
	[sflag:s25] =	ssyncset.done $0x0  }
0x71: {  	s0 =	sadd.s32 $0x0, s12;
	s5 =	simm.s32 $0xC80;
	[sflag:s25] =	ssyncadd.s32 $0xFFFFC000  }
.LBB2_14:
0x72: {  	[hbm4b:s0+s2] =	stream.linear.scatter [tilespmem:s3], [sflag:$0x2], $0x40, $0x38;
	[tilespmem:$0x8C00] =	vst v63  }
0x73: {  	s0 =	smov.u32 s4;
	s3 =	smov.u32 s5;
	p0 =	sne.s32 s4, $0x7F0  }
.Ltmp6:
0x74: {  	s4 =	sadd.s32 $0x10, s4;
	(pc) =	sbr.rel @p0 .LBB2_14-.Ltmp6, $2  }
0x75: {  	_ =	sdelay $0x2  }
0x76: {  	s5 =	sadd.s32 $0x80, s5;
	s0 =	sadd.s32 s0, s12  }
0x77: {  	[hbm4b:s0+s2] =	stream.linear.scatter [tilespmem:s3], [sflag:$0x2], $0x40, $0x38;
	[tilespmem:$0x8C00] =	vst v63  }
0x78: {  	s5 =	simm.s32 $0x2  }
0x79: {  	_ =	swait.ge [sflag:s5], $0x2000  }
0x7a: {  	s3 =	simm.s32 $0x80;
	s4 =	simm.s32 $0xC00;
	[sflag:s5] =	ssyncset.done $0x0  }
0x7b: {  	s0 =	rddreg [dreg:$0x2];
	[sflag:s5] =	ssyncadd.s32 $0xFFFFE000;
	s5 =	simm.s32 $0x400  }
0x7c: {  	[tilespmem:s4], [sflag:$0x1] =	stream.indirect.gather [hbm4b:s0+s3], $0x80, s5, s3, $0xb8;
	[tilespmem:$0x8C00] =	vst v63  }
0x7d: {  	_ =	swait.ge [sflag:s25], $0x4000  }
0x7e: {  	s3 =	simm.s32 $0x4C00;
	s4 =	simm.s32 $0x10;
	[sflag:s25] =	ssyncset.done $0x0  }
0x7f: {  	s0 =	sadd.s32 $0x0, s13;
	s5 =	simm.s32 $0x4C80;
	[sflag:s25] =	ssyncadd.s32 $0xFFFFC000  }
.LBB2_16:
0x80: {  	[hbm4b:s0+s2] =	stream.linear.scatter [tilespmem:s3], [sflag:$0x3], $0x40, $0x38;
	[tilespmem:$0x8C00] =	vst v63  }
0x81: {  	s0 =	smov.u32 s4;
	s3 =	smov.u32 s5;
	p0 =	sne.s32 s4, $0x7F0  }
.Ltmp7:
0x82: {  	s4 =	sadd.s32 $0x10, s4;
	(pc) =	sbr.rel @p0 .LBB2_16-.Ltmp7, $2  }
0x83: {  	_ =	sdelay $0x2  }
0x84: {  	s5 =	sadd.s32 $0x80, s5;
	s0 =	sadd.s32 s0, s13  }
0x85: {  	[hbm4b:s0+s2] =	stream.linear.scatter [tilespmem:s3], [sflag:$0x3], $0x40, $0x38;
	[tilespmem:$0x8C00] =	vst v63  }
0x86: {  	_ =	swait.ge [sflag:s1], $0x2000  }
0x87: {  	s3 =	simm.s32 $0x80;
	s4 =	simm.s32 $0x4C00;
	[sflag:s1] =	ssyncset.done $0x0  }
0x88: {  	s5 =	simm.s32 $0x480;
	s0 =	rddreg [dreg:$0x2];
	[sflag:s1] =	ssyncadd.s32 $0xFFFFE000  }
0x89: {  	[tilespmem:s4], [sflag:$0x1] =	stream.indirect.gather [hbm4b:s0+s3], $0x80, s5, s3, $0xb8;
	[tilespmem:$0x8C00] =	vst v63  }
0x8a: {  	_ =	swait.ge [sflag:s25], $0x4000  }
0x8b: {  	s3 =	simm.s32 $0xC40;
	s4 =	simm.s32 $0x10;
	[sflag:s25] =	ssyncset.done $0x0  }
0x8c: {  	s0 =	sadd.s32 $0x0, s14;
	s5 =	simm.s32 $0xCC0;
	[sflag:s25] =	ssyncadd.s32 $0xFFFFC000  }
.LBB2_18:
0x8d: {  	[hbm4b:s0+s2] =	stream.linear.scatter [tilespmem:s3], [sflag:$0x2], $0x40, $0x38;
	[tilespmem:$0x8C00] =	vst v63  }
0x8e: {  	s0 =	smov.u32 s4;
	s3 =	smov.u32 s5;
	p0 =	sne.s32 s4, $0x7F0  }
.Ltmp8:
0x8f: {  	s4 =	sadd.s32 $0x10, s4;
	(pc) =	sbr.rel @p0 .LBB2_18-.Ltmp8, $2  }
0x90: {  	_ =	sdelay $0x2  }
0x91: {  	s5 =	sadd.s32 $0x80, s5;
	s0 =	sadd.s32 s0, s14  }
0x92: {  	[hbm4b:s0+s2] =	stream.linear.scatter [tilespmem:s3], [sflag:$0x2], $0x40, $0x38;
	[tilespmem:$0x8C00] =	vst v63  }
0x93: {  	s5 =	simm.s32 $0x2  }
0x94: {  	_ =	swait.ge [sflag:s5], $0x2000  }
0x95: {  	s3 =	simm.s32 $0x80;
	s4 =	simm.s32 $0xC00;
	[sflag:s5] =	ssyncset.done $0x0  }
0x96: {  	s0 =	rddreg [dreg:$0x2];
	[sflag:s5] =	ssyncadd.s32 $0xFFFFE000;
	s5 =	simm.s32 $0x500  }
0x97: {  	[tilespmem:s4], [sflag:$0x1] =	stream.indirect.gather [hbm4b:s0+s3], $0x80, s5, s3, $0xb8;
	[tilespmem:$0x8C00] =	vst v63  }
0x98: {  	_ =	swait.ge [sflag:s25], $0x4000  }
0x99: {  	s3 =	simm.s32 $0x4C40;
	s4 =	simm.s32 $0x10;
	[sflag:s25] =	ssyncset.done $0x0  }
0x9a: {  	s0 =	sadd.s32 $0x0, s15;
	s5 =	simm.s32 $0x4CC0;
	[sflag:s25] =	ssyncadd.s32 $0xFFFFC000  }
.LBB2_20:
0x9b: {  	[hbm4b:s0+s2] =	stream.linear.scatter [tilespmem:s3], [sflag:$0x3], $0x40, $0x38;
	[tilespmem:$0x8C00] =	vst v63  }
0x9c: {  	s0 =	smov.u32 s4;
	s3 =	smov.u32 s5;
	p0 =	sne.s32 s4, $0x7F0  }
.Ltmp9:
0x9d: {  	s4 =	sadd.s32 $0x10, s4;
	(pc) =	sbr.rel @p0 .LBB2_20-.Ltmp9, $2  }
0x9e: {  	_ =	sdelay $0x2  }
0x9f: {  	s5 =	sadd.s32 $0x80, s5;
	s0 =	sadd.s32 s0, s15  }
0xa0: {  	[hbm4b:s0+s2] =	stream.linear.scatter [tilespmem:s3], [sflag:$0x3], $0x40, $0x38;
	[tilespmem:$0x8C00] =	vst v63  }
0xa1: {  	_ =	swait.ge [sflag:s1], $0x2000  }
0xa2: {  	s3 =	simm.s32 $0x80;
	s4 =	simm.s32 $0x4C00;
	[sflag:s1] =	ssyncset.done $0x0  }
0xa3: {  	s5 =	simm.s32 $0x580;
	s0 =	rddreg [dreg:$0x2];
	[sflag:s1] =	ssyncadd.s32 $0xFFFFE000  }
0xa4: {  	[tilespmem:s4], [sflag:$0x1] =	stream.indirect.gather [hbm4b:s0+s3], $0x80, s5, s3, $0xb8;
	[tilespmem:$0x8C00] =	vst v63  }
0xa5: {  	_ =	swait.ge [sflag:s25], $0x4000  }
0xa6: {  	s3 =	simm.s32 $0xC40;
	s4 =	simm.s32 $0x10;
	[sflag:s25] =	ssyncset.done $0x0  }
0xa7: {  	s0 =	sadd.s32 $0x0, s16;
	s5 =	simm.s32 $0xCC0;
	[sflag:s25] =	ssyncadd.s32 $0xFFFFC000  }
.LBB2_22:
0xa8: {  	[hbm4b:s0+s2] =	stream.linear.scatter [tilespmem:s3], [sflag:$0x2], $0x40, $0x38;
	[tilespmem:$0x8C00] =	vst v63  }
0xa9: {  	s0 =	smov.u32 s4;
	s3 =	smov.u32 s5;
	p0 =	sne.s32 s4, $0x7F0  }
.Ltmp10:
0xaa: {  	s4 =	sadd.s32 $0x10, s4;
	(pc) =	sbr.rel @p0 .LBB2_22-.Ltmp10, $2  }
0xab: {  	_ =	sdelay $0x2  }
0xac: {  	s5 =	sadd.s32 $0x80, s5;
	s0 =	sadd.s32 s0, s16  }
0xad: {  	[hbm4b:s0+s2] =	stream.linear.scatter [tilespmem:s3], [sflag:$0x2], $0x40, $0x38;
	[tilespmem:$0x8C00] =	vst v63  }
0xae: {  	s5 =	simm.s32 $0x2  }
0xaf: {  	_ =	swait.ge [sflag:s5], $0x2000  }
0xb0: {  	s3 =	simm.s32 $0x80;
	s4 =	simm.s32 $0xC00;
	[sflag:s5] =	ssyncset.done $0x0  }
0xb1: {  	s0 =	rddreg [dreg:$0x2];
	[sflag:s5] =	ssyncadd.s32 $0xFFFFE000;
	s5 =	simm.s32 $0x600  }
0xb2: {  	[tilespmem:s4], [sflag:$0x1] =	stream.indirect.gather [hbm4b:s0+s3], $0x80, s5, s3, $0xb8;
	[tilespmem:$0x8C00] =	vst v63  }
0xb3: {  	_ =	swait.ge [sflag:s25], $0x4000  }
0xb4: {  	s3 =	simm.s32 $0x4C40;
	s4 =	simm.s32 $0x10;
	[sflag:s25] =	ssyncset.done $0x0  }
0xb5: {  	s0 =	sadd.s32 $0x0, s17;
	s5 =	simm.s32 $0x4CC0;
	[sflag:s25] =	ssyncadd.s32 $0xFFFFC000  }
.LBB2_24:
0xb6: {  	[hbm4b:s0+s2] =	stream.linear.scatter [tilespmem:s3], [sflag:$0x3], $0x40, $0x38;
	[tilespmem:$0x8C00] =	vst v63  }
0xb7: {  	s0 =	smov.u32 s4;
	s3 =	smov.u32 s5;
	p0 =	sne.s32 s4, $0x7F0  }
.Ltmp11:
0xb8: {  	s4 =	sadd.s32 $0x10, s4;
	(pc) =	sbr.rel @p0 .LBB2_24-.Ltmp11, $2  }
0xb9: {  	_ =	sdelay $0x2  }
0xba: {  	s5 =	sadd.s32 $0x80, s5;
	s0 =	sadd.s32 s0, s17  }
0xbb: {  	[hbm4b:s0+s2] =	stream.linear.scatter [tilespmem:s3], [sflag:$0x3], $0x40, $0x38;
	[tilespmem:$0x8C00] =	vst v63  }
0xbc: {  	_ =	swait.ge [sflag:s1], $0x2000  }
0xbd: {  	s3 =	simm.s32 $0x80;
	s4 =	simm.s32 $0x4C00;
	[sflag:s1] =	ssyncset.done $0x0  }
0xbe: {  	s5 =	simm.s32 $0x680;
	s0 =	rddreg [dreg:$0x2];
	[sflag:s1] =	ssyncadd.s32 $0xFFFFE000  }
0xbf: {  	[tilespmem:s4], [sflag:$0x1] =	stream.indirect.gather [hbm4b:s0+s3], $0x80, s5, s3, $0xb8;
	[tilespmem:$0x8C00] =	vst v63  }
0xc0: {  	_ =	swait.ge [sflag:s25], $0x4000  }
0xc1: {  	s3 =	simm.s32 $0xC40;
	s4 =	simm.s32 $0x10;
	[sflag:s25] =	ssyncset.done $0x0  }
0xc2: {  	s0 =	sadd.s32 $0x0, s18;
	s5 =	simm.s32 $0xCC0;
	[sflag:s25] =	ssyncadd.s32 $0xFFFFC000  }
.LBB2_26:
0xc3: {  	[hbm4b:s0+s2] =	stream.linear.scatter [tilespmem:s3], [sflag:$0x2], $0x40, $0x38;
	[tilespmem:$0x8C00] =	vst v63  }
0xc4: {  	s0 =	smov.u32 s4;
	s3 =	smov.u32 s5;
	p0 =	sne.s32 s4, $0x7F0  }
.Ltmp12:
0xc5: {  	s4 =	sadd.s32 $0x10, s4;
	(pc) =	sbr.rel @p0 .LBB2_26-.Ltmp12, $2  }
0xc6: {  	_ =	sdelay $0x2  }
0xc7: {  	s5 =	sadd.s32 $0x80, s5;
	s0 =	sadd.s32 s0, s18  }
0xc8: {  	[hbm4b:s0+s2] =	stream.linear.scatter [tilespmem:s3], [sflag:$0x2], $0x40, $0x38;
	[tilespmem:$0x8C00] =	vst v63  }
0xc9: {  	s5 =	simm.s32 $0x2  }
0xca: {  	_ =	swait.ge [sflag:s5], $0x2000  }
0xcb: {  	s3 =	simm.s32 $0x80;
	s4 =	simm.s32 $0xC00;
	[sflag:s5] =	ssyncset.done $0x0  }
0xcc: {  	s0 =	rddreg [dreg:$0x2];
	[sflag:s5] =	ssyncadd.s32 $0xFFFFE000;
	s5 =	simm.s32 $0x700  }
0xcd: {  	[tilespmem:s4], [sflag:$0x1] =	stream.indirect.gather [hbm4b:s0+s3], $0x80, s5, s3, $0xb8;
	[tilespmem:$0x8C00] =	vst v63  }
0xce: {  	_ =	swait.ge [sflag:s25], $0x4000  }
0xcf: {  	s3 =	simm.s32 $0x4C40;
	s4 =	simm.s32 $0x10;
	[sflag:s25] =	ssyncset.done $0x0  }
0xd0: {  	s0 =	sadd.s32 $0x0, s19;
	s5 =	simm.s32 $0x4CC0;
	[sflag:s25] =	ssyncadd.s32 $0xFFFFC000  }
.LBB2_28:
0xd1: {  	[hbm4b:s0+s2] =	stream.linear.scatter [tilespmem:s3], [sflag:$0x3], $0x40, $0x38;
	[tilespmem:$0x8C00] =	vst v63  }
0xd2: {  	s0 =	smov.u32 s4;
	s3 =	smov.u32 s5;
	p0 =	sne.s32 s4, $0x7F0  }
.Ltmp13:
0xd3: {  	s4 =	sadd.s32 $0x10, s4;
	(pc) =	sbr.rel @p0 .LBB2_28-.Ltmp13, $2  }
0xd4: {  	_ =	sdelay $0x2  }
0xd5: {  	s5 =	sadd.s32 $0x80, s5;
	s0 =	sadd.s32 s0, s19  }
0xd6: {  	[hbm4b:s0+s2] =	stream.linear.scatter [tilespmem:s3], [sflag:$0x3], $0x40, $0x38;
	[tilespmem:$0x8C00] =	vst v63  }
0xd7: {  	_ =	swait.ge [sflag:s1], $0x2000  }
0xd8: {  	s3 =	simm.s32 $0x80;
	s4 =	simm.s32 $0x4C00;
	[sflag:s1] =	ssyncset.done $0x0  }
0xd9: {  	s5 =	simm.s32 $0x780;
	s0 =	rddreg [dreg:$0x2];
	[sflag:s1] =	ssyncadd.s32 $0xFFFFE000  }
0xda: {  	[tilespmem:s4], [sflag:$0x1] =	stream.indirect.gather [hbm4b:s0+s3], $0x80, s5, s3, $0xb8;
	[tilespmem:$0x8C00] =	vst v63  }
0xdb: {  	_ =	swait.ge [sflag:s25], $0x4000  }
0xdc: {  	s3 =	simm.s32 $0xC40;
	s4 =	simm.s32 $0x10;
	[sflag:s25] =	ssyncset.done $0x0  }
0xdd: {  	s0 =	sadd.s32 $0x0, s24;
	s5 =	simm.s32 $0xCC0;
	[sflag:s25] =	ssyncadd.s32 $0xFFFFC000  }
.LBB2_30:
0xde: {  	[hbm4b:s0+s2] =	stream.linear.scatter [tilespmem:s3], [sflag:$0x2], $0x40, $0x38;
	[tilespmem:$0x8C00] =	vst v63  }
0xdf: {  	s0 =	smov.u32 s4;
	s3 =	smov.u32 s5;
	p0 =	sne.s32 s4, $0x7F0  }
.Ltmp14:
0xe0: {  	s4 =	sadd.s32 $0x10, s4;
	(pc) =	sbr.rel @p0 .LBB2_30-.Ltmp14, $2  }
0xe1: {  	_ =	sdelay $0x2  }
0xe2: {  	s5 =	sadd.s32 $0x80, s5;
	s0 =	sadd.s32 s0, s24  }
0xe3: {  	[hbm4b:s0+s2] =	stream.linear.scatter [tilespmem:s3], [sflag:$0x2], $0x40, $0x38;
	[tilespmem:$0x8C00] =	vst v63  }
0xe4: {  	s5 =	simm.s32 $0x2  }
0xe5: {  	_ =	swait.ge [sflag:s5], $0x2000  }
0xe6: {  	s3 =	simm.s32 $0x80;
	s4 =	simm.s32 $0xC00;
	[sflag:s5] =	ssyncset.done $0x0  }
0xe7: {  	s0 =	rddreg [dreg:$0x3];
	[sflag:s5] =	ssyncadd.s32 $0xFFFFE000;
	s5 =	simm.s32 $0x800  }
0xe8: {  	[tilespmem:s4], [sflag:$0x1] =	stream.indirect.gather [hbm4b:s0+s3], $0x80, s5, s3, $0xb8;
	[tilespmem:$0x8C00] =	vst v63  }
0xe9: {  	_ =	swait.ge [sflag:s25], $0x4000  }
0xea: {  	s3 =	simm.s32 $0x4C40;
	s4 =	simm.s32 $0x10;
	[sflag:s25] =	ssyncset.done $0x0  }
0xeb: {  	s0 =	sadd.s32 $0x0, s26;
	s5 =	simm.s32 $0x4CC0;
	[sflag:s25] =	ssyncadd.s32 $0xFFFFC000  }
.LBB2_32:
0xec: {  	[hbm4b:s0+s2] =	stream.linear.scatter [tilespmem:s3], [sflag:$0x3], $0x40, $0x38;
	[tilespmem:$0x8C00] =	vst v63  }
0xed: {  	s0 =	smov.u32 s4;
	s3 =	smov.u32 s5;
	p0 =	sne.s32 s4, $0x7F0  }
.Ltmp15:
0xee: {  	s4 =	sadd.s32 $0x10, s4;
	(pc) =	sbr.rel @p0 .LBB2_32-.Ltmp15, $2  }
0xef: {  	_ =	sdelay $0x2  }
0xf0: {  	s5 =	sadd.s32 $0x80, s5;
	s0 =	sadd.s32 s0, s26  }
0xf1: {  	[hbm4b:s0+s2] =	stream.linear.scatter [tilespmem:s3], [sflag:$0x3], $0x40, $0x38;
	[tilespmem:$0x8C00] =	vst v63  }
0xf2: {  	_ =	swait.ge [sflag:s1], $0x2000  }
0xf3: {  	s3 =	simm.s32 $0x80;
	s4 =	simm.s32 $0x4C00;
	[sflag:s1] =	ssyncset.done $0x0  }
0xf4: {  	s5 =	simm.s32 $0x880;
	s0 =	rddreg [dreg:$0x3];
	[sflag:s1] =	ssyncadd.s32 $0xFFFFE000  }
0xf5: {  	[tilespmem:s4], [sflag:$0x1] =	stream.indirect.gather [hbm4b:s0+s3], $0x80, s5, s3, $0xb8;
	[tilespmem:$0x8C00] =	vst v63  }
0xf6: {  	_ =	swait.ge [sflag:s25], $0x4000  }
0xf7: {  	s3 =	simm.s32 $0xC40;
	s4 =	simm.s32 $0x10;
	[sflag:s25] =	ssyncset.done $0x0  }
0xf8: {  	s0 =	sadd.s32 $0x0, s20;
	s5 =	simm.s32 $0xCC0;
	[sflag:s25] =	ssyncadd.s32 $0xFFFFC000  }
.LBB2_34:
0xf9: {  	[hbm4b:s0+s2] =	stream.linear.scatter [tilespmem:s3], [sflag:$0x2], $0x40, $0x38;
	[tilespmem:$0x8C00] =	vst v63  }
0xfa: {  	s0 =	smov.u32 s4;
	s3 =	smov.u32 s5;
	p0 =	sne.s32 s4, $0x7F0  }
.Ltmp16:
0xfb: {  	s4 =	sadd.s32 $0x10, s4;
	(pc) =	sbr.rel @p0 .LBB2_34-.Ltmp16, $2  }
0xfc: {  	_ =	sdelay $0x2  }
0xfd: {  	s5 =	sadd.s32 $0x80, s5;
	s0 =	sadd.s32 s0, s20  }
0xfe: {  	[hbm4b:s0+s2] =	stream.linear.scatter [tilespmem:s3], [sflag:$0x2], $0x40, $0x38;
	[tilespmem:$0x8C00] =	vst v63  }
0xff: {  	s5 =	simm.s32 $0x2  }
0x100: {  	_ =	swait.ge [sflag:s5], $0x2000  }
0x101: {  	s3 =	simm.s32 $0x80;
	s4 =	simm.s32 $0xC00;
	[sflag:s5] =	ssyncset.done $0x0  }
0x102: {  	s0 =	rddreg [dreg:$0x3];
	[sflag:s5] =	ssyncadd.s32 $0xFFFFE000;
	s5 =	simm.s32 $0x900  }
0x103: {  	[tilespmem:s4], [sflag:$0x1] =	stream.indirect.gather [hbm4b:s0+s3], $0x80, s5, s3, $0xb8;
	[tilespmem:$0x8C00] =	vst v63  }
0x104: {  	_ =	swait.ge [sflag:s25], $0x4000  }
0x105: {  	s3 =	simm.s32 $0x4C40;
	s4 =	simm.s32 $0x10;
	[sflag:s25] =	ssyncset.done $0x0  }
0x106: {  	s0 =	sadd.s32 $0x0, s21;
	s5 =	simm.s32 $0x4CC0;
	[sflag:s25] =	ssyncadd.s32 $0xFFFFC000  }
.LBB2_36:
0x107: {  	[hbm4b:s0+s2] =	stream.linear.scatter [tilespmem:s3], [sflag:$0x3], $0x40, $0x38;
	[tilespmem:$0x8C00] =	vst v63  }
0x108: {  	s0 =	smov.u32 s4;
	s3 =	smov.u32 s5;
	p0 =	sne.s32 s4, $0x7F0  }
.Ltmp17:
0x109: {  	s4 =	sadd.s32 $0x10, s4;
	(pc) =	sbr.rel @p0 .LBB2_36-.Ltmp17, $2  }
0x10a: {  	_ =	sdelay $0x2  }
0x10b: {  	s5 =	sadd.s32 $0x80, s5;
	s0 =	sadd.s32 s0, s21  }
0x10c: {  	[hbm4b:s0+s2] =	stream.linear.scatter [tilespmem:s3], [sflag:$0x3], $0x40, $0x38;
	[tilespmem:$0x8C00] =	vst v63  }
0x10d: {  	_ =	swait.ge [sflag:s1], $0x2000  }
0x10e: {  	s3 =	simm.s32 $0x80;
	s4 =	simm.s32 $0x4C00;
	[sflag:s1] =	ssyncset.done $0x0  }
0x10f: {  	s5 =	simm.s32 $0x980;
	s0 =	rddreg [dreg:$0x3];
	[sflag:s1] =	ssyncadd.s32 $0xFFFFE000  }
0x110: {  	[tilespmem:s4], [sflag:$0x1] =	stream.indirect.gather [hbm4b:s0+s3], $0x80, s5, s3, $0xb8;
	[tilespmem:$0x8C00] =	vst v63  }
0x111: {  	_ =	swait.ge [sflag:s25], $0x4000  }
0x112: {  	s3 =	simm.s32 $0xC40;
	s4 =	simm.s32 $0x10;
	[sflag:s25] =	ssyncset.done $0x0  }
0x113: {  	s0 =	sadd.s32 $0x0, s22;
	s5 =	simm.s32 $0xCC0;
	[sflag:s25] =	ssyncadd.s32 $0xFFFFC000  }
.LBB2_38:
0x114: {  	[hbm4b:s0+s2] =	stream.linear.scatter [tilespmem:s3], [sflag:$0x2], $0x40, $0x38;
	[tilespmem:$0x8C00] =	vst v63  }
0x115: {  	s0 =	smov.u32 s4;
	s3 =	smov.u32 s5;
	p0 =	sne.s32 s4, $0x7F0  }
.Ltmp18:
0x116: {  	s4 =	sadd.s32 $0x10, s4;
	(pc) =	sbr.rel @p0 .LBB2_38-.Ltmp18, $2  }
0x117: {  	_ =	sdelay $0x2  }
0x118: {  	s5 =	sadd.s32 $0x80, s5;
	s0 =	sadd.s32 s0, s22  }
0x119: {  	[hbm4b:s0+s2] =	stream.linear.scatter [tilespmem:s3], [sflag:$0x2], $0x40, $0x38;
	[tilespmem:$0x8C00] =	vst v63  }
0x11a: {  	s5 =	simm.s32 $0x2  }
0x11b: {  	_ =	swait.ge [sflag:s5], $0x2000  }
0x11c: {  	s3 =	simm.s32 $0x80;
	s4 =	simm.s32 $0xC00;
	[sflag:s5] =	ssyncset.done $0x0  }
0x11d: {  	s0 =	rddreg [dreg:$0x3];
	[sflag:s5] =	ssyncadd.s32 $0xFFFFE000;
	s5 =	simm.s32 $0xA00  }
0x11e: {  	[tilespmem:s4], [sflag:$0x1] =	stream.indirect.gather [hbm4b:s0+s3], $0x80, s5, s3, $0xb8;
	[tilespmem:$0x8C00] =	vst v63  }
0x11f: {  	_ =	swait.ge [sflag:s25], $0x4000  }
0x120: {  	s3 =	simm.s32 $0x4C40;
	s4 =	simm.s32 $0x10;
	[sflag:s25] =	ssyncset.done $0x0  }
0x121: {  	s0 =	sadd.s32 $0x0, s23;
	s5 =	simm.s32 $0x4CC0;
	[sflag:s25] =	ssyncadd.s32 $0xFFFFC000  }
.LBB2_40:
0x122: {  	[hbm4b:s0+s2] =	stream.linear.scatter [tilespmem:s3], [sflag:$0x3], $0x40, $0x38;
	[tilespmem:$0x8C00] =	vst v63  }
0x123: {  	s0 =	smov.u32 s4;
	s3 =	smov.u32 s5;
	p0 =	sne.s32 s4, $0x7F0  }
.Ltmp19:
0x124: {  	s4 =	sadd.s32 $0x10, s4;
	(pc) =	sbr.rel @p0 .LBB2_40-.Ltmp19, $2  }
0x125: {  	_ =	sdelay $0x2  }
0x126: {  	s5 =	sadd.s32 $0x80, s5;
	s0 =	sadd.s32 s0, s23  }
0x127: {  	[hbm4b:s0+s2] =	stream.linear.scatter [tilespmem:s3], [sflag:$0x3], $0x40, $0x38;
	[tilespmem:$0x8C00] =	vst v63  }
0x128: {  	_ =	swait.ge [sflag:s1], $0x2000  }
0x129: {  	s3 =	simm.s32 $0x80;
	s4 =	simm.s32 $0x4C00;
	[sflag:s1] =	ssyncset.done $0x0  }
0x12a: {  	s5 =	simm.s32 $0xA80;
	s0 =	rddreg [dreg:$0x3];
	[sflag:s1] =	ssyncadd.s32 $0xFFFFE000  }
0x12b: {  	[tilespmem:s4], [sflag:$0x1] =	stream.indirect.gather [hbm4b:s0+s3], $0x80, s5, s3, $0xb8;
	[tilespmem:$0x8C00] =	vst v63  }
0x12c: {  	_ =	swait.ge [sflag:s25], $0x4000  }
0x12d: {  	s3 =	simm.s32 $0xC40;
	s4 =	simm.s32 $0x10;
	[sflag:s25] =	ssyncset.done $0x0  }
0x12e: {  	s0 =	sadd.s32 $0x0, s28;
	s5 =	simm.s32 $0xCC0;
	[sflag:s25] =	ssyncadd.s32 $0xFFFFC000  }
.LBB2_42:
0x12f: {  	[hbm4b:s0+s2] =	stream.linear.scatter [tilespmem:s3], [sflag:$0x2], $0x40, $0x38;
	[tilespmem:$0x8C00] =	vst v63  }
0x130: {  	s0 =	smov.u32 s4;
	s3 =	smov.u32 s5;
	p0 =	sne.s32 s4, $0x7F0  }
.Ltmp20:
0x131: {  	s4 =	sadd.s32 $0x10, s4;
	(pc) =	sbr.rel @p0 .LBB2_42-.Ltmp20, $2  }
0x132: {  	_ =	sdelay $0x2  }
0x133: {  	s5 =	sadd.s32 $0x80, s5;
	s0 =	sadd.s32 s0, s28  }
0x134: {  	[hbm4b:s0+s2] =	stream.linear.scatter [tilespmem:s3], [sflag:$0x2], $0x40, $0x38;
	[tilespmem:$0x8C00] =	vst v63  }
0x135: {  	s5 =	simm.s32 $0x2  }
0x136: {  	_ =	swait.ge [sflag:s5], $0x2000  }
0x137: {  	s3 =	simm.s32 $0x80;
	s4 =	simm.s32 $0xC00;
	[sflag:s5] =	ssyncset.done $0x0  }
0x138: {  	s0 =	rddreg [dreg:$0x3];
	[sflag:s5] =	ssyncadd.s32 $0xFFFFE000;
	s5 =	simm.s32 $0xB00  }
0x139: {  	[tilespmem:s4], [sflag:$0x1] =	stream.indirect.gather [hbm4b:s0+s3], $0x80, s5, s3, $0xb8;
	[tilespmem:$0x8C00] =	vst v63  }
0x13a: {  	_ =	swait.ge [sflag:s25], $0x4000  }
0x13b: {  	s3 =	simm.s32 $0x4C40;
	s4 =	simm.s32 $0x10;
	[sflag:s25] =	ssyncset.done $0x0  }
0x13c: {  	s0 =	sadd.s32 $0x0, s29;
	s5 =	simm.s32 $0x4CC0;
	[sflag:s25] =	ssyncadd.s32 $0xFFFFC000  }
.LBB2_44:
0x13d: {  	[hbm4b:s0+s2] =	stream.linear.scatter [tilespmem:s3], [sflag:$0x3], $0x40, $0x38;
	[tilespmem:$0x8C00] =	vst v63  }
0x13e: {  	s0 =	smov.u32 s4;
	s3 =	smov.u32 s5;
	p0 =	sne.s32 s4, $0x7F0  }
.Ltmp21:
0x13f: {  	s4 =	sadd.s32 $0x10, s4;
	(pc) =	sbr.rel @p0 .LBB2_44-.Ltmp21, $2  }
0x140: {  	_ =	sdelay $0x2  }
0x141: {  	s5 =	sadd.s32 $0x80, s5;
	s0 =	sadd.s32 s0, s29  }
0x142: {  	[hbm4b:s0+s2] =	stream.linear.scatter [tilespmem:s3], [sflag:$0x3], $0x40, $0x38;
	[tilespmem:$0x8C00] =	vst v63  }
0x143: {  	_ =	swait.ge [sflag:s1], $0x2000  }
0x144: {  	s3 =	simm.s32 $0x80;
	s4 =	simm.s32 $0x4C00;
	[sflag:s1] =	ssyncset.done $0x0  }
0x145: {  	s5 =	simm.s32 $0xB80;
	s0 =	rddreg [dreg:$0x3];
	[sflag:s1] =	ssyncadd.s32 $0xFFFFE000  }
0x146: {  	[tilespmem:s4], [sflag:$0x1] =	stream.indirect.gather [hbm4b:s0+s3], $0x80, s5, s3, $0xb8;
	[tilespmem:$0x8C00] =	vst v63  }
0x147: {  	_ =	swait.ge [sflag:s25], $0x4000  }
0x148: {  	s3 =	simm.s32 $0xC40;
	s4 =	simm.s32 $0x10;
	[sflag:s25] =	ssyncset.done $0x0  }
0x149: {  	s0 =	sadd.s32 $0x0, s30;
	s5 =	simm.s32 $0xCC0;
	[sflag:s25] =	ssyncadd.s32 $0xFFFFC000  }
.LBB2_46:
0x14a: {  	[hbm4b:s0+s2] =	stream.linear.scatter [tilespmem:s3], [sflag:$0x2], $0x40, $0x38;
	[tilespmem:$0x8C00] =	vst v63  }
0x14b: {  	s0 =	smov.u32 s4;
	s3 =	smov.u32 s5;
	p0 =	sne.s32 s4, $0x7F0  }
.Ltmp22:
0x14c: {  	s4 =	sadd.s32 $0x10, s4;
	(pc) =	sbr.rel @p0 .LBB2_46-.Ltmp22, $2  }
0x14d: {  	_ =	sdelay $0x2  }
0x14e: {  	s5 =	sadd.s32 $0x80, s5;
	s0 =	sadd.s32 s0, s30  }
0x14f: {  	[hbm4b:s0+s2] =	stream.linear.scatter [tilespmem:s3], [sflag:$0x2], $0x40, $0x38;
	[tilespmem:$0x8C00] =	vst v63  }
0x150: {  	_ =	swait.ge [sflag:s25], $0x4000  }
0x151: {  	s3 =	simm.s32 $0x4C40;
	s4 =	simm.s32 $0x10;
	[sflag:s25] =	ssyncset.done $0x0  }
0x152: {  	s0 =	sadd.s32 $0x0, s31;
	s5 =	simm.s32 $0x4CC0;
	[sflag:s25] =	ssyncadd.s32 $0xFFFFC000  }
.LBB2_48:
0x153: {  	[hbm4b:s0+s2] =	stream.linear.scatter [tilespmem:s3], [sflag:$0x3], $0x40, $0x38;
	[tilespmem:$0x8C00] =	vst v63  }
0x154: {  	s0 =	smov.u32 s4;
	s3 =	smov.u32 s5;
	p0 =	sne.s32 s4, $0x7F0  }
.Ltmp23:
0x155: {  	s4 =	sadd.s32 $0x10, s4;
	(pc) =	sbr.rel @p0 .LBB2_48-.Ltmp23, $2  }
0x156: {  	_ =	sdelay $0x2  }
0x157: {  	s5 =	sadd.s32 $0x80, s5;
	s0 =	sadd.s32 s0, s31  }
0x158: {  	[hbm4b:s0+s2] =	stream.linear.scatter [tilespmem:s3], [sflag:$0x3], $0x40, $0x38;
	[tilespmem:$0x8C00] =	vst v63  }
0x159: {  	s3 =	simm.s32 $0x2  }
0x15a: {  	_ =	swait.ge [sflag:s3], $0x2000  }
0x15b: {  	[sflag:s3] =	ssyncset.done $0x0  }
0x15c: {  	[sflag:s3] =	ssyncadd.s32 $0xFFFFE000  }
0x15d: {  	_ =	swait.ge [sflag:s1], $0x2000  }
0x15e: {  	s4 =	rddreg [dreg:$0x6]  }
0x15f: {  	s5 =	rddreg [dreg:$0x5];
	s3 =	sadd.s32 $0x1, s4  }
0x160: {  	p0 =	sne.s32 s3, s5  }
.Ltmp24:
0x161: {  	_ = 	snop;
	(pc) =	sbr.rel @p0 .LBB2_1-.Ltmp24, $3  }
0x162: {  	_ =	sdelay $0x1  }
0x163: {  	[sflag:s1] =	ssyncset.done $0x0  }
0x164: {  	[sflag:s1] =	ssyncadd.s32 $0xFFFFE000  }
0x165: {  	_ =	sfence.sel $0x180000  }
0x166: {  	[bflag:$0x0] =	sbarrier.arrive $0xFFFF  }
0x167: {  	_ =	strace $0x90000047  }
0x168: {  	s0 =	stileid.u32;
	[bflag:$0x2] =	sbarrier.arrive $0xFFFF  }
0x169: {  	p0 =	sne.s32 s0, $0x0;
	s0 =	rddreg [dreg:$0x1]  }
0x16a: {  	s0 =	sadd.s32 @!p0 $0x100000, s0  }
0x16b: {  	[sflag:s0] =	ssyncadd.tile.s32 @!p0 $0x1;
	_ =	shalt  }
.Lfunc_end2:
_tile_overlayer_lowered:
.L_overlay_start_2:
0x16c: {  	(tag) =	ssettag $0x2  }
0x16d: {  	s0 =	rddreg [dreg:$0x0];
	s2 =	stileid.u32  }
0x16e: {  	s1 =	rddreg [dreg:$0x1];
	p0 =	sne.s32 s2, $0x0  }
0x16f: {  	s3 =	rddreg [dreg:$0x2];
	[bflag:$0x3] =	sbarrier.arrive $0xFFFF;
	s2 =	simm.s32 @!p0 $0x1C04  }
0x170: {  	[timem:s3], [sflag:s2] =	dma.local @!p0 [hbm:s0], s1  }
0x171: {  	s0 =	simm.s32 @!p0 $0x4  }
0x172: {  	_ =	swait.ge @!p0 [sflag:s0], s1  }
0x173: {  	s1 =	ssub.s32 @!p0 $0x0, s1;
	[sflag:s0] =	ssyncset.done @!p0 $0x0  }
0x174: {  	[sflag:s0] =	ssyncadd.s32 @!p0 s1  }
0x175: {  	[bflag:$0x3] =	sbarrier.arrive $0xFFFF  }
0x176: {  	_ =	shalt  }

</sc_bundles>
